<compile_context>
chip_gen: v7x
topology: tpu7x:2x2x1
jax: 0.10.2.dev20260603
libtpu: 0.0.44.dev20260713+nightly
codegen_flags: <defaults>
</compile_context>

<pallas_src>
import functools

import jax
import jax.numpy as jnp
from jax import lax
from jax.experimental import pallas as pl
from jax.experimental.pallas import tpu as pltpu
from jax.experimental.pallas import tpu_sc as plsc

IV = 16
EV = 16
SQ = 4
P1 = 256
EF = 32
BASE = 128
BEMB = 128
H1 = 256
H2 = 128
T = 211
B = 128
PHI = 0.1
D_ALL = P1 + BEMB

CB = 16
NSTEP = B // CB


_SC_ROWS = IV * 5
_SC_W = _SC_ROWS // 8


_SC_D = 128


def _sc_gather_body(table_hbm, idx_hbm, out_hbm, idx_v, rows_v, sem):
    wid = lax.axis_index("s") * 2 + lax.axis_index("c")

    @pl.when(wid < _SC_W)
    def _():
        base = wid * 8
        pltpu.sync_copy(idx_hbm.at[pl.ds(base, 8)], idx_v)
        pltpu.async_copy(table_hbm.at[idx_v], rows_v, sem).wait()
        pltpu.sync_copy(rows_v, out_hbm.at[pl.ds(base, 8)])


def _sc_gather(emb_pad, idx_flat):
    mesh = plsc.VectorSubcoreMesh(core_axis_name="c", subcore_axis_name="s")
    k = functools.partial(
        pl.kernel,
        mesh=mesh,
        out_type=jax.ShapeDtypeStruct((_SC_ROWS, _SC_D), jnp.float32),
        scratch_types=[
            pltpu.VMEM((8,), jnp.int32),
            pltpu.VMEM((8, _SC_D), jnp.float32),
            pltpu.SemaphoreType.DMA,
        ],
    )(_sc_gather_body)
    return k(emb_pad, idx_flat)


def _prep_work(ef_ref, fe_w_ref, fe_b_ref, cw2_ref,
               v2_ref, wx3_ref, t2_ref, wt3_ref, wxb_ref, wtb_ref,
               u_ref, axat_ref, bias_ref):
    blocks = [ef_ref[pl.ds(q * IV, IV), :EF] for q in range(5)]
    ef_flat = jnp.concatenate(blocks, axis=1)
    F = jnp.dot(ef_flat, fe_w_ref[...],
                preferred_element_type=jnp.float32) + fe_b_ref[...]
    f_row = jnp.concatenate([F[i:i + 1, :] for i in range(IV)], axis=1)
    f_col = jax.lax.dot_general(f_row, jnp.ones((1, 1), jnp.float32),
                                (((0,), (0,)), ((), ())),
                                preferred_element_type=jnp.float32)
    r768 = jax.lax.broadcasted_iota(jnp.int32, (3 * P1, P1), 0)
    c256 = jax.lax.broadcasted_iota(jnp.int32, (3 * P1, P1), 1)
    G = (c256 == r768 // 3).astype(jnp.float32)
    fbig = jnp.dot(G, f_col, preferred_element_type=jnp.float32)
    k3 = jax.lax.broadcasted_iota(jnp.int32, (3 * P1, 3), 1)
    r3 = jax.lax.broadcasted_iota(jnp.int32, (3 * P1, 3), 0)
    S = fbig * (k3 == r3 % 3).astype(jnp.float32)
    u_ref[...] = jnp.dot(cw2_ref[...], S,
                         preferred_element_type=jnp.float32) * 0.25
    for i in range(IV):
        axat_ref[pl.ds(i * SQ, SQ), :] = jnp.dot(
            v2_ref[i], wx3_ref[i], preferred_element_type=jnp.float32)
        axat_ref[pl.ds(IV * SQ + i * SQ, SQ), :] = jnp.dot(
            t2_ref[i], wt3_ref[i], preferred_element_type=jnp.float32)
    bias_ref[...] = wxb_ref[...] + wtb_ref[...]


def _main_body(ef_ref, fe_w_ref, fe_b_ref, cw2_ref,
               v2_ref, wx3_ref, t2_ref, wt3_ref, wxb_ref, wtb_ref,
               x_ref, time_ref,
               v1w_ref, v1b_ref, t1w_ref, t1b_ref,
               vte_ref, vteb_ref, convb_ref, vw_ref, visitb_ref,
               out_ref, u_ref, axat_ref, bias_ref):
    step = pl.program_id(0)

    @pl.when(step == 0)
    def _():
        _prep_work(ef_ref, fe_w_ref, fe_b_ref, cw2_ref,
                   v2_ref, wx3_ref, t2_ref, wt3_ref, wxb_ref, wtb_ref,
                   u_ref, axat_ref, bias_ref)

    @pl.when(step > 0)
    def _():
        _chunk_work(x_ref, time_ref, u_ref, axat_ref, bias_ref,
                    v1w_ref, v1b_ref, t1w_ref, t1b_ref,
                    vte_ref, vteb_ref, convb_ref, vw_ref, visitb_ref,
                    out_ref)


def _chunk_work(x_ref, time_ref, u_ref, axat_ref, bias_ref,
                v1w_ref, v1b_ref, t1w_ref, t1b_ref,
                vte_ref, vteb_ref, convb_ref, vw_ref, visitb_ref,
                out_ref):
    sub16 = jax.lax.broadcasted_iota(jnp.int32, (IV, IV * SQ), 0)
    lane64 = jax.lax.broadcasted_iota(jnp.int32, (IV, IV * SQ), 1)
    R = (sub16 == lane64 // SQ).astype(jnp.float32)
    axat = axat_ref[...]
    u = u_ref[...]
    bias = bias_ref[...]
    v1w = v1w_ref[...]; v1b = v1b_ref[...]
    t1w = t1w_ref[...]; t1b = t1b_ref[...]
    vte = vte_ref[...]; vteb = vteb_ref[...]
    convb = convb_ref[...]
    vw = vw_ref[...]; visitb = visitb_ref[...]
    z11 = jnp.zeros((1, 1), jnp.float32)
    for bb in range(CB):
        x_b = x_ref[bb]
        xrep = jnp.dot(x_b, R, preferred_element_type=jnp.float32)
        hx = jnp.tanh(xrep * v1w + v1b)
        tcol = time_ref[0, :, bb:bb + 1]
        ht = jnp.tanh(tcol * t1w + t1b)
        hcat = jnp.concatenate([hx, ht], axis=1)
        ex_b = jnp.dot(hcat, axat,
                       preferred_element_type=jnp.float32) + bias
        e_row = jnp.sum(ex_b * vte, axis=0, keepdims=True) + vteb
        eL = jnp.concatenate([z11, e_row[:, :-1]], axis=1)
        eR = jnp.concatenate([e_row[:, 1:], z11], axis=1)
        est = jnp.concatenate([eL, e_row, eR], axis=0)
        conv = jnp.dot(u, est,
                       preferred_element_type=jnp.float32) + convb
        m_col = jnp.max(conv, axis=1, keepdims=True)
        pexp = jnp.exp(conv - m_col)
        z_col = jnp.sum(pexp, axis=1, keepdims=True)
        s_row = jnp.sum(pexp * (vw / z_col), axis=0, keepdims=True)
        sc_col = jnp.sum(ex_b * s_row, axis=1, keepdims=True) + visitb
        m2 = jnp.max(sc_col, axis=0, keepdims=True)
        p2 = jnp.exp(sc_col - m2)
        va = p2 / jnp.sum(p2, axis=0, keepdims=True)
        w_row = jnp.sum(ex_b * va, axis=0, keepdims=True)
        exs_col = jnp.sum(pexp * w_row, axis=1, keepdims=True) / z_col
        out_ref[0, :, bb:bb + 1] = exs_col


def _final_body(exst_ref, xbase_ref, spw_ref, spb_ref, gc1w_ref, gc1b_ref,
                gc2w_ref, gc2b_ref, aggw_ref, aggb_ref, agg1w_ref, agg1b_ref,
                agg2w_ref, agg2b_ref, wyw_ref, wyb_ref, y_ref):
    def dot(a, b):
        return jnp.dot(a, b, preferred_element_type=jnp.float32)

    def t_dot(a, b):
        return jax.lax.dot_general(a, b, (((0,), (0,)), ((), ())),
                                   preferred_element_type=jnp.float32)

    base = dot(xbase_ref[...], spw_ref[...]) + spb_ref[...]
    i128 = (jax.lax.broadcasted_iota(jnp.int32, (BASE, BASE), 0) ==
            jax.lax.broadcasted_iota(jnp.int32, (BASE, BASE), 1)
            ).astype(jnp.float32)
    base_t = t_dot(base, i128)
    g = jnp.concatenate([exst_ref[c] for c in range(NSTEP)], axis=1)
    ex_all_t = jnp.concatenate([g, base_t], axis=0)
    i384 = (jax.lax.broadcasted_iota(jnp.int32, (D_ALL, D_ALL), 0) ==
            jax.lax.broadcasted_iota(jnp.int32, (D_ALL, D_ALL), 1)
            ).astype(jnp.float32)
    ex_all = t_dot(ex_all_t, i384)
    adj = t_dot(ex_all_t, ex_all_t) * jnp.float32(1.0 / (P1 * P1))
    adj = jnp.where(adj > PHI, adj, jnp.zeros_like(adj))
    h1 = jnp.maximum(dot(adj, dot(ex_all, gc1w_ref[...])) + gc1b_ref[...],
                     0.0)
    h2 = dot(adj, dot(h1, gc2w_ref[...])) + gc2b_ref[...]
    m = jnp.max(h2, axis=1, keepdims=True)
    lse = jnp.log(jnp.sum(jnp.exp(h2 - m), axis=1, keepdims=True)) + m
    h = h2 - lse
    xo = dot(h, aggw_ref[...]) + aggb_ref[...]
    gamma = 1.0 / (1.0 + jnp.exp(-(dot(ex_all, agg1w_ref[...])
                                   + agg1b_ref[...])))
    eta = 1.0 / (1.0 + jnp.exp(-(dot(xo, agg2w_ref[...]) + agg2b_ref[...])))
    g2 = gamma / (gamma + eta)
    xf = g2 * ex_all + (1.0 - g2) * xo
    logits = dot(xf, wyw_ref[...]) + wyb_ref[...]
    m3 = jnp.max(logits, axis=1, keepdims=True)
    p3 = jnp.exp(logits - m3)
    y_ref[...] = p3 / jnp.sum(p3, axis=1, keepdims=True)


def _full(shape, ndim=None):
    n = len(shape)
    return pl.BlockSpec(shape, lambda c: (0,) * n)


def kernel(f_idx, x, time, xbase, mask, params):
    p = params
    del mask
    f_idx = f_idx.astype(jnp.int32)
    cw2 = p["conv_w"].reshape(P1, P1 * 3)
    wx3 = p["Wx_w"].reshape(IV, EV, P1)
    wt3 = p["Wt_w"].reshape(IV, EV, P1)

    emb_pad = jnp.pad(p["emb_f"], ((0, 0), (0, _SC_D - EF)))
    ef_rows = _sc_gather(emb_pad, jnp.transpose(f_idx).reshape(_SC_ROWS))

    def _cl(c):
        return jnp.maximum(c - 1, 0)

    exst = pl.pallas_call(
        _main_body,
        grid=(NSTEP + 1,),
        in_specs=[
            _full((_SC_ROWS, _SC_D)), _full((EF * 5, EV)),
            _full((1, EV)), _full((P1, P1 * 3)),
            _full((IV, SQ, EV)), _full((IV, EV, P1)),
            _full((IV, SQ, EV)), _full((IV, EV, P1)),
            _full((1, P1)), _full((1, P1)),
            pl.BlockSpec((CB, T, IV), lambda c: (_cl(c), 0, 0)),
            pl.BlockSpec((1, T, CB), lambda c: (_cl(c), 0, 0)),
            _full((1, IV * SQ)), _full((1, IV * SQ)),
            _full((1, IV * SQ)), _full((1, IV * SQ)),
            _full((T, 1)), _full((1, 1)), _full((P1, 1)),
            _full((P1, 1)), _full((1, 1)),
        ],
        out_specs=pl.BlockSpec((1, P1, CB), lambda c: (_cl(c), 0, 0)),
        out_shape=jax.ShapeDtypeStruct((NSTEP, P1, CB), jnp.float32),
        scratch_shapes=[
            pltpu.VMEM((P1, 3), jnp.float32),
            pltpu.VMEM((2 * IV * SQ, P1), jnp.float32),
            pltpu.VMEM((1, P1), jnp.float32),
        ],
    )(ef_rows, p["fe_att_w"], p["fe_att_b"].reshape(1, EV), cw2,
      p["v2_w"], wx3, p["t2_w"], wt3,
      p["Wx_b"].reshape(1, P1), p["Wt_b"].reshape(1, P1),
      x, jnp.transpose(time).reshape(T, NSTEP, CB).transpose(1, 0, 2),
      p["v1_w"][:, 0, :].reshape(1, IV * SQ), p["v1_b"].reshape(1, IV * SQ),
      p["t1_w"][:, 0, :].reshape(1, IV * SQ), p["t1_b"].reshape(1, IV * SQ),
      p["vte_seq_w"], p["vte_seq_b"].reshape(1, 1),
      p["conv_b"].reshape(P1, 1), p["visit_w"], p["visit_b"].reshape(1, 1))

    y = pl.pallas_call(
        _final_body,
        grid=(1,),
        in_specs=[
            _full((NSTEP, P1, CB)), _full((B, BASE)), _full((BASE, BEMB)),
            _full((1, BEMB)), _full((D_ALL, H1)), _full((1, H1)),
            _full((H1, H2)), _full((1, H2)), _full((H2, D_ALL)),
            _full((1, D_ALL)), _full((D_ALL, 1)), _full((1, 1)),
            _full((D_ALL, 1)), _full((1, 1)), _full((D_ALL, 2)),
            _full((1, 2)),
        ],
        out_specs=_full((B, 2)),
        out_shape=jax.ShapeDtypeStruct((B, 2), jnp.float32),
    )(exst, xbase, p["simproj_w"], p["simproj_b"].reshape(1, BEMB),
      p["gc1_w"], p["gc1_b"].reshape(1, H1),
      p["gc2_w"], p["gc2_b"].reshape(1, H2),
      p["agg_w"], p["agg_b"].reshape(1, D_ALL),
      p["agg1_w"], p["agg1_b"].reshape(1, 1),
      p["agg2_w"], p["agg2_b"].reshape(1, 1),
      p["Wy_w"], p["Wy_b"].reshape(1, 2))
    return y

# --- scband reference (transcript-rebuilt; emitter-appended) ---
"""Pipeline reference for scband-model-53154515255334 (READ-ONLY COPY).

The authoritative reference and input builder live on the scoring server;
editing this copy changes nothing except your own understanding.
"""

import jax, jax.numpy as jnp
import numpy as np

IV = 16   # input_v_size
EV = 16   # emb_v_size
SQ = 4    # int(sqrt(EV))
P1 = 256  # proj1_e_size (must equal IV*EV for conv channel match)
EF = 32   # emb_f_size
BASE = 128
BEMB = 128
H1 = 256
H2 = 128
T = 211   # input_v_len hardcoded in Model
B = 128
PHI = 0.1
D_ALL = P1 + BEMB


def setup_inputs(seed: int = 0) -> dict:
    key = jax.random.key(seed)
    ks = jax.random.split(key, 40)
    def rn(k, shape, s=0.05):
        return jax.random.normal(k, shape, dtype=jnp.float32) * s
    inp = {}
    inp["f_idx"] = jax.random.randint(ks[0], (IV, 5), 0, 34)
    inp["x"] = jax.random.normal(ks[1], (B, T, IV), dtype=jnp.float32)
    inp["time"] = jax.random.uniform(ks[2], (B, T), dtype=jnp.float32)
    inp["xbase"] = jax.random.normal(ks[3], (B, BASE), dtype=jnp.float32)
    inp["mask"] = jnp.ones((B, T, IV), dtype=jnp.float32)
    params = {
        "emb_f": rn(ks[4], (34, EF), 0.1),
        "v1_w": rn(ks[5], (IV, 1, SQ), 0.5), "v1_b": rn(ks[6], (IV, SQ), 0.1),
        "v2_w": rn(ks[7], (IV, SQ, EV), 0.5),
        "t1_w": rn(ks[8], (IV, 1, SQ), 0.5), "t1_b": rn(ks[9], (IV, SQ), 0.1),
        "t2_w": rn(ks[10], (IV, SQ, EV), 0.5),
        "Wx_w": rn(ks[11], (IV * EV, P1)), "Wx_b": rn(ks[12], (P1,)),
        "Wt_w": rn(ks[13], (IV * EV, P1)), "Wt_b": rn(ks[14], (P1,)),
        "fe_att_w": rn(ks[15], (EF * 5, EV)), "fe_att_b": rn(ks[16], (EV,)),
        "vte_seq_w": rn(ks[17], (T, 1)), "vte_seq_b": rn(ks[18], (1,)),
        "conv_w": rn(ks[19], (P1, P1, 3)), "conv_b": rn(ks[20], (P1,)),
        "visit_w": rn(ks[21], (P1, 1)), "visit_b": rn(ks[22], (1,)),
        "simproj_w": rn(ks[23], (BASE, BEMB)), "simproj_b": rn(ks[24], (BEMB,)),
        "gc1_w": rn(ks[25], (D_ALL, H1)), "gc1_b": rn(ks[26], (H1,)),
        "gc2_w": rn(ks[27], (H1, H2)), "gc2_b": rn(ks[28], (H2,)),
        "agg_w": rn(ks[29], (H2, D_ALL)), "agg_b": rn(ks[30], (D_ALL,)),
        "agg1_w": rn(ks[31], (D_ALL, 1)), "agg1_b": rn(ks[32], (1,)),
        "agg2_w": rn(ks[33], (D_ALL, 1)), "agg2_b": rn(ks[34], (1,)),
        "Wy_w": rn(ks[35], (D_ALL, 2)), "Wy_b": rn(ks[36], (2,)),
    }
    inp["params"] = params
    return inp


def _forward(x, time, xbase, mask, params, f_idx):
    p = params
    t = jnp.broadcast_to(time[:, :, None], (B, T, IV))
    # ValueTimeEmbedding: per-feature tiny MLPs (vectorized over IV)
    hx = jnp.tanh(x[..., None] * p["v1_w"][:, 0, :] + p["v1_b"])        # [B,T,IV,SQ]
    vx = jnp.einsum('btis,iso->btio', hx, p["v2_w"])                     # [B,T,IV,EV]
    ht = jnp.tanh(t[..., None] * p["t1_w"][:, 0, :] + p["t1_b"])
    vt = jnp.einsum('btis,iso->btio', ht, p["t2_w"])
    x_out = vx.reshape(B, T, IV * EV)
    t_out = vt.reshape(B, T, IV * EV)
    Ex = (x_out @ p["Wx_w"] + p["Wx_b"]) + (t_out @ p["Wt_w"] + p["Wt_b"])  # [B,T,P1]
    # CrossModule attention over features
    Ex_ = jnp.einsum('btd,to->bdo', Ex, p["vte_seq_w"]) + p["vte_seq_b"]  # [B,P1,1]
    Ex_fea = jnp.transpose(Ex, (0, 2, 1))                                # [B,P1,T]
    Ef = jnp.take(p["emb_f"], f_idx, axis=0)                             # [IV,5,EF]
    Ef = Ef.reshape(IV, -1)
    Ef = jnp.broadcast_to(Ef[None], (B, IV, EF * 5))
    Ef_ = Ef @ p["fe_att_w"] + p["fe_att_b"]                             # [B,IV,EV]
    Ef_ = Ef_.reshape(B, IV * EV, 1)                                     # [B,P1,1]
    E = jnp.matmul(Ef_, jnp.transpose(Ex_, (0, 2, 1))) / jnp.sqrt(jnp.float32(IV))  # [B,P1,P1]
    conv = jax.lax.conv_general_dilated(E, p["conv_w"], (1,), [(1, 1)],
                                        dimension_numbers=('NCH', 'OIH', 'NCH'))
    conv = conv + p["conv_b"][None, :, None]
    att = jax.nn.softmax(conv, axis=2)
    Ex2 = jnp.transpose(jnp.matmul(att, Ex_fea), (0, 2, 1))              # [B,T,P1]
    # Similarity: build patient-graph adjacency over the batch
    base = xbase @ p["simproj_w"] + p["simproj_b"]                       # [B,BEMB]
    visit_att = jax.nn.softmax(Ex2 @ p["visit_w"] + p["visit_b"], axis=1)  # [B,T,1]
    Exs = jnp.matmul(jnp.transpose(visit_att, (0, 2, 1)), Ex2)[:, 0, :]  # [B,P1]
    Ex_all = jnp.concatenate([Exs, base], axis=1)                        # [B,P1+BEMB]
    adj = (Ex_all @ Ex_all.T) / (jnp.float32(P1) ** 2)
    adj = jnp.where(adj > PHI, adj, jnp.zeros_like(adj))
    # GCN (Prediction path: output = adj @ (input @ W))
    h = jax.nn.relu(adj @ (Ex_all @ p["gc1_w"]) + p["gc1_b"])
    h = adj @ (h @ p["gc2_w"]) + p["gc2_b"]
    h = jax.nn.log_softmax(h, axis=1)
    # InfoAgg gated fusion
    xo = h @ p["agg_w"] + p["agg_b"]
    gamma = jax.nn.sigmoid(Ex_all @ p["agg1_w"] + p["agg1_b"])
    eta = jax.nn.sigmoid(xo @ p["agg2_w"] + p["agg2_b"])
    gamma = gamma / (gamma + eta)
    eta = 1.0 - gamma
    x_final = gamma * Ex_all + eta * xo
    y = jax.nn.softmax(x_final @ p["Wy_w"] + p["Wy_b"], axis=1)
    return y


def reference(f_idx, x, time, xbase, mask, params):
    return _forward(x, time, xbase, mask, params, f_idx)

if __name__ == "__main__":
    import jax
    _d = setup_inputs()
    print(jax.jit(kernel)(*tuple(_d.values())))

</pallas_src>

<mosaic_0001>
#map = affine_map<(d0, d1) -> (0, 0)>
#map1 = affine_map<(d0, d1) -> (0)>
module attributes {stable_mosaic.version = 14 : i64} {
  func.func @_sc_gather_body(%arg0: i32, %arg1: i32, %arg2: memref<34x128xf32, #tpu.memory_space<hbm>>, %arg3: memref<80xi32, #tpu.memory_space<hbm>>, %arg4: memref<80x128xf32, #tpu.memory_space<hbm>>, %arg5: memref<8xi32, #tpu.memory_space<vmem>>, %arg6: memref<8x128xf32, #tpu.memory_space<vmem>>, %arg7: memref<!tpu.dma_semaphore, #tpu.memory_space<semaphore_mem>>) attributes {dimension_semantics = [#tpu.dimension_semantics<core_parallel>, #tpu.dimension_semantics<subcore_parallel>], iteration_bounds = array<i64: 2, 16>, scalar_prefetch = 0 : i64, scratch_operands = 3 : i64, tpu.core_type = #tpu.core_type<sc_vector_subcore>, window_params = [{transform_indices = #map}, {transform_indices = #map1}, {transform_indices = #map}]} {
    %mul3A = arith.constant 2 : i32
    %mul3A_0 = arith.muli %arg1, %mul3A : i32
    %add3A = arith.addi %mul3A_0, %arg0 : i32
    %lt3A = arith.constant 10 : i32
    %lt3A_1 = arith.cmpi slt, %add3A, %lt3A : i32
    %convert_element_type3A = arith.extui %lt3A_1 : i1 to i32
    %cond3A = arith.constant 0 : i32
    %cond3A_2 = arith.cmpi ne, %convert_element_type3A, %cond3A : i32
    scf.if %cond3A_2 {
      %mul3A_3 = arith.constant 8 : i32
      %mul3A_4 = arith.muli %add3A, %mul3A_3 : i32
      "tpu.region"() ({
        %run_scoped3A = tpu.sem_alloc : memref<!tpu.dma_semaphore, #tpu.memory_space<semaphore_mem>>
        %dma_start3A_9 = tpu.memref_slice %arg3[%mul3A_4] : memref<80xi32, #tpu.memory_space<hbm>> -> memref<8xi32, #tpu.memory_space<hbm>>
        %dma_start3A_10 = tpu.memref_slice %arg3[%mul3A_4] : memref<80xi32, #tpu.memory_space<hbm>> -> memref<8xi32, #tpu.memory_space<hbm>>
        tpu.enqueue_dma source(%dma_start3A_10 : memref<8xi32, #tpu.memory_space<hbm>>) target(%arg5 : memref<8xi32, #tpu.memory_space<vmem>>) target_semaphore(%run_scoped3A : memref<!tpu.dma_semaphore, #tpu.memory_space<semaphore_mem>>)
        %dma_wait3A_11 = tpu.memref_slice %arg3[%mul3A_4] : memref<80xi32, #tpu.memory_space<hbm>> -> memref<8xi32, #tpu.memory_space<hbm>>
        %dma_wait3A_12 = tpu.memref_slice %arg3[%mul3A_4] : memref<80xi32, #tpu.memory_space<hbm>> -> memref<8xi32, #tpu.memory_space<hbm>>
        tpu.wait_dma2 semaphore(%run_scoped3A : memref<!tpu.dma_semaphore, #tpu.memory_space<semaphore_mem>>) src(%dma_wait3A_12 : memref<8xi32, #tpu.memory_space<hbm>>) dst(%arg5 : memref<8xi32, #tpu.memory_space<vmem>>)
        tpu.yield
      }) : () -> ()
      %dma_start3A = arith.constant 0 : i32
      %dma_start3A_5 = arith.constant 0 : i32
      %dma_start3A_6 = tpu.memref_slice %arg2[%dma_start3A, %dma_start3A_5] : memref<34x128xf32, #tpu.memory_space<hbm>> -> memref<34x128xf32, #tpu.memory_space<hbm>>
      tpu.enqueue_indirect_dma source(%dma_start3A_6 : memref<34x128xf32, #tpu.memory_space<hbm>>) target(%arg6 : memref<8x128xf32, #tpu.memory_space<vmem>>) offsets(%arg5 : memref<8xi32, #tpu.memory_space<vmem>>) semaphore(%arg7 : memref<!tpu.dma_semaphore, #tpu.memory_space<semaphore_mem>>)
      %dma_wait3A = arith.constant 0 : i32
      %dma_wait3A_7 = arith.constant 0 : i32
      %dma_wait3A_8 = tpu.memref_slice %arg2[%dma_wait3A, %dma_wait3A_7] : memref<34x128xf32, #tpu.memory_space<hbm>> -> memref<34x128xf32, #tpu.memory_space<hbm>>
      tpu.wait_indirect_dma semaphore(%arg7 : memref<!tpu.dma_semaphore, #tpu.memory_space<semaphore_mem>>) src(%dma_wait3A_8 : memref<34x128xf32, #tpu.memory_space<hbm>>) dst(%arg6 : memref<8x128xf32, #tpu.memory_space<vmem>>)
      "tpu.region"() ({
        %run_scoped3A = tpu.sem_alloc : memref<!tpu.dma_semaphore, #tpu.memory_space<semaphore_mem>>
        %dma_start3A_9 = arith.constant 0 : i32
        %dma_start3A_10 = tpu.memref_slice %arg4[%mul3A_4, %dma_start3A_9] : memref<80x128xf32, #tpu.memory_space<hbm>> -> memref<8x128xf32, #tpu.memory_space<hbm>>
        %dma_start3A_11 = arith.constant 0 : i32
        %dma_start3A_12 = tpu.memref_slice %arg4[%mul3A_4, %dma_start3A_11] : memref<80x128xf32, #tpu.memory_space<hbm>> -> memref<8x128xf32, #tpu.memory_space<hbm>>
        tpu.enqueue_dma source(%arg6 : memref<8x128xf32, #tpu.memory_space<vmem>>) target(%dma_start3A_12 : memref<8x128xf32, #tpu.memory_space<hbm>>) target_semaphore(%run_scoped3A : memref<!tpu.dma_semaphore, #tpu.memory_space<semaphore_mem>>)
        %dma_wait3A_13 = arith.constant 0 : i32
        %dma_wait3A_14 = tpu.memref_slice %arg4[%mul3A_4, %dma_wait3A_13] : memref<80x128xf32, #tpu.memory_space<hbm>> -> memref<8x128xf32, #tpu.memory_space<hbm>>
        %dma_wait3A_15 = arith.constant 0 : i32
        %dma_wait3A_16 = tpu.memref_slice %arg4[%mul3A_4, %dma_wait3A_15] : memref<80x128xf32, #tpu.memory_space<hbm>> -> memref<8x128xf32, #tpu.memory_space<hbm>>
        tpu.wait_dma2 semaphore(%run_scoped3A : memref<!tpu.dma_semaphore, #tpu.memory_space<semaphore_mem>>) src(%arg6 : memref<8x128xf32, #tpu.memory_space<vmem>>) dst(%dma_wait3A_16 : memref<8x128xf32, #tpu.memory_space<hbm>>)
        tpu.yield
      }) : () -> ()
    } else {
    }
    return
  }
}

module attributes {stable_mosaic.version = 14 : i64} {
  func.func @_final_body(%arg0: i32, %arg1: memref<8x256x16xf32, #tpu.memory_space<vmem>>, %arg2: memref<128x128xf32, #tpu.memory_space<vmem>>, %arg3: memref<128x128xf32, #tpu.memory_space<vmem>>, %arg4: memref<1x128xf32, #tpu.memory_space<vmem>>, %arg5: memref<384x256xf32, #tpu.memory_space<vmem>>, %arg6: memref<1x256xf32, #tpu.memory_space<vmem>>, %arg7: memref<256x128xf32, #tpu.memory_space<vmem>>, %arg8: memref<1x128xf32, #tpu.memory_space<vmem>>, %arg9: memref<128x384xf32, #tpu.memory_space<vmem>>, %arg10: memref<1x384xf32, #tpu.memory_space<vmem>>, %arg11: memref<384x1xf32, #tpu.memory_space<vmem>>, %arg12: memref<1x1xf32, #tpu.memory_space<vmem>>, %arg13: memref<384x1xf32, #tpu.memory_space<vmem>>, %arg14: memref<1x1xf32, #tpu.memory_space<vmem>>, %arg15: memref<384x2xf32, #tpu.memory_space<vmem>>, %arg16: memref<1x2xf32, #tpu.memory_space<vmem>>, %arg17: memref<128x2xf32, #tpu.memory_space<vmem>>) attributes {dimension_semantics = [#tpu.dimension_semantics<arbitrary>], iteration_bounds = array<i64: 1>, scalar_prefetch = 0 : i64, scratch_operands = 0 : i64, tpu.core_type = #tpu.core_type<tc>, window_params = [{pipeline_mode = #tpu.pipeline_mode<synchronous>, transform_indices = @transform_0, window_bounds = array<i64: 8, 256, 16>}, {pipeline_mode = #tpu.pipeline_mode<synchronous>, transform_indices = @transform_1, window_bounds = array<i64: 128, 128>}, {pipeline_mode = #tpu.pipeline_mode<synchronous>, transform_indices = @transform_2, window_bounds = array<i64: 128, 128>}, {pipeline_mode = #tpu.pipeline_mode<synchronous>, transform_indices = @transform_3, window_bounds = array<i64: 1, 128>}, {pipeline_mode = #tpu.pipeline_mode<synchronous>, transform_indices = @transform_4, window_bounds = array<i64: 384, 256>}, {pipeline_mode = #tpu.pipeline_mode<synchronous>, transform_indices = @transform_5, window_bounds = array<i64: 1, 256>}, {pipeline_mode = #tpu.pipeline_mode<synchronous>, transform_indices = @transform_6, window_bounds = array<i64: 256, 128>}, {pipeline_mode = #tpu.pipeline_mode<synchronous>, transform_indices = @transform_7, window_bounds = array<i64: 1, 128>}, {pipeline_mode = #tpu.pipeline_mode<synchronous>, transform_indices = @transform_8, window_bounds = array<i64: 128, 384>}, {pipeline_mode = #tpu.pipeline_mode<synchronous>, transform_indices = @transform_9, window_bounds = array<i64: 1, 384>}, {pipeline_mode = #tpu.pipeline_mode<synchronous>, transform_indices = @transform_10, window_bounds = array<i64: 384, 1>}, {pipeline_mode = #tpu.pipeline_mode<synchronous>, transform_indices = @transform_11, window_bounds = array<i64: 1, 1>}, {pipeline_mode = #tpu.pipeline_mode<synchronous>, transform_indices = @transform_12, window_bounds = array<i64: 384, 1>}, {pipeline_mode = #tpu.pipeline_mode<synchronous>, transform_indices = @transform_13, window_bounds = array<i64: 1, 1>}, {pipeline_mode = #tpu.pipeline_mode<synchronous>, transform_indices = @transform_14, window_bounds = array<i64: 384, 2>}, {pipeline_mode = #tpu.pipeline_mode<synchronous>, transform_indices = @transform_15, window_bounds = array<i64: 1, 2>}, {pipeline_mode = #tpu.pipeline_mode<synchronous>, transform_indices = @transform_16, window_bounds = array<i64: 128, 2>}]} {
    %get3A = arith.constant 0 : index
    %get3A_0 = arith.constant 0 : index
    %get3A_1 = vector.load %arg2[%get3A, %get3A_0] : memref<128x128xf32, #tpu.memory_space<vmem>>, vector<128x128xf32>
    %get3A_2 = arith.constant 0 : index
    %get3A_3 = arith.constant 0 : index
    %get3A_4 = vector.load %arg3[%get3A_2, %get3A_3] : memref<128x128xf32, #tpu.memory_space<vmem>>, vector<128x128xf32>
    %dot_general3A = arith.constant dense<0.000000e+00> : vector<128x128xf32>
    %dot_general3A_5 = tpu.matmul %get3A_1, %get3A_4, %dot_general3A {dimension_numbers = #tpu.dot_dimension_numbers<[1], [0], [0], [1], [0, 0, 1, 1], [], []>, transpose_lhs_hint = false} : vector<128x128xf32>, vector<128x128xf32>, vector<128x128xf32> -> vector<128x128xf32>
    %get3A_6 = arith.constant 0 : index
    %get3A_7 = arith.constant 0 : index
    %get3A_8 = vector.load %arg4[%get3A_6, %get3A_7] : memref<1x128xf32, #tpu.memory_space<vmem>>, vector<1x128xf32>
    %add3A = vector.broadcast %get3A_8 : vector<1x128xf32> to vector<128x128xf32>
    %add3A_9 = arith.addf %dot_general3A_5, %add3A : vector<128x128xf32>
    %iota3A = tpu.iota {dimensions = array<i32: 0>} : vector<128x128xi32>
    %iota3A_10 = tpu.iota {dimensions = array<i32: 1>} : vector<128x128xi32>
    %eq3A = arith.cmpi eq, %iota3A, %iota3A_10 : vector<128x128xi32>
    %convert_element_type3A = arith.extui %eq3A : vector<128x128xi1> to vector<128x128xi32>
    %convert_element_type3A_11 = arith.sitofp %convert_element_type3A : vector<128x128xi32> to vector<128x128xf32>
    %dot_general3A_12 = arith.constant dense<0.000000e+00> : vector<128x128xf32>
    %dot_general3A_13 = tpu.matmul %add3A_9, %convert_element_type3A_11, %dot_general3A_12 {dimension_numbers = #tpu.dot_dimension_numbers<[0], [0], [1], [1], [0, 1, 1, 1], [], []>, transpose_lhs_hint = false} : vector<128x128xf32>, vector<128x128xf32>, vector<128x128xf32> -> vector<128x128xf32>
    %get3A_14 = arith.constant 0 : index
    %get3A_15 = arith.constant 0 : index
    %get3A_16 = arith.constant 0 : index
    %get3A_17 = vector.load %arg1[%get3A_14, %get3A_15, %get3A_16] : memref<8x256x16xf32, #tpu.memory_space<vmem>>, vector<1x256x16xf32>
    %get3A_18 = vector.shape_cast %get3A_17 : vector<1x256x16xf32> to vector<256x16xf32>
    %get3A_19 = arith.constant 1 : index
    %get3A_20 = arith.constant 0 : index
    %get3A_21 = arith.constant 0 : index
    %get3A_22 = vector.load %arg1[%get3A_19, %get3A_20, %get3A_21] : memref<8x256x16xf32, #tpu.memory_space<vmem>>, vector<1x256x16xf32>
    %get3A_23 = vector.shape_cast %get3A_22 : vector<1x256x16xf32> to vector<256x16xf32>
    %get3A_24 = arith.constant 2 : index
    %get3A_25 = arith.constant 0 : index
    %get3A_26 = arith.constant 0 : index
    %get3A_27 = vector.load %arg1[%get3A_24, %get3A_25, %get3A_26] : memref<8x256x16xf32, #tpu.memory_space<vmem>>, vector<1x256x16xf32>
    %get3A_28 = vector.shape_cast %get3A_27 : vector<1x256x16xf32> to vector<256x16xf32>
    %get3A_29 = arith.constant 3 : index
    %get3A_30 = arith.constant 0 : index
    %get3A_31 = arith.constant 0 : index
    %get3A_32 = vector.load %arg1[%get3A_29, %get3A_30, %get3A_31] : memref<8x256x16xf32, #tpu.memory_space<vmem>>, vector<1x256x16xf32>
    %get3A_33 = vector.shape_cast %get3A_32 : vector<1x256x16xf32> to vector<256x16xf32>
    %get3A_34 = arith.constant 4 : index
    %get3A_35 = arith.constant 0 : index
    %get3A_36 = arith.constant 0 : index
    %get3A_37 = vector.load %arg1[%get3A_34, %get3A_35, %get3A_36] : memref<8x256x16xf32, #tpu.memory_space<vmem>>, vector<1x256x16xf32>
    %get3A_38 = vector.shape_cast %get3A_37 : vector<1x256x16xf32> to vector<256x16xf32>
    %get3A_39 = arith.constant 5 : index
    %get3A_40 = arith.constant 0 : index
    %get3A_41 = arith.constant 0 : index
    %get3A_42 = vector.load %arg1[%get3A_39, %get3A_40, %get3A_41] : memref<8x256x16xf32, #tpu.memory_space<vmem>>, vector<1x256x16xf32>
    %get3A_43 = vector.shape_cast %get3A_42 : vector<1x256x16xf32> to vector<256x16xf32>
    %get3A_44 = arith.constant 6 : index
    %get3A_45 = arith.constant 0 : index
    %get3A_46 = arith.constant 0 : index
    %get3A_47 = vector.load %arg1[%get3A_44, %get3A_45, %get3A_46] : memref<8x256x16xf32, #tpu.memory_space<vmem>>, vector<1x256x16xf32>
    %get3A_48 = vector.shape_cast %get3A_47 : vector<1x256x16xf32> to vector<256x16xf32>
    %get3A_49 = arith.constant 7 : index
    %get3A_50 = arith.constant 0 : index
    %get3A_51 = arith.constant 0 : index
    %get3A_52 = vector.load %arg1[%get3A_49, %get3A_50, %get3A_51] : memref<8x256x16xf32, #tpu.memory_space<vmem>>, vector<1x256x16xf32>
    %get3A_53 = vector.shape_cast %get3A_52 : vector<1x256x16xf32> to vector<256x16xf32>
    %concatenate3A = tpu.concatenate %get3A_18, %get3A_23, %get3A_28, %get3A_33, %get3A_38, %get3A_43, %get3A_48, %get3A_53 in 1 : vector<256x16xf32>, vector<256x16xf32>, vector<256x16xf32>, vector<256x16xf32>, vector<256x16xf32>, vector<256x16xf32>, vector<256x16xf32>, vector<256x16xf32> -> vector<256x128xf32>
    %concatenate3A_54 = tpu.concatenate %concatenate3A, %dot_general3A_13 in 0 : vector<256x128xf32>, vector<128x128xf32> -> vector<384x128xf32>
    %iota3A_55 = tpu.iota {dimensions = array<i32: 0>} : vector<384x384xi32>
    %iota3A_56 = tpu.iota {dimensions = array<i32: 1>} : vector<384x384xi32>
    %eq3A_57 = arith.cmpi eq, %iota3A_55, %iota3A_56 : vector<384x384xi32>
    %convert_element_type3A_58 = arith.extui %eq3A_57 : vector<384x384xi1> to vector<384x384xi32>
    %convert_element_type3A_59 = arith.sitofp %convert_element_type3A_58 : vector<384x384xi32> to vector<384x384xf32>
    %dot_general3A_60 = arith.constant dense<0.000000e+00> : vector<128x384xf32>
    %dot_general3A_61 = tpu.matmul %concatenate3A_54, %convert_element_type3A_59, %dot_general3A_60 {dimension_numbers = #tpu.dot_dimension_numbers<[0], [0], [1], [1], [0, 1, 1, 1], [], []>, transpose_lhs_hint = false} : vector<384x128xf32>, vector<384x384xf32>, vector<128x384xf32> -> vector<128x384xf32>
    %dot_general3A_62 = arith.constant dense<0.000000e+00> : vector<128x128xf32>
    %dot_general3A_63 = tpu.matmul %concatenate3A_54, %concatenate3A_54, %dot_general3A_62 {dimension_numbers = #tpu.dot_dimension_numbers<[0], [0], [1], [1], [0, 1, 1, 1], [], []>, transpose_lhs_hint = false} : vector<384x128xf32>, vector<384x128xf32>, vector<128x128xf32> -> vector<128x128xf32>
    %mul3A = arith.constant 1.52587891E-5 : f32
    %mul3A_64 = vector.broadcast %mul3A : f32 to vector<128x128xf32>
    %mul3A_65 = arith.mulf %dot_general3A_63, %mul3A_64 : vector<128x128xf32>
    %gt3A = arith.constant 1.000000e-01 : f32
    %gt3A_66 = vector.broadcast %gt3A : f32 to vector<128x128xf32>
    %gt3A_67 = arith.cmpf ogt, %mul3A_65, %gt3A_66 : vector<128x128xf32>
    %broadcast_in_dim3A = arith.constant 0.000000e+00 : f32
    %broadcast_in_dim3A_68 = vector.broadcast %broadcast_in_dim3A : f32 to vector<128x128xf32>
    %select_n3A = arith.select %gt3A_67, %mul3A_65, %broadcast_in_dim3A_68 : vector<128x128xi1>, vector<128x128xf32>
    %get3A_69 = arith.constant 0 : index
    %get3A_70 = arith.constant 0 : index
    %get3A_71 = vector.load %arg5[%get3A_69, %get3A_70] : memref<384x256xf32, #tpu.memory_space<vmem>>, vector<384x256xf32>
    %dot_general3A_72 = arith.constant dense<0.000000e+00> : vector<128x256xf32>
    %dot_general3A_73 = tpu.matmul %dot_general3A_61, %get3A_71, %dot_general3A_72 {dimension_numbers = #tpu.dot_dimension_numbers<[1], [0], [0], [1], [0, 0, 1, 1], [], []>, transpose_lhs_hint = false} : vector<128x384xf32>, vector<384x256xf32>, vector<128x256xf32> -> vector<128x256xf32>
    %dot_general3A_74 = arith.constant dense<0.000000e+00> : vector<128x256xf32>
    %dot_general3A_75 = tpu.matmul %select_n3A, %dot_general3A_73, %dot_general3A_74 {dimension_numbers = #tpu.dot_dimension_numbers<[1], [0], [0], [1], [0, 0, 1, 1], [], []>, transpose_lhs_hint = false} : vector<128x128xf32>, vector<128x256xf32>, vector<128x256xf32> -> vector<128x256xf32>
    %get3A_76 = arith.constant 0 : index
    %get3A_77 = arith.constant 0 : index
    %get3A_78 = vector.load %arg6[%get3A_76, %get3A_77] : memref<1x256xf32, #tpu.memory_space<vmem>>, vector<1x256xf32>
    %add3A_79 = vector.broadcast %get3A_78 : vector<1x256xf32> to vector<128x256xf32>
    %add3A_80 = arith.addf %dot_general3A_75, %add3A_79 : vector<128x256xf32>
    %max3A = arith.constant 0.000000e+00 : f32
    %max3A_81 = vector.broadcast %max3A : f32 to vector<128x256xf32>
    %max3A_82 = arith.maximumf %add3A_80, %max3A_81 : vector<128x256xf32>
    %get3A_83 = arith.constant 0 : index
    %get3A_84 = arith.constant 0 : index
    %get3A_85 = vector.load %arg7[%get3A_83, %get3A_84] : memref<256x128xf32, #tpu.memory_space<vmem>>, vector<256x128xf32>
    %dot_general3A_86 = arith.constant dense<0.000000e+00> : vector<128x128xf32>
    %dot_general3A_87 = tpu.matmul %max3A_82, %get3A_85, %dot_general3A_86 {dimension_numbers = #tpu.dot_dimension_numbers<[1], [0], [0], [1], [0, 0, 1, 1], [], []>, transpose_lhs_hint = false} : vector<128x256xf32>, vector<256x128xf32>, vector<128x128xf32> -> vector<128x128xf32>
    %dot_general3A_88 = arith.constant dense<0.000000e+00> : vector<128x128xf32>
    %dot_general3A_89 = tpu.matmul %select_n3A, %dot_general3A_87, %dot_general3A_88 {dimension_numbers = #tpu.dot_dimension_numbers<[1], [0], [0], [1], [0, 0, 1, 1], [], []>, transpose_lhs_hint = false} : vector<128x128xf32>, vector<128x128xf32>, vector<128x128xf32> -> vector<128x128xf32>
    %get3A_90 = arith.constant 0 : index
    %get3A_91 = arith.constant 0 : index
    %get3A_92 = vector.load %arg8[%get3A_90, %get3A_91] : memref<1x128xf32, #tpu.memory_space<vmem>>, vector<1x128xf32>
    %add3A_93 = vector.broadcast %get3A_92 : vector<1x128xf32> to vector<128x128xf32>
    %add3A_94 = arith.addf %dot_general3A_89, %add3A_93 : vector<128x128xf32>
    %reduce_max3A = arith.constant dense<0xFF800000> : vector<128xf32>
    %reduce_max3A_95 = vector.multi_reduction <maximumf>, %add3A_94, %reduce_max3A [1] : vector<128x128xf32> to vector<128xf32>
    %broadcast_in_dim3A_96 = vector.shape_cast %reduce_max3A_95 : vector<128xf32> to vector<128x1xf32>
    %sub3A = vector.broadcast %broadcast_in_dim3A_96 : vector<128x1xf32> to vector<128x128xf32>
    %sub3A_97 = arith.subf %add3A_94, %sub3A : vector<128x128xf32>
    %exp3A = math.exp %sub3A_97 : vector<128x128xf32>
    %reduce_sum3A = arith.constant dense<0.000000e+00> : vector<128xf32>
    %reduce_sum3A_98 = vector.multi_reduction <add>, %exp3A, %reduce_sum3A [1] : vector<128x128xf32> to vector<128xf32>
    %broadcast_in_dim3A_99 = vector.shape_cast %reduce_sum3A_98 : vector<128xf32> to vector<128x1xf32>
    %log3A = math.log %broadcast_in_dim3A_99 : vector<128x1xf32>
    %add3A_100 = arith.addf %log3A, %broadcast_in_dim3A_96 : vector<128x1xf32>
    %sub3A_101 = vector.broadcast %add3A_100 : vector<128x1xf32> to vector<128x128xf32>
    %sub3A_102 = arith.subf %add3A_94, %sub3A_101 : vector<128x128xf32>
    %get3A_103 = arith.constant 0 : index
    %get3A_104 = arith.constant 0 : index
    %get3A_105 = vector.load %arg9[%get3A_103, %get3A_104] : memref<128x384xf32, #tpu.memory_space<vmem>>, vector<128x384xf32>
    %dot_general3A_106 = arith.constant dense<0.000000e+00> : vector<128x384xf32>
    %dot_general3A_107 = tpu.matmul %sub3A_102, %get3A_105, %dot_general3A_106 {dimension_numbers = #tpu.dot_dimension_numbers<[1], [0], [0], [1], [0, 0, 1, 1], [], []>, transpose_lhs_hint = false} : vector<128x128xf32>, vector<128x384xf32>, vector<128x384xf32> -> vector<128x384xf32>
    %get3A_108 = arith.constant 0 : index
    %get3A_109 = arith.constant 0 : index
    %get3A_110 = vector.load %arg10[%get3A_108, %get3A_109] : memref<1x384xf32, #tpu.memory_space<vmem>>, vector<1x384xf32>
    %add3A_111 = vector.broadcast %get3A_110 : vector<1x384xf32> to vector<128x384xf32>
    %add3A_112 = arith.addf %dot_general3A_107, %add3A_111 : vector<128x384xf32>
    %get3A_113 = arith.constant 0 : index
    %get3A_114 = arith.constant 0 : index
    %get3A_115 = vector.load %arg11[%get3A_113, %get3A_114] : memref<384x1xf32, #tpu.memory_space<vmem>>, vector<384x1xf32>
    %dot_general3A_116 = arith.constant dense<0.000000e+00> : vector<128x1xf32>
    %dot_general3A_117 = tpu.matmul %dot_general3A_61, %get3A_115, %dot_general3A_116 {dimension_numbers = #tpu.dot_dimension_numbers<[1], [0], [0], [1], [0, 0, 1, 1], [], []>, transpose_lhs_hint = false} : vector<128x384xf32>, vector<384x1xf32>, vector<128x1xf32> -> vector<128x1xf32>
    %get3A_118 = arith.constant 0 : index
    %get3A_119 = arith.constant 0 : index
    %get3A_120 = vector.load %arg12[%get3A_118, %get3A_119] : memref<1x1xf32, #tpu.memory_space<vmem>>, vector<1x1xf32>
    %add3A_121 = vector.broadcast %get3A_120 : vector<1x1xf32> to vector<128x1xf32>
    %add3A_122 = arith.addf %dot_general3A_117, %add3A_121 : vector<128x1xf32>
    %neg3A = arith.constant 0.000000e+00 : f32
    %neg3A_123 = vector.broadcast %neg3A : f32 to vector<128x1xf32>
    %neg3A_124 = arith.subf %neg3A_123, %add3A_122 : vector<128x1xf32>
    %exp3A_125 = math.exp %neg3A_124 : vector<128x1xf32>
    %add3A_126 = arith.constant 1.000000e+00 : f32
    %add3A_127 = vector.broadcast %add3A_126 : f32 to vector<128x1xf32>
    %add3A_128 = arith.addf %add3A_127, %exp3A_125 : vector<128x1xf32>
    %div3A = arith.constant 1.000000e+00 : f32
    %div3A_129 = vector.broadcast %div3A : f32 to vector<128x1xf32>
    %div3A_130 = arith.divf %div3A_129, %add3A_128 : vector<128x1xf32>
    %get3A_131 = arith.constant 0 : index
    %get3A_132 = arith.constant 0 : index
    %get3A_133 = vector.load %arg13[%get3A_131, %get3A_132] : memref<384x1xf32, #tpu.memory_space<vmem>>, vector<384x1xf32>
    %dot_general3A_134 = arith.constant dense<0.000000e+00> : vector<128x1xf32>
    %dot_general3A_135 = tpu.matmul %add3A_112, %get3A_133, %dot_general3A_134 {dimension_numbers = #tpu.dot_dimension_numbers<[1], [0], [0], [1], [0, 0, 1, 1], [], []>, transpose_lhs_hint = false} : vector<128x384xf32>, vector<384x1xf32>, vector<128x1xf32> -> vector<128x1xf32>
    %get3A_136 = arith.constant 0 : index
    %get3A_137 = arith.constant 0 : index
    %get3A_138 = vector.load %arg14[%get3A_136, %get3A_137] : memref<1x1xf32, #tpu.memory_space<vmem>>, vector<1x1xf32>
    %add3A_139 = vector.broadcast %get3A_138 : vector<1x1xf32> to vector<128x1xf32>
    %add3A_140 = arith.addf %dot_general3A_135, %add3A_139 : vector<128x1xf32>
    %neg3A_141 = arith.constant 0.000000e+00 : f32
    %neg3A_142 = vector.broadcast %neg3A_141 : f32 to vector<128x1xf32>
    %neg3A_143 = arith.subf %neg3A_142, %add3A_140 : vector<128x1xf32>
    %exp3A_144 = math.exp %neg3A_143 : vector<128x1xf32>
    %add3A_145 = arith.constant 1.000000e+00 : f32
    %add3A_146 = vector.broadcast %add3A_145 : f32 to vector<128x1xf32>
    %add3A_147 = arith.addf %add3A_146, %exp3A_144 : vector<128x1xf32>
    %div3A_148 = arith.constant 1.000000e+00 : f32
    %div3A_149 = vector.broadcast %div3A_148 : f32 to vector<128x1xf32>
    %div3A_150 = arith.divf %div3A_149, %add3A_147 : vector<128x1xf32>
    %add3A_151 = arith.addf %div3A_130, %div3A_150 : vector<128x1xf32>
    %div3A_152 = arith.divf %div3A_130, %add3A_151 : vector<128x1xf32>
    %mul3A_153 = vector.broadcast %div3A_152 : vector<128x1xf32> to vector<128x384xf32>
    %mul3A_154 = arith.mulf %mul3A_153, %dot_general3A_61 : vector<128x384xf32>
    %sub3A_155 = arith.constant 1.000000e+00 : f32
    %sub3A_156 = vector.broadcast %sub3A_155 : f32 to vector<128x1xf32>
    %sub3A_157 = arith.subf %sub3A_156, %div3A_152 : vector<128x1xf32>
    %mul3A_158 = vector.broadcast %sub3A_157 : vector<128x1xf32> to vector<128x384xf32>
    %mul3A_159 = arith.mulf %mul3A_158, %add3A_112 : vector<128x384xf32>
    %add3A_160 = arith.addf %mul3A_154, %mul3A_159 : vector<128x384xf32>
    %get3A_161 = arith.constant 0 : index
    %get3A_162 = arith.constant 0 : index
    %get3A_163 = vector.load %arg15[%get3A_161, %get3A_162] : memref<384x2xf32, #tpu.memory_space<vmem>>, vector<384x2xf32>
    %dot_general3A_164 = arith.constant dense<0.000000e+00> : vector<128x2xf32>
    %dot_general3A_165 = tpu.matmul %add3A_160, %get3A_163, %dot_general3A_164 {dimension_numbers = #tpu.dot_dimension_numbers<[1], [0], [0], [1], [0, 0, 1, 1], [], []>, transpose_lhs_hint = false} : vector<128x384xf32>, vector<384x2xf32>, vector<128x2xf32> -> vector<128x2xf32>
    %get3A_166 = arith.constant 0 : index
    %get3A_167 = arith.constant 0 : index
    %get3A_168 = vector.load %arg16[%get3A_166, %get3A_167] : memref<1x2xf32, #tpu.memory_space<vmem>>, vector<1x2xf32>
    %add3A_169 = vector.broadcast %get3A_168 : vector<1x2xf32> to vector<128x2xf32>
    %add3A_170 = arith.addf %dot_general3A_165, %add3A_169 : vector<128x2xf32>
    %reduce_max3A_171 = arith.constant dense<0xFF800000> : vector<128xf32>
    %reduce_max3A_172 = vector.multi_reduction <maximumf>, %add3A_170, %reduce_max3A_171 [1] : vector<128x2xf32> to vector<128xf32>
    %broadcast_in_dim3A_173 = vector.shape_cast %reduce_max3A_172 : vector<128xf32> to vector<128x1xf32>
    %sub3A_174 = vector.broadcast %broadcast_in_dim3A_173 : vector<128x1xf32> to vector<128x2xf32>
    %sub3A_175 = arith.subf %add3A_170, %sub3A_174 : vector<128x2xf32>
    %exp3A_176 = math.exp %sub3A_175 : vector<128x2xf32>
    %reduce_sum3A_177 = arith.constant dense<0.000000e+00> : vector<128xf32>
    %reduce_sum3A_178 = vector.multi_reduction <add>, %exp3A_176, %reduce_sum3A_177 [1] : vector<128x2xf32> to vector<128xf32>
    %broadcast_in_dim3A_179 = vector.shape_cast %reduce_sum3A_178 : vector<128xf32> to vector<128x1xf32>
    %div3A_180 = vector.broadcast %broadcast_in_dim3A_179 : vector<128x1xf32> to vector<128x2xf32>
    %div3A_181 = arith.divf %exp3A_176, %div3A_180 : vector<128x2xf32>
    %swap3A = arith.constant 0 : index
    %swap3A_182 = arith.constant 0 : index
    %swap3A_183 = vector.load %arg17[%swap3A, %swap3A_182] : memref<128x2xf32, #tpu.memory_space<vmem>>, vector<128x2xf32>
    tpu.vector_store %arg17[%swap3A, %swap3A_182], %div3A_181 {strides = array<i32>} : memref<128x2xf32, #tpu.memory_space<vmem>>, vector<128x2xf32>,
    return
  }
  func.func @transform_0(%arg0: i32) -> (i32, i32, i32) {
    %c0_i32 = arith.constant 0 : i32
    %c0_i32_0 = arith.constant 0 : i32
    %c0_i32_1 = arith.constant 0 : i32
    %c0_i32_2 = arith.constant 0 : i32
    return %c0_i32, %c0_i32_0, %c0_i32_1 : i32, i32, i32
  }
  func.func @transform_1(%arg0: i32) -> (i32, i32) {
    %c0_i32 = arith.constant 0 : i32
    %c0_i32_0 = arith.constant 0 : i32
    %c0_i32_1 = arith.constant 0 : i32
    return %c0_i32, %c0_i32_0 : i32, i32
  }
  func.func @transform_2(%arg0: i32) -> (i32, i32) {
    %c0_i32 = arith.constant 0 : i32
    %c0_i32_0 = arith.constant 0 : i32
    %c0_i32_1 = arith.constant 0 : i32
    return %c0_i32, %c0_i32_0 : i32, i32
  }
  func.func @transform_3(%arg0: i32) -> (i32, i32) {
    %c0_i32 = arith.constant 0 : i32
    %c0_i32_0 = arith.constant 0 : i32
    %c0_i32_1 = arith.constant 0 : i32
    return %c0_i32, %c0_i32_0 : i32, i32
  }
  func.func @transform_4(%arg0: i32) -> (i32, i32) {
    %c0_i32 = arith.constant 0 : i32
    %c0_i32_0 = arith.constant 0 : i32
    %c0_i32_1 = arith.constant 0 : i32
    return %c0_i32, %c0_i32_0 : i32, i32
  }
  func.func @transform_5(%arg0: i32) -> (i32, i32) {
    %c0_i32 = arith.constant 0 : i32
    %c0_i32_0 = arith.constant 0 : i32
    %c0_i32_1 = arith.constant 0 : i32
    return %c0_i32, %c0_i32_0 : i32, i32
  }
  func.func @transform_6(%arg0: i32) -> (i32, i32) {
    %c0_i32 = arith.constant 0 : i32
    %c0_i32_0 = arith.constant 0 : i32
    %c0_i32_1 = arith.constant 0 : i32
    return %c0_i32, %c0_i32_0 : i32, i32
  }
  func.func @transform_7(%arg0: i32) -> (i32, i32) {
    %c0_i32 = arith.constant 0 : i32
    %c0_i32_0 = arith.constant 0 : i32
    %c0_i32_1 = arith.constant 0 : i32
    return %c0_i32, %c0_i32_0 : i32, i32
  }
  func.func @transform_8(%arg0: i32) -> (i32, i32) {
    %c0_i32 = arith.constant 0 : i32
    %c0_i32_0 = arith.constant 0 : i32
    %c0_i32_1 = arith.constant 0 : i32
    return %c0_i32, %c0_i32_0 : i32, i32
  }
  func.func @transform_9(%arg0: i32) -> (i32, i32) {
    %c0_i32 = arith.constant 0 : i32
    %c0_i32_0 = arith.constant 0 : i32
    %c0_i32_1 = arith.constant 0 : i32
    return %c0_i32, %c0_i32_0 : i32, i32
  }
  func.func @transform_10(%arg0: i32) -> (i32, i32) {
    %c0_i32 = arith.constant 0 : i32
    %c0_i32_0 = arith.constant 0 : i32
    %c0_i32_1 = arith.constant 0 : i32
    return %c0_i32, %c0_i32_0 : i32, i32
  }
  func.func @transform_11(%arg0: i32) -> (i32, i32) {
    %c0_i32 = arith.constant 0 : i32
    %c0_i32_0 = arith.constant 0 : i32
    %c0_i32_1 = arith.constant 0 : i32
    return %c0_i32, %c0_i32_0 : i32, i32
  }
  func.func @transform_12(%arg0: i32) -> (i32, i32) {
    %c0_i32 = arith.constant 0 : i32
    %c0_i32_0 = arith.constant 0 : i32
    %c0_i32_1 = arith.constant 0 : i32
    return %c0_i32, %c0_i32_0 : i32, i32
  }
  func.func @transform_13(%arg0: i32) -> (i32, i32) {
    %c0_i32 = arith.constant 0 : i32
    %c0_i32_0 = arith.constant 0 : i32
    %c0_i32_1 = arith.constant 0 : i32
    return %c0_i32, %c0_i32_0 : i32, i32
  }
  func.func @transform_14(%arg0: i32) -> (i32, i32) {
    %c0_i32 = arith.constant 0 : i32
    %c0_i32_0 = arith.constant 0 : i32
    %c0_i32_1 = arith.constant 0 : i32
    return %c0_i32, %c0_i32_0 : i32, i32
  }
  func.func @transform_15(%arg0: i32) -> (i32, i32) {
    %c0_i32 = arith.constant 0 : i32
    %c0_i32_0 = arith.constant 0 : i32
    %c0_i32_1 = arith.constant 0 : i32
    return %c0_i32, %c0_i32_0 : i32, i32
  }
  func.func @transform_16(%arg0: i32) -> (i32, i32) {
    %c0_i32 = arith.constant 0 : i32
    %c0_i32_0 = arith.constant 0 : i32
    %c0_i32_1 = arith.constant 0 : i32
    return %c0_i32, %c0_i32_0 : i32, i32
  }
}

module attributes {stable_mosaic.version = 14 : i64} {
  func.func @_main_body(%arg0: i32, %arg1: memref<80x128xf32, #tpu.memory_space<vmem>>, %arg2: memref<160x16xf32, #tpu.memory_space<vmem>>, %arg3: memref<1x16xf32, #tpu.memory_space<vmem>>, %arg4: memref<256x768xf32, #tpu.memory_space<vmem>>, %arg5: memref<16x4x16xf32, #tpu.memory_space<vmem>>, %arg6: memref<16x16x256xf32, #tpu.memory_space<vmem>>, %arg7: memref<16x4x16xf32, #tpu.memory_space<vmem>>, %arg8: memref<16x16x256xf32, #tpu.memory_space<vmem>>, %arg9: memref<1x256xf32, #tpu.memory_space<vmem>>, %arg10: memref<1x256xf32, #tpu.memory_space<vmem>>, %arg11: memref<16x211x16xf32, #tpu.memory_space<vmem>>, %arg12: memref<1x211x16xf32, #tpu.memory_space<vmem>>, %arg13: memref<1x64xf32, #tpu.memory_space<vmem>>, %arg14: memref<1x64xf32, #tpu.memory_space<vmem>>, %arg15: memref<1x64xf32, #tpu.memory_space<vmem>>, %arg16: memref<1x64xf32, #tpu.memory_space<vmem>>, %arg17: memref<211x1xf32, #tpu.memory_space<vmem>>, %arg18: memref<1x1xf32, #tpu.memory_space<vmem>>, %arg19: memref<256x1xf32, #tpu.memory_space<vmem>>, %arg20: memref<256x1xf32, #tpu.memory_space<vmem>>, %arg21: memref<1x1xf32, #tpu.memory_space<vmem>>, %arg22: memref<1x256x16xf32, #tpu.memory_space<vmem>>, %arg23: memref<256x3xf32, #tpu.memory_space<vmem>>, %arg24: memref<128x256xf32, #tpu.memory_space<vmem>>, %arg25: memref<1x256xf32, #tpu.memory_space<vmem>>) attributes {dimension_semantics = [#tpu.dimension_semantics<arbitrary>], iteration_bounds = array<i64: 9>, scalar_prefetch = 0 : i64, scratch_operands = 3 : i64, tpu.core_type = #tpu.core_type<tc>, window_params = [{pipeline_mode = #tpu.pipeline_mode<synchronous>, transform_indices = @transform_0, window_bounds = array<i64: 80, 128>}, {pipeline_mode = #tpu.pipeline_mode<synchronous>, transform_indices = @transform_1, window_bounds = array<i64: 160, 16>}, {pipeline_mode = #tpu.pipeline_mode<synchronous>, transform_indices = @transform_2, window_bounds = array<i64: 1, 16>}, {pipeline_mode = #tpu.pipeline_mode<synchronous>, transform_indices = @transform_3, window_bounds = array<i64: 256, 768>}, {pipeline_mode = #tpu.pipeline_mode<synchronous>, transform_indices = @transform_4, window_bounds = array<i64: 16, 4, 16>}, {pipeline_mode = #tpu.pipeline_mode<synchronous>, transform_indices = @transform_5, window_bounds = array<i64: 16, 16, 256>}, {pipeline_mode = #tpu.pipeline_mode<synchronous>, transform_indices = @transform_6, window_bounds = array<i64: 16, 4, 16>}, {pipeline_mode = #tpu.pipeline_mode<synchronous>, transform_indices = @transform_7, window_bounds = array<i64: 16, 16, 256>}, {pipeline_mode = #tpu.pipeline_mode<synchronous>, transform_indices = @transform_8, window_bounds = array<i64: 1, 256>}, {pipeline_mode = #tpu.pipeline_mode<synchronous>, transform_indices = @transform_9, window_bounds = array<i64: 1, 256>}, {transform_indices = @transform_10, window_bounds = array<i64: 16, 211, 16>}, {transform_indices = @transform_11, window_bounds = array<i64: 1, 211, 16>}, {pipeline_mode = #tpu.pipeline_mode<synchronous>, transform_indices = @transform_12, window_bounds = array<i64: 1, 64>}, {pipeline_mode = #tpu.pipeline_mode<synchronous>, transform_indices = @transform_13, window_bounds = array<i64: 1, 64>}, {pipeline_mode = #tpu.pipeline_mode<synchronous>, transform_indices = @transform_14, window_bounds = array<i64: 1, 64>}, {pipeline_mode = #tpu.pipeline_mode<synchronous>, transform_indices = @transform_15, window_bounds = array<i64: 1, 64>}, {pipeline_mode = #tpu.pipeline_mode<synchronous>, transform_indices = @transform_16, window_bounds = array<i64: 211, 1>}, {pipeline_mode = #tpu.pipeline_mode<synchronous>, transform_indices = @transform_17, window_bounds = array<i64: 1, 1>}, {pipeline_mode = #tpu.pipeline_mode<synchronous>, transform_indices = @transform_18, window_bounds = array<i64: 256, 1>}, {pipeline_mode = #tpu.pipeline_mode<synchronous>, transform_indices = @transform_19, window_bounds = array<i64: 256, 1>}, {pipeline_mode = #tpu.pipeline_mode<synchronous>, transform_indices = @transform_20, window_bounds = array<i64: 1, 1>}, {transform_indices = @transform_21, window_bounds = array<i64: 1, 256, 16>}]} {
    %eq3A = arith.constant 0 : i32
    %eq3A_0 = arith.cmpi eq, %arg0, %eq3A : i32
    %convert_element_type3A = arith.extui %eq3A_0 : i1 to i32
    %cond3A = arith.constant 0 : i32
    %cond3A_1 = arith.cmpi ne, %convert_element_type3A, %cond3A : i32
    scf.if %cond3A_1 {
      %get3A = arith.constant 0 : index
      %get3A_6 = arith.constant 0 : index
      %get3A_7 = vector.load %arg1[%get3A, %get3A_6] : memref<80x128xf32, #tpu.memory_space<vmem>>, vector<16x32xf32>
      %get3A_8 = arith.constant 16 : index
      %get3A_9 = arith.constant 0 : index
      %get3A_10 = vector.load %arg1[%get3A_8, %get3A_9] : memref<80x128xf32, #tpu.memory_space<vmem>>, vector<16x32xf32>
      %get3A_11 = arith.constant 32 : index
      %get3A_12 = arith.constant 0 : index
      %get3A_13 = vector.load %arg1[%get3A_11, %get3A_12] : memref<80x128xf32, #tpu.memory_space<vmem>>, vector<16x32xf32>
      %get3A_14 = arith.constant 48 : index
      %get3A_15 = arith.constant 0 : index
      %get3A_16 = vector.load %arg1[%get3A_14, %get3A_15] : memref<80x128xf32, #tpu.memory_space<vmem>>, vector<16x32xf32>
      %get3A_17 = arith.constant 64 : index
      %get3A_18 = arith.constant 0 : index
      %get3A_19 = vector.load %arg1[%get3A_17, %get3A_18] : memref<80x128xf32, #tpu.memory_space<vmem>>, vector<16x32xf32>
      %concatenate3A = tpu.concatenate %get3A_7, %get3A_10, %get3A_13, %get3A_16, %get3A_19 in 1 : vector<16x32xf32>, vector<16x32xf32>, vector<16x32xf32>, vector<16x32xf32>, vector<16x32xf32> -> vector<16x160xf32>
      %get3A_20 = arith.constant 0 : index
      %get3A_21 = arith.constant 0 : index
      %get3A_22 = vector.load %arg2[%get3A_20, %get3A_21] : memref<160x16xf32, #tpu.memory_space<vmem>>, vector<160x16xf32>
      %dot_general3A = arith.constant dense<0.000000e+00> : vector<16x16xf32>
      %dot_general3A_23 = tpu.matmul %concatenate3A, %get3A_22, %dot_general3A {dimension_numbers = #tpu.dot_dimension_numbers<[1], [0], [0], [1], [0, 0, 1, 1], [], []>, transpose_lhs_hint = false} : vector<16x160xf32>, vector<160x16xf32>, vector<16x16xf32> -> vector<16x16xf32>
      %get3A_24 = arith.constant 0 : index
      %get3A_25 = arith.constant 0 : index
      %get3A_26 = vector.load %arg3[%get3A_24, %get3A_25] : memref<1x16xf32, #tpu.memory_space<vmem>>, vector<1x16xf32>
      %add3A = vector.broadcast %get3A_26 : vector<1x16xf32> to vector<16x16xf32>
      %add3A_27 = arith.addf %dot_general3A_23, %add3A : vector<16x16xf32>
      %slice3A = vector.extract_strided_slice %add3A_27 {offsets = [0, 0], sizes = [1, 16], strides = [1, 1]} : vector<16x16xf32> to vector<1x16xf32>
      %slice3A_28 = vector.extract_strided_slice %add3A_27 {offsets = [1, 0], sizes = [1, 16], strides = [1, 1]} : vector<16x16xf32> to vector<1x16xf32>
      %slice3A_29 = vector.extract_strided_slice %add3A_27 {offsets = [2, 0], sizes = [1, 16], strides = [1, 1]} : vector<16x16xf32> to vector<1x16xf32>
      %slice3A_30 = vector.extract_strided_slice %add3A_27 {offsets = [3, 0], sizes = [1, 16], strides = [1, 1]} : vector<16x16xf32> to vector<1x16xf32>
      %slice3A_31 = vector.extract_strided_slice %add3A_27 {offsets = [4, 0], sizes = [1, 16], strides = [1, 1]} : vector<16x16xf32> to vector<1x16xf32>
      %slice3A_32 = vector.extract_strided_slice %add3A_27 {offsets = [5, 0], sizes = [1, 16], strides = [1, 1]} : vector<16x16xf32> to vector<1x16xf32>
      %slice3A_33 = vector.extract_strided_slice %add3A_27 {offsets = [6, 0], sizes = [1, 16], strides = [1, 1]} : vector<16x16xf32> to vector<1x16xf32>
      %slice3A_34 = vector.extract_strided_slice %add3A_27 {offsets = [7, 0], sizes = [1, 16], strides = [1, 1]} : vector<16x16xf32> to vector<1x16xf32>
      %slice3A_35 = vector.extract_strided_slice %add3A_27 {offsets = [8, 0], sizes = [1, 16], strides = [1, 1]} : vector<16x16xf32> to vector<1x16xf32>
      %slice3A_36 = vector.extract_strided_slice %add3A_27 {offsets = [9, 0], sizes = [1, 16], strides = [1, 1]} : vector<16x16xf32> to vector<1x16xf32>
      %slice3A_37 = vector.extract_strided_slice %add3A_27 {offsets = [10, 0], sizes = [1, 16], strides = [1, 1]} : vector<16x16xf32> to vector<1x16xf32>
      %slice3A_38 = vector.extract_strided_slice %add3A_27 {offsets = [11, 0], sizes = [1, 16], strides = [1, 1]} : vector<16x16xf32> to vector<1x16xf32>
      %slice3A_39 = vector.extract_strided_slice %add3A_27 {offsets = [12, 0], sizes = [1, 16], strides = [1, 1]} : vector<16x16xf32> to vector<1x16xf32>
      %slice3A_40 = vector.extract_strided_slice %add3A_27 {offsets = [13, 0], sizes = [1, 16], strides = [1, 1]} : vector<16x16xf32> to vector<1x16xf32>
      %slice3A_41 = vector.extract_strided_slice %add3A_27 {offsets = [14, 0], sizes = [1, 16], strides = [1, 1]} : vector<16x16xf32> to vector<1x16xf32>
      %slice3A_42 = vector.extract_strided_slice %add3A_27 {offsets = [15, 0], sizes = [1, 16], strides = [1, 1]} : vector<16x16xf32> to vector<1x16xf32>
      %concatenate3A_43 = tpu.concatenate %slice3A, %slice3A_28, %slice3A_29, %slice3A_30, %slice3A_31, %slice3A_32, %slice3A_33, %slice3A_34, %slice3A_35, %slice3A_36, %slice3A_37, %slice3A_38, %slice3A_39, %slice3A_40, %slice3A_41, %slice3A_42 in 1 : vector<1x16xf32>, vector<1x16xf32>, vector<1x16xf32>, vector<1x16xf32>, vector<1x16xf32>, vector<1x16xf32>, vector<1x16xf32>, vector<1x16xf32>, vector<1x16xf32>, vector<1x16xf32>, vector<1x16xf32>, vector<1x16xf32>, vector<1x16xf32>, vector<1x16xf32>, vector<1x16xf32>, vector<1x16xf32> -> vector<1x256xf32>
      %broadcast_in_dim3A = arith.constant 1.000000e+00 : f32
      %broadcast_in_dim3A_44 = vector.broadcast %broadcast_in_dim3A : f32 to vector<1x1xf32>
      %dot_general3A_45 = arith.constant dense<0.000000e+00> : vector<256x1xf32>
      %dot_general3A_46 = tpu.matmul %concatenate3A_43, %broadcast_in_dim3A_44, %dot_general3A_45 {dimension_numbers = #tpu.dot_dimension_numbers<[0], [0], [1], [1], [0, 1, 1, 1], [], []>, transpose_lhs_hint = false} : vector<1x256xf32>, vector<1x1xf32>, vector<256x1xf32> -> vector<256x1xf32>
      %iota3A = tpu.iota {dimensions = array<i32: 0>} : vector<768x256xi32>
      %iota3A_47 = tpu.iota {dimensions = array<i32: 1>} : vector<768x256xi32>
      %jit3A = arith.constant 3 : i32
      %div3A = vector.broadcast %jit3A : i32 to vector<768x256xi32>
      %div3A_48 = arith.divsi %iota3A, %div3A : vector<768x256xi32>
      %sign3A = arith.constant 0 : i32
      %sign3A_49 = vector.broadcast %sign3A : i32 to vector<768x256xi32>
      %sign3A_50 = arith.cmpi sgt, %iota3A, %sign3A_49 : vector<768x256xi32>
      %sign3A_51 = arith.extui %sign3A_50 : vector<768x256xi1> to vector<768x256xi32>
      %sign3A_52 = arith.constant 0 : i32
      %sign3A_53 = vector.broadcast %sign3A_52 : i32 to vector<768x256xi32>
      %sign3A_54 = arith.cmpi slt, %iota3A, %sign3A_53 : vector<768x256xi32>
      %sign3A_55 = arith.extui %sign3A_54 : vector<768x256xi1> to vector<768x256xi32>
      %sign3A_56 = arith.subi %sign3A_51, %sign3A_55 : vector<768x256xi32>
      %sign3A_57 = arith.constant 0 : i32
      %sign3A_58 = arith.cmpi sgt, %jit3A, %sign3A_57 : i32
      %sign3A_59 = arith.extui %sign3A_58 : i1 to i32
      %sign3A_60 = arith.constant 0 : i32
      %sign3A_61 = arith.cmpi slt, %jit3A, %sign3A_60 : i32
      %sign3A_62 = arith.extui %sign3A_61 : i1 to i32
      %sign3A_63 = arith.subi %sign3A_59, %sign3A_62 : i32
      %ne3A = vector.broadcast %sign3A_63 : i32 to vector<768x256xi32>
      %ne3A_64 = arith.cmpi ne, %sign3A_56, %ne3A : vector<768x256xi32>
      %rem3A = vector.broadcast %jit3A : i32 to vector<768x256xi32>
      %rem3A_65 = arith.remsi %iota3A, %rem3A : vector<768x256xi32>
      %ne3A_66 = arith.constant 0 : i32
      %ne3A_67 = vector.broadcast %ne3A_66 : i32 to vector<768x256xi32>
      %ne3A_68 = arith.cmpi ne, %rem3A_65, %ne3A_67 : vector<768x256xi32>
      %and3A = arith.andi %ne3A_64, %ne3A_68 : vector<768x256xi1>
      %sub3A = arith.constant 1 : i32
      %sub3A_69 = vector.broadcast %sub3A : i32 to vector<768x256xi32>
      %sub3A_70 = arith.subi %div3A_48, %sub3A_69 : vector<768x256xi32>
      %select_n3A = arith.select %and3A, %sub3A_70, %div3A_48 : vector<768x256xi1>, vector<768x256xi32>
      %eq3A_71 = arith.cmpi eq, %iota3A_47, %select_n3A : vector<768x256xi32>
      %convert_element_type3A_72 = arith.extui %eq3A_71 : vector<768x256xi1> to vector<768x256xi32>
      %convert_element_type3A_73 = arith.sitofp %convert_element_type3A_72 : vector<768x256xi32> to vector<768x256xf32>
      %dot_general3A_74 = arith.constant dense<0.000000e+00> : vector<768x1xf32>
      %dot_general3A_75 = tpu.matmul %convert_element_type3A_73, %dot_general3A_46, %dot_general3A_74 {dimension_numbers = #tpu.dot_dimension_numbers<[1], [0], [0], [1], [0, 0, 1, 1], [], []>, transpose_lhs_hint = false} : vector<768x256xf32>, vector<256x1xf32>, vector<768x1xf32> -> vector<768x1xf32>
      %iota3A_76 = tpu.iota {dimensions = array<i32: 1>} : vector<768x3xi32>
      %iota3A_77 = tpu.iota {dimensions = array<i32: 0>} : vector<768x3xi32>
      %jit3A_78 = arith.constant 3 : i32
      %eq3A_79 = arith.constant 0 : i32
      %eq3A_80 = arith.cmpi eq, %jit3A_78, %eq3A_79 : i32
      %jit3A_81 = arith.constant 1 : i32
      %select_n3A_82 = arith.select %eq3A_80, %jit3A_81, %jit3A_78 : i32
      %rem3A_83 = vector.broadcast %select_n3A_82 : i32 to vector<768x3xi32>
      %rem3A_84 = arith.remsi %iota3A_77, %rem3A_83 : vector<768x3xi32>
      %ne3A_85 = arith.constant 0 : i32
      %ne3A_86 = vector.broadcast %ne3A_85 : i32 to vector<768x3xi32>
      %ne3A_87 = arith.cmpi ne, %rem3A_84, %ne3A_86 : vector<768x3xi32>
      %lt3A = arith.constant 0 : i32
      %lt3A_88 = vector.broadcast %lt3A : i32 to vector<768x3xi32>
      %lt3A_89 = arith.cmpi slt, %rem3A_84, %lt3A_88 : vector<768x3xi32>
      %lt3A_90 = arith.constant 0 : i32
      %lt3A_91 = arith.cmpi slt, %select_n3A_82, %lt3A_90 : i32
      %ne3A_92 = vector.broadcast %lt3A_91 : i1 to vector<768x3xi1>
      %ne3A_93 = vector.broadcast %ne3A_92 : vector<768x3xi1> to vector<768x3xi1>
      %ne3A_94 = arith.xori %lt3A_89, %ne3A_93 : vector<768x3xi1>
      %and3A_95 = arith.andi %ne3A_94, %ne3A_87 : vector<768x3xi1>
      %add3A_96 = vector.broadcast %select_n3A_82 : i32 to vector<768x3xi32>
      %add3A_97 = arith.addi %rem3A_84, %add3A_96 : vector<768x3xi32>
      %select_n3A_98 = arith.select %and3A_95, %add3A_97, %rem3A_84 : vector<768x3xi1>, vector<768x3xi32>
      %eq3A_99 = arith.cmpi eq, %iota3A_76, %select_n3A_98 : vector<768x3xi32>
      %convert_element_type3A_100 = arith.extui %eq3A_99 : vector<768x3xi1> to vector<768x3xi32>
      %convert_element_type3A_101 = arith.sitofp %convert_element_type3A_100 : vector<768x3xi32> to vector<768x3xf32>
      %mul3A = vector.broadcast %dot_general3A_75 : vector<768x1xf32> to vector<768x3xf32>
      %mul3A_102 = arith.mulf %mul3A, %convert_element_type3A_101 : vector<768x3xf32>
      %get3A_103 = arith.constant 0 : index
      %get3A_104 = arith.constant 0 : index
      %get3A_105 = vector.load %arg4[%get3A_103, %get3A_104] : memref<256x768xf32, #tpu.memory_space<vmem>>, vector<256x768xf32>
      %dot_general3A_106 = arith.constant dense<0.000000e+00> : vector<256x3xf32>
      %dot_general3A_107 = tpu.matmul %get3A_105, %mul3A_102, %dot_general3A_106 {dimension_numbers = #tpu.dot_dimension_numbers<[1], [0], [0], [1], [0, 0, 1, 1], [], []>, transpose_lhs_hint = false} : vector<256x768xf32>, vector<768x3xf32>, vector<256x3xf32> -> vector<256x3xf32>
      %mul3A_108 = arith.constant 2.500000e-01 : f32
      %mul3A_109 = vector.broadcast %mul3A_108 : f32 to vector<256x3xf32>
      %mul3A_110 = arith.mulf %dot_general3A_107, %mul3A_109 : vector<256x3xf32>
      %swap3A = arith.constant 0 : index
      %swap3A_111 = arith.constant 0 : index
      %swap3A_112 = vector.load %arg23[%swap3A, %swap3A_111] : memref<256x3xf32, #tpu.memory_space<vmem>>, vector<256x3xf32>
      tpu.vector_store %arg23[%swap3A, %swap3A_111], %mul3A_110 {strides = array<i32>} : memref<256x3xf32, #tpu.memory_space<vmem>>, vector<256x3xf32>,
      %get3A_113 = arith.constant 0 : index
      %get3A_114 = arith.constant 0 : index
      %get3A_115 = arith.constant 0 : index
      %get3A_116 = vector.load %arg5[%get3A_113, %get3A_114, %get3A_115] : memref<16x4x16xf32, #tpu.memory_space<vmem>>, vector<1x4x16xf32>
      %get3A_117 = vector.shape_cast %get3A_116 : vector<1x4x16xf32> to vector<4x16xf32>
      %get3A_118 = arith.constant 0 : index
      %get3A_119 = arith.constant 0 : index
      %get3A_120 = arith.constant 0 : index
      %get3A_121 = vector.load %arg6[%get3A_118, %get3A_119, %get3A_120] : memref<16x16x256xf32, #tpu.memory_space<vmem>>, vector<1x16x256xf32>
      %get3A_122 = vector.shape_cast %get3A_121 : vector<1x16x256xf32> to vector<16x256xf32>
      %dot_general3A_123 = arith.constant dense<0.000000e+00> : vector<4x256xf32>
      %dot_general3A_124 = tpu.matmul %get3A_117, %get3A_122, %dot_general3A_123 {dimension_numbers = #tpu.dot_dimension_numbers<[1], [0], [0], [1], [0, 0, 1, 1], [], []>, transpose_lhs_hint = false} : vector<4x16xf32>, vector<16x256xf32>, vector<4x256xf32> -> vector<4x256xf32>
      %swap3A_125 = arith.constant 0 : index
      %swap3A_126 = arith.constant 0 : index
      %swap3A_127 = vector.load %arg24[%swap3A_125, %swap3A_126] : memref<128x256xf32, #tpu.memory_space<vmem>>, vector<4x256xf32>
      tpu.vector_store %arg24[%swap3A_125, %swap3A_126], %dot_general3A_124 {strides = array<i32>} : memref<128x256xf32, #tpu.memory_space<vmem>>, vector<4x256xf32>,
      %get3A_128 = arith.constant 0 : index
      %get3A_129 = arith.constant 0 : index
      %get3A_130 = arith.constant 0 : index
      %get3A_131 = vector.load %arg7[%get3A_128, %get3A_129, %get3A_130] : memref<16x4x16xf32, #tpu.memory_space<vmem>>, vector<1x4x16xf32>
      %get3A_132 = vector.shape_cast %get3A_131 : vector<1x4x16xf32> to vector<4x16xf32>
      %get3A_133 = arith.constant 0 : index
      %get3A_134 = arith.constant 0 : index
      %get3A_135 = arith.constant 0 : index
      %get3A_136 = vector.load %arg8[%get3A_133, %get3A_134, %get3A_135] : memref<16x16x256xf32, #tpu.memory_space<vmem>>, vector<1x16x256xf32>
      %get3A_137 = vector.shape_cast %get3A_136 : vector<1x16x256xf32> to vector<16x256xf32>
      %dot_general3A_138 = arith.constant dense<0.000000e+00> : vector<4x256xf32>
      %dot_general3A_139 = tpu.matmul %get3A_132, %get3A_137, %dot_general3A_138 {dimension_numbers = #tpu.dot_dimension_numbers<[1], [0], [0], [1], [0, 0, 1, 1], [], []>, transpose_lhs_hint = false} : vector<4x16xf32>, vector<16x256xf32>, vector<4x256xf32> -> vector<4x256xf32>
      %swap3A_140 = arith.constant 64 : index
      %swap3A_141 = arith.constant 0 : index
      %swap3A_142 = vector.load %arg24[%swap3A_140, %swap3A_141] : memref<128x256xf32, #tpu.memory_space<vmem>>, vector<4x256xf32>
      tpu.vector_store %arg24[%swap3A_140, %swap3A_141], %dot_general3A_139 {strides = array<i32>} : memref<128x256xf32, #tpu.memory_space<vmem>>, vector<4x256xf32>,
      %get3A_143 = arith.constant 1 : index
      %get3A_144 = arith.constant 0 : index
      %get3A_145 = arith.constant 0 : index
      %get3A_146 = vector.load %arg5[%get3A_143, %get3A_144, %get3A_145] : memref<16x4x16xf32, #tpu.memory_space<vmem>>, vector<1x4x16xf32>
      %get3A_147 = vector.shape_cast %get3A_146 : vector<1x4x16xf32> to vector<4x16xf32>
      %get3A_148 = arith.constant 1 : index
      %get3A_149 = arith.constant 0 : index
      %get3A_150 = arith.constant 0 : index
      %get3A_151 = vector.load %arg6[%get3A_148, %get3A_149, %get3A_150] : memref<16x16x256xf32, #tpu.memory_space<vmem>>, vector<1x16x256xf32>
      %get3A_152 = vector.shape_cast %get3A_151 : vector<1x16x256xf32> to vector<16x256xf32>
      %dot_general3A_153 = arith.constant dense<0.000000e+00> : vector<4x256xf32>
      %dot_general3A_154 = tpu.matmul %get3A_147, %get3A_152, %dot_general3A_153 {dimension_numbers = #tpu.dot_dimension_numbers<[1], [0], [0], [1], [0, 0, 1, 1], [], []>, transpose_lhs_hint = false} : vector<4x16xf32>, vector<16x256xf32>, vector<4x256xf32> -> vector<4x256xf32>
      %swap3A_155 = arith.constant 4 : index
      %swap3A_156 = arith.constant 0 : index
      %swap3A_157 = vector.load %arg24[%swap3A_155, %swap3A_156] : memref<128x256xf32, #tpu.memory_space<vmem>>, vector<4x256xf32>
      tpu.vector_store %arg24[%swap3A_155, %swap3A_156], %dot_general3A_154 {strides = array<i32>} : memref<128x256xf32, #tpu.memory_space<vmem>>, vector<4x256xf32>,
      %get3A_158 = arith.constant 1 : index
      %get3A_159 = arith.constant 0 : index
      %get3A_160 = arith.constant 0 : index
      %get3A_161 = vector.load %arg7[%get3A_158, %get3A_159, %get3A_160] : memref<16x4x16xf32, #tpu.memory_space<vmem>>, vector<1x4x16xf32>
      %get3A_162 = vector.shape_cast %get3A_161 : vector<1x4x16xf32> to vector<4x16xf32>
      %get3A_163 = arith.constant 1 : index
      %get3A_164 = arith.constant 0 : index
      %get3A_165 = arith.constant 0 : index
      %get3A_166 = vector.load %arg8[%get3A_163, %get3A_164, %get3A_165] : memref<16x16x256xf32, #tpu.memory_space<vmem>>, vector<1x16x256xf32>
      %get3A_167 = vector.shape_cast %get3A_166 : vector<1x16x256xf32> to vector<16x256xf32>
      %dot_general3A_168 = arith.constant dense<0.000000e+00> : vector<4x256xf32>
      %dot_general3A_169 = tpu.matmul %get3A_162, %get3A_167, %dot_general3A_168 {dimension_numbers = #tpu.dot_dimension_numbers<[1], [0], [0], [1], [0, 0, 1, 1], [], []>, transpose_lhs_hint = false} : vector<4x16xf32>, vector<16x256xf32>, vector<4x256xf32> -> vector<4x256xf32>
      %swap3A_170 = arith.constant 68 : index
      %swap3A_171 = arith.constant 0 : index
      %swap3A_172 = vector.load %arg24[%swap3A_170, %swap3A_171] : memref<128x256xf32, #tpu.memory_space<vmem>>, vector<4x256xf32>
      tpu.vector_store %arg24[%swap3A_170, %swap3A_171], %dot_general3A_169 {strides = array<i32>} : memref<128x256xf32, #tpu.memory_space<vmem>>, vector<4x256xf32>,
      %get3A_173 = arith.constant 2 : index
      %get3A_174 = arith.constant 0 : index
      %get3A_175 = arith.constant 0 : index
      %get3A_176 = vector.load %arg5[%get3A_173, %get3A_174, %get3A_175] : memref<16x4x16xf32, #tpu.memory_space<vmem>>, vector<1x4x16xf32>
      %get3A_177 = vector.shape_cast %get3A_176 : vector<1x4x16xf32> to vector<4x16xf32>
      %get3A_178 = arith.constant 2 : index
      %get3A_179 = arith.constant 0 : index
      %get3A_180 = arith.constant 0 : index
      %get3A_181 = vector.load %arg6[%get3A_178, %get3A_179, %get3A_180] : memref<16x16x256xf32, #tpu.memory_space<vmem>>, vector<1x16x256xf32>
      %get3A_182 = vector.shape_cast %get3A_181 : vector<1x16x256xf32> to vector<16x256xf32>
      %dot_general3A_183 = arith.constant dense<0.000000e+00> : vector<4x256xf32>
      %dot_general3A_184 = tpu.matmul %get3A_177, %get3A_182, %dot_general3A_183 {dimension_numbers = #tpu.dot_dimension_numbers<[1], [0], [0], [1], [0, 0, 1, 1], [], []>, transpose_lhs_hint = false} : vector<4x16xf32>, vector<16x256xf32>, vector<4x256xf32> -> vector<4x256xf32>
      %swap3A_185 = arith.constant 8 : index
      %swap3A_186 = arith.constant 0 : index
      %swap3A_187 = vector.load %arg24[%swap3A_185, %swap3A_186] : memref<128x256xf32, #tpu.memory_space<vmem>>, vector<4x256xf32>
      tpu.vector_store %arg24[%swap3A_185, %swap3A_186], %dot_general3A_184 {strides = array<i32>} : memref<128x256xf32, #tpu.memory_space<vmem>>, vector<4x256xf32>,
      %get3A_188 = arith.constant 2 : index
      %get3A_189 = arith.constant 0 : index
      %get3A_190 = arith.constant 0 : index
      %get3A_191 = vector.load %arg7[%get3A_188, %get3A_189, %get3A_190] : memref<16x4x16xf32, #tpu.memory_space<vmem>>, vector<1x4x16xf32>
      %get3A_192 = vector.shape_cast %get3A_191 : vector<1x4x16xf32> to vector<4x16xf32>
      %get3A_193 = arith.constant 2 : index
      %get3A_194 = arith.constant 0 : index
      %get3A_195 = arith.constant 0 : index
      %get3A_196 = vector.load %arg8[%get3A_193, %get3A_194, %get3A_195] : memref<16x16x256xf32, #tpu.memory_space<vmem>>, vector<1x16x256xf32>
      %get3A_197 = vector.shape_cast %get3A_196 : vector<1x16x256xf32> to vector<16x256xf32>
      %dot_general3A_198 = arith.constant dense<0.000000e+00> : vector<4x256xf32>
      %dot_general3A_199 = tpu.matmul %get3A_192, %get3A_197, %dot_general3A_198 {dimension_numbers = #tpu.dot_dimension_numbers<[1], [0], [0], [1], [0, 0, 1, 1], [], []>, transpose_lhs_hint = false} : vector<4x16xf32>, vector<16x256xf32>, vector<4x256xf32> -> vector<4x256xf32>
      %swap3A_200 = arith.constant 72 : index
      %swap3A_201 = arith.constant 0 : index
      %swap3A_202 = vector.load %arg24[%swap3A_200, %swap3A_201] : memref<128x256xf32, #tpu.memory_space<vmem>>, vector<4x256xf32>
      tpu.vector_store %arg24[%swap3A_200, %swap3A_201], %dot_general3A_199 {strides = array<i32>} : memref<128x256xf32, #tpu.memory_space<vmem>>, vector<4x256xf32>,
      %get3A_203 = arith.constant 3 : index
      %get3A_204 = arith.constant 0 : index
      %get3A_205 = arith.constant 0 : index
      %get3A_206 = vector.load %arg5[%get3A_203, %get3A_204, %get3A_205] : memref<16x4x16xf32, #tpu.memory_space<vmem>>, vector<1x4x16xf32>
      %get3A_207 = vector.shape_cast %get3A_206 : vector<1x4x16xf32> to vector<4x16xf32>
      %get3A_208 = arith.constant 3 : index
      %get3A_209 = arith.constant 0 : index
      %get3A_210 = arith.constant 0 : index
      %get3A_211 = vector.load %arg6[%get3A_208, %get3A_209, %get3A_210] : memref<16x16x256xf32, #tpu.memory_space<vmem>>, vector<1x16x256xf32>
      %get3A_212 = vector.shape_cast %get3A_211 : vector<1x16x256xf32> to vector<16x256xf32>
      %dot_general3A_213 = arith.constant dense<0.000000e+00> : vector<4x256xf32>
      %dot_general3A_214 = tpu.matmul %get3A_207, %get3A_212, %dot_general3A_213 {dimension_numbers = #tpu.dot_dimension_numbers<[1], [0], [0], [1], [0, 0, 1, 1], [], []>, transpose_lhs_hint = false} : vector<4x16xf32>, vector<16x256xf32>, vector<4x256xf32> -> vector<4x256xf32>
      %swap3A_215 = arith.constant 12 : index
      %swap3A_216 = arith.constant 0 : index
      %swap3A_217 = vector.load %arg24[%swap3A_215, %swap3A_216] : memref<128x256xf32, #tpu.memory_space<vmem>>, vector<4x256xf32>
      tpu.vector_store %arg24[%swap3A_215, %swap3A_216], %dot_general3A_214 {strides = array<i32>} : memref<128x256xf32, #tpu.memory_space<vmem>>, vector<4x256xf32>,
      %get3A_218 = arith.constant 3 : index
      %get3A_219 = arith.constant 0 : index
      %get3A_220 = arith.constant 0 : index
      %get3A_221 = vector.load %arg7[%get3A_218, %get3A_219, %get3A_220] : memref<16x4x16xf32, #tpu.memory_space<vmem>>, vector<1x4x16xf32>
      %get3A_222 = vector.shape_cast %get3A_221 : vector<1x4x16xf32> to vector<4x16xf32>
      %get3A_223 = arith.constant 3 : index
      %get3A_224 = arith.constant 0 : index
      %get3A_225 = arith.constant 0 : index
      %get3A_226 = vector.load %arg8[%get3A_223, %get3A_224, %get3A_225] : memref<16x16x256xf32, #tpu.memory_space<vmem>>, vector<1x16x256xf32>
      %get3A_227 = vector.shape_cast %get3A_226 : vector<1x16x256xf32> to vector<16x256xf32>
      %dot_general3A_228 = arith.constant dense<0.000000e+00> : vector<4x256xf32>
      %dot_general3A_229 = tpu.matmul %get3A_222, %get3A_227, %dot_general3A_228 {dimension_numbers = #tpu.dot_dimension_numbers<[1], [0], [0], [1], [0, 0, 1, 1], [], []>, transpose_lhs_hint = false} : vector<4x16xf32>, vector<16x256xf32>, vector<4x256xf32> -> vector<4x256xf32>
      %swap3A_230 = arith.constant 76 : index
      %swap3A_231 = arith.constant 0 : index
      %swap3A_232 = vector.load %arg24[%swap3A_230, %swap3A_231] : memref<128x256xf32, #tpu.memory_space<vmem>>, vector<4x256xf32>
      tpu.vector_store %arg24[%swap3A_230, %swap3A_231], %dot_general3A_229 {strides = array<i32>} : memref<128x256xf32, #tpu.memory_space<vmem>>, vector<4x256xf32>,
      %get3A_233 = arith.constant 4 : index
      %get3A_234 = arith.constant 0 : index
      %get3A_235 = arith.constant 0 : index
      %get3A_236 = vector.load %arg5[%get3A_233, %get3A_234, %get3A_235] : memref<16x4x16xf32, #tpu.memory_space<vmem>>, vector<1x4x16xf32>
      %get3A_237 = vector.shape_cast %get3A_236 : vector<1x4x16xf32> to vector<4x16xf32>
      %get3A_238 = arith.constant 4 : index
      %get3A_239 = arith.constant 0 : index
      %get3A_240 = arith.constant 0 : index
      %get3A_241 = vector.load %arg6[%get3A_238, %get3A_239, %get3A_240] : memref<16x16x256xf32, #tpu.memory_space<vmem>>, vector<1x16x256xf32>
      %get3A_242 = vector.shape_cast %get3A_241 : vector<1x16x256xf32> to vector<16x256xf32>
      %dot_general3A_243 = arith.constant dense<0.000000e+00> : vector<4x256xf32>
      %dot_general3A_244 = tpu.matmul %get3A_237, %get3A_242, %dot_general3A_243 {dimension_numbers = #tpu.dot_dimension_numbers<[1], [0], [0], [1], [0, 0, 1, 1], [], []>, transpose_lhs_hint = false} : vector<4x16xf32>, vector<16x256xf32>, vector<4x256xf32> -> vector<4x256xf32>
      %swap3A_245 = arith.constant 16 : index
      %swap3A_246 = arith.constant 0 : index
      %swap3A_247 = vector.load %arg24[%swap3A_245, %swap3A_246] : memref<128x256xf32, #tpu.memory_space<vmem>>, vector<4x256xf32>
      tpu.vector_store %arg24[%swap3A_245, %swap3A_246], %dot_general3A_244 {strides = array<i32>} : memref<128x256xf32, #tpu.memory_space<vmem>>, vector<4x256xf32>,
      %get3A_248 = arith.constant 4 : index
      %get3A_249 = arith.constant 0 : index
      %get3A_250 = arith.constant 0 : index
      %get3A_251 = vector.load %arg7[%get3A_248, %get3A_249, %get3A_250] : memref<16x4x16xf32, #tpu.memory_space<vmem>>, vector<1x4x16xf32>
      %get3A_252 = vector.shape_cast %get3A_251 : vector<1x4x16xf32> to vector<4x16xf32>
      %get3A_253 = arith.constant 4 : index
      %get3A_254 = arith.constant 0 : index
      %get3A_255 = arith.constant 0 : index
      %get3A_256 = vector.load %arg8[%get3A_253, %get3A_254, %get3A_255] : memref<16x16x256xf32, #tpu.memory_space<vmem>>, vector<1x16x256xf32>
      %get3A_257 = vector.shape_cast %get3A_256 : vector<1x16x256xf32> to vector<16x256xf32>
      %dot_general3A_258 = arith.constant dense<0.000000e+00> : vector<4x256xf32>
      %dot_general3A_259 = tpu.matmul %get3A_252, %get3A_257, %dot_general3A_258 {dimension_numbers = #tpu.dot_dimension_numbers<[1], [0], [0], [1], [0, 0, 1, 1], [], []>, transpose_lhs_hint = false} : vector<4x16xf32>, vector<16x256xf32>, vector<4x256xf32> -> vector<4x256xf32>
      %swap3A_260 = arith.constant 80 : index
      %swap3A_261 = arith.constant 0 : index
      %swap3A_262 = vector.load %arg24[%swap3A_260, %swap3A_261] : memref<128x256xf32, #tpu.memory_space<vmem>>, vector<4x256xf32>
      tpu.vector_store %arg24[%swap3A_260, %swap3A_261], %dot_general3A_259 {strides = array<i32>} : memref<128x256xf32, #tpu.memory_space<vmem>>, vector<4x256xf32>,
      %get3A_263 = arith.constant 5 : index
      %get3A_264 = arith.constant 0 : index
      %get3A_265 = arith.constant 0 : index
      %get3A_266 = vector.load %arg5[%get3A_263, %get3A_264, %get3A_265] : memref<16x4x16xf32, #tpu.memory_space<vmem>>, vector<1x4x16xf32>
      %get3A_267 = vector.shape_cast %get3A_266 : vector<1x4x16xf32> to vector<4x16xf32>
      %get3A_268 = arith.constant 5 : index
      %get3A_269 = arith.constant 0 : index
      %get3A_270 = arith.constant 0 : index
      %get3A_271 = vector.load %arg6[%get3A_268, %get3A_269, %get3A_270] : memref<16x16x256xf32, #tpu.memory_space<vmem>>, vector<1x16x256xf32>
      %get3A_272 = vector.shape_cast %get3A_271 : vector<1x16x256xf32> to vector<16x256xf32>
      %dot_general3A_273 = arith.constant dense<0.000000e+00> : vector<4x256xf32>
      %dot_general3A_274 = tpu.matmul %get3A_267, %get3A_272, %dot_general3A_273 {dimension_numbers = #tpu.dot_dimension_numbers<[1], [0], [0], [1], [0, 0, 1, 1], [], []>, transpose_lhs_hint = false} : vector<4x16xf32>, vector<16x256xf32>, vector<4x256xf32> -> vector<4x256xf32>
      %swap3A_275 = arith.constant 20 : index
      %swap3A_276 = arith.constant 0 : index
      %swap3A_277 = vector.load %arg24[%swap3A_275, %swap3A_276] : memref<128x256xf32, #tpu.memory_space<vmem>>, vector<4x256xf32>
      tpu.vector_store %arg24[%swap3A_275, %swap3A_276], %dot_general3A_274 {strides = array<i32>} : memref<128x256xf32, #tpu.memory_space<vmem>>, vector<4x256xf32>,
      %get3A_278 = arith.constant 5 : index
      %get3A_279 = arith.constant 0 : index
      %get3A_280 = arith.constant 0 : index
      %get3A_281 = vector.load %arg7[%get3A_278, %get3A_279, %get3A_280] : memref<16x4x16xf32, #tpu.memory_space<vmem>>, vector<1x4x16xf32>
      %get3A_282 = vector.shape_cast %get3A_281 : vector<1x4x16xf32> to vector<4x16xf32>
      %get3A_283 = arith.constant 5 : index
      %get3A_284 = arith.constant 0 : index
      %get3A_285 = arith.constant 0 : index
      %get3A_286 = vector.load %arg8[%get3A_283, %get3A_284, %get3A_285] : memref<16x16x256xf32, #tpu.memory_space<vmem>>, vector<1x16x256xf32>
      %get3A_287 = vector.shape_cast %get3A_286 : vector<1x16x256xf32> to vector<16x256xf32>
      %dot_general3A_288 = arith.constant dense<0.000000e+00> : vector<4x256xf32>
      %dot_general3A_289 = tpu.matmul %get3A_282, %get3A_287, %dot_general3A_288 {dimension_numbers = #tpu.dot_dimension_numbers<[1], [0], [0], [1], [0, 0, 1, 1], [], []>, transpose_lhs_hint = false} : vector<4x16xf32>, vector<16x256xf32>, vector<4x256xf32> -> vector<4x256xf32>
      %swap3A_290 = arith.constant 84 : index
      %swap3A_291 = arith.constant 0 : index
      %swap3A_292 = vector.load %arg24[%swap3A_290, %swap3A_291] : memref<128x256xf32, #tpu.memory_space<vmem>>, vector<4x256xf32>
      tpu.vector_store %arg24[%swap3A_290, %swap3A_291], %dot_general3A_289 {strides = array<i32>} : memref<128x256xf32, #tpu.memory_space<vmem>>, vector<4x256xf32>,
      %get3A_293 = arith.constant 6 : index
      %get3A_294 = arith.constant 0 : index
      %get3A_295 = arith.constant 0 : index
      %get3A_296 = vector.load %arg5[%get3A_293, %get3A_294, %get3A_295] : memref<16x4x16xf32, #tpu.memory_space<vmem>>, vector<1x4x16xf32>
      %get3A_297 = vector.shape_cast %get3A_296 : vector<1x4x16xf32> to vector<4x16xf32>
      %get3A_298 = arith.constant 6 : index
      %get3A_299 = arith.constant 0 : index
      %get3A_300 = arith.constant 0 : index
      %get3A_301 = vector.load %arg6[%get3A_298, %get3A_299, %get3A_300] : memref<16x16x256xf32, #tpu.memory_space<vmem>>, vector<1x16x256xf32>
      %get3A_302 = vector.shape_cast %get3A_301 : vector<1x16x256xf32> to vector<16x256xf32>
      %dot_general3A_303 = arith.constant dense<0.000000e+00> : vector<4x256xf32>
      %dot_general3A_304 = tpu.matmul %get3A_297, %get3A_302, %dot_general3A_303 {dimension_numbers = #tpu.dot_dimension_numbers<[1], [0], [0], [1], [0, 0, 1, 1], [], []>, transpose_lhs_hint = false} : vector<4x16xf32>, vector<16x256xf32>, vector<4x256xf32> -> vector<4x256xf32>
      %swap3A_305 = arith.constant 24 : index
      %swap3A_306 = arith.constant 0 : index
      %swap3A_307 = vector.load %arg24[%swap3A_305, %swap3A_306] : memref<128x256xf32, #tpu.memory_space<vmem>>, vector<4x256xf32>
      tpu.vector_store %arg24[%swap3A_305, %swap3A_306], %dot_general3A_304 {strides = array<i32>} : memref<128x256xf32, #tpu.memory_space<vmem>>, vector<4x256xf32>,
      %get3A_308 = arith.constant 6 : index
      %get3A_309 = arith.constant 0 : index
      %get3A_310 = arith.constant 0 : index
      %get3A_311 = vector.load %arg7[%get3A_308, %get3A_309, %get3A_310] : memref<16x4x16xf32, #tpu.memory_space<vmem>>, vector<1x4x16xf32>
      %get3A_312 = vector.shape_cast %get3A_311 : vector<1x4x16xf32> to vector<4x16xf32>
      %get3A_313 = arith.constant 6 : index
      %get3A_314 = arith.constant 0 : index
      %get3A_315 = arith.constant 0 : index
      %get3A_316 = vector.load %arg8[%get3A_313, %get3A_314, %get3A_315] : memref<16x16x256xf32, #tpu.memory_space<vmem>>, vector<1x16x256xf32>
      %get3A_317 = vector.shape_cast %get3A_316 : vector<1x16x256xf32> to vector<16x256xf32>
      %dot_general3A_318 = arith.constant dense<0.000000e+00> : vector<4x256xf32>
      %dot_general3A_319 = tpu.matmul %get3A_312, %get3A_317, %dot_general3A_318 {dimension_numbers = #tpu.dot_dimension_numbers<[1], [0], [0], [1], [0, 0, 1, 1], [], []>, transpose_lhs_hint = false} : vector<4x16xf32>, vector<16x256xf32>, vector<4x256xf32> -> vector<4x256xf32>
      %swap3A_320 = arith.constant 88 : index
      %swap3A_321 = arith.constant 0 : index
      %swap3A_322 = vector.load %arg24[%swap3A_320, %swap3A_321] : memref<128x256xf32, #tpu.memory_space<vmem>>, vector<4x256xf32>
      tpu.vector_store %arg24[%swap3A_320, %swap3A_321], %dot_general3A_319 {strides = array<i32>} : memref<128x256xf32, #tpu.memory_space<vmem>>, vector<4x256xf32>,
      %get3A_323 = arith.constant 7 : index
      %get3A_324 = arith.constant 0 : index
      %get3A_325 = arith.constant 0 : index
      %get3A_326 = vector.load %arg5[%get3A_323, %get3A_324, %get3A_325] : memref<16x4x16xf32, #tpu.memory_space<vmem>>, vector<1x4x16xf32>
      %get3A_327 = vector.shape_cast %get3A_326 : vector<1x4x16xf32> to vector<4x16xf32>
      %get3A_328 = arith.constant 7 : index
      %get3A_329 = arith.constant 0 : index
      %get3A_330 = arith.constant 0 : index
      %get3A_331 = vector.load %arg6[%get3A_328, %get3A_329, %get3A_330] : memref<16x16x256xf32, #tpu.memory_space<vmem>>, vector<1x16x256xf32>
      %get3A_332 = vector.shape_cast %get3A_331 : vector<1x16x256xf32> to vector<16x256xf32>
      %dot_general3A_333 = arith.constant dense<0.000000e+00> : vector<4x256xf32>
      %dot_general3A_334 = tpu.matmul %get3A_327, %get3A_332, %dot_general3A_333 {dimension_numbers = #tpu.dot_dimension_numbers<[1], [0], [0], [1], [0, 0, 1, 1], [], []>, transpose_lhs_hint = false} : vector<4x16xf32>, vector<16x256xf32>, vector<4x256xf32> -> vector<4x256xf32>
      %swap3A_335 = arith.constant 28 : index
      %swap3A_336 = arith.constant 0 : index
      %swap3A_337 = vector.load %arg24[%swap3A_335, %swap3A_336] : memref<128x256xf32, #tpu.memory_space<vmem>>, vector<4x256xf32>
      tpu.vector_store %arg24[%swap3A_335, %swap3A_336], %dot_general3A_334 {strides = array<i32>} : memref<128x256xf32, #tpu.memory_space<vmem>>, vector<4x256xf32>,
      %get3A_338 = arith.constant 7 : index
      %get3A_339 = arith.constant 0 : index
      %get3A_340 = arith.constant 0 : index
      %get3A_341 = vector.load %arg7[%get3A_338, %get3A_339, %get3A_340] : memref<16x4x16xf32, #tpu.memory_space<vmem>>, vector<1x4x16xf32>
      %get3A_342 = vector.shape_cast %get3A_341 : vector<1x4x16xf32> to vector<4x16xf32>
      %get3A_343 = arith.constant 7 : index
      %get3A_344 = arith.constant 0 : index
      %get3A_345 = arith.constant 0 : index
      %get3A_346 = vector.load %arg8[%get3A_343, %get3A_344, %get3A_345] : memref<16x16x256xf32, #tpu.memory_space<vmem>>, vector<1x16x256xf32>
      %get3A_347 = vector.shape_cast %get3A_346 : vector<1x16x256xf32> to vector<16x256xf32>
      %dot_general3A_348 = arith.constant dense<0.000000e+00> : vector<4x256xf32>
      %dot_general3A_349 = tpu.matmul %get3A_342, %get3A_347, %dot_general3A_348 {dimension_numbers = #tpu.dot_dimension_numbers<[1], [0], [0], [1], [0, 0, 1, 1], [], []>, transpose_lhs_hint = false} : vector<4x16xf32>, vector<16x256xf32>, vector<4x256xf32> -> vector<4x256xf32>
      %swap3A_350 = arith.constant 92 : index
      %swap3A_351 = arith.constant 0 : index
      %swap3A_352 = vector.load %arg24[%swap3A_350, %swap3A_351] : memref<128x256xf32, #tpu.memory_space<vmem>>, vector<4x256xf32>
      tpu.vector_store %arg24[%swap3A_350, %swap3A_351], %dot_general3A_349 {strides = array<i32>} : memref<128x256xf32, #tpu.memory_space<vmem>>, vector<4x256xf32>,
      %get3A_353 = arith.constant 8 : index
      %get3A_354 = arith.constant 0 : index
      %get3A_355 = arith.constant 0 : index
      %get3A_356 = vector.load %arg5[%get3A_353, %get3A_354, %get3A_355] : memref<16x4x16xf32, #tpu.memory_space<vmem>>, vector<1x4x16xf32>
      %get3A_357 = vector.shape_cast %get3A_356 : vector<1x4x16xf32> to vector<4x16xf32>
      %get3A_358 = arith.constant 8 : index
      %get3A_359 = arith.constant 0 : index
      %get3A_360 = arith.constant 0 : index
      %get3A_361 = vector.load %arg6[%get3A_358, %get3A_359, %get3A_360] : memref<16x16x256xf32, #tpu.memory_space<vmem>>, vector<1x16x256xf32>
      %get3A_362 = vector.shape_cast %get3A_361 : vector<1x16x256xf32> to vector<16x256xf32>
      %dot_general3A_363 = arith.constant dense<0.000000e+00> : vector<4x256xf32>
      %dot_general3A_364 = tpu.matmul %get3A_357, %get3A_362, %dot_general3A_363 {dimension_numbers = #tpu.dot_dimension_numbers<[1], [0], [0], [1], [0, 0, 1, 1], [], []>, transpose_lhs_hint = false} : vector<4x16xf32>, vector<16x256xf32>, vector<4x256xf32> -> vector<4x256xf32>
      %swap3A_365 = arith.constant 32 : index
      %swap3A_366 = arith.constant 0 : index
      %swap3A_367 = vector.load %arg24[%swap3A_365, %swap3A_366] : memref<128x256xf32, #tpu.memory_space<vmem>>, vector<4x256xf32>
      tpu.vector_store %arg24[%swap3A_365, %swap3A_366], %dot_general3A_364 {strides = array<i32>} : memref<128x256xf32, #tpu.memory_space<vmem>>, vector<4x256xf32>,
      %get3A_368 = arith.constant 8 : index
      %get3A_369 = arith.constant 0 : index
      %get3A_370 = arith.constant 0 : index
      %get3A_371 = vector.load %arg7[%get3A_368, %get3A_369, %get3A_370] : memref<16x4x16xf32, #tpu.memory_space<vmem>>, vector<1x4x16xf32>
      %get3A_372 = vector.shape_cast %get3A_371 : vector<1x4x16xf32> to vector<4x16xf32>
      %get3A_373 = arith.constant 8 : index
      %get3A_374 = arith.constant 0 : index
      %get3A_375 = arith.constant 0 : index
      %get3A_376 = vector.load %arg8[%get3A_373, %get3A_374, %get3A_375] : memref<16x16x256xf32, #tpu.memory_space<vmem>>, vector<1x16x256xf32>
      %get3A_377 = vector.shape_cast %get3A_376 : vector<1x16x256xf32> to vector<16x256xf32>
      %dot_general3A_378 = arith.constant dense<0.000000e+00> : vector<4x256xf32>
      %dot_general3A_379 = tpu.matmul %get3A_372, %get3A_377, %dot_general3A_378 {dimension_numbers = #tpu.dot_dimension_numbers<[1], [0], [0], [1], [0, 0, 1, 1], [], []>, transpose_lhs_hint = false} : vector<4x16xf32>, vector<16x256xf32>, vector<4x256xf32> -> vector<4x256xf32>
      %swap3A_380 = arith.constant 96 : index
      %swap3A_381 = arith.constant 0 : index
      %swap3A_382 = vector.load %arg24[%swap3A_380, %swap3A_381] : memref<128x256xf32, #tpu.memory_space<vmem>>, vector<4x256xf32>
      tpu.vector_store %arg24[%swap3A_380, %swap3A_381], %dot_general3A_379 {strides = array<i32>} : memref<128x256xf32, #tpu.memory_space<vmem>>, vector<4x256xf32>,
      %get3A_383 = arith.constant 9 : index
      %get3A_384 = arith.constant 0 : index
      %get3A_385 = arith.constant 0 : index
      %get3A_386 = vector.load %arg5[%get3A_383, %get3A_384, %get3A_385] : memref<16x4x16xf32, #tpu.memory_space<vmem>>, vector<1x4x16xf32>
      %get3A_387 = vector.shape_cast %get3A_386 : vector<1x4x16xf32> to vector<4x16xf32>
      %get3A_388 = arith.constant 9 : index
      %get3A_389 = arith.constant 0 : index
      %get3A_390 = arith.constant 0 : index
      %get3A_391 = vector.load %arg6[%get3A_388, %get3A_389, %get3A_390] : memref<16x16x256xf32, #tpu.memory_space<vmem>>, vector<1x16x256xf32>
      %get3A_392 = vector.shape_cast %get3A_391 : vector<1x16x256xf32> to vector<16x256xf32>
      %dot_general3A_393 = arith.constant dense<0.000000e+00> : vector<4x256xf32>
      %dot_general3A_394 = tpu.matmul %get3A_387, %get3A_392, %dot_general3A_393 {dimension_numbers = #tpu.dot_dimension_numbers<[1], [0], [0], [1], [0, 0, 1, 1], [], []>, transpose_lhs_hint = false} : vector<4x16xf32>, vector<16x256xf32>, vector<4x256xf32> -> vector<4x256xf32>
      %swap3A_395 = arith.constant 36 : index
      %swap3A_396 = arith.constant 0 : index
      %swap3A_397 = vector.load %arg24[%swap3A_395, %swap3A_396] : memref<128x256xf32, #tpu.memory_space<vmem>>, vector<4x256xf32>
      tpu.vector_store %arg24[%swap3A_395, %swap3A_396], %dot_general3A_394 {strides = array<i32>} : memref<128x256xf32, #tpu.memory_space<vmem>>, vector<4x256xf32>,
      %get3A_398 = arith.constant 9 : index
      %get3A_399 = arith.constant 0 : index
      %get3A_400 = arith.constant 0 : index
      %get3A_401 = vector.load %arg7[%get3A_398, %get3A_399, %get3A_400] : memref<16x4x16xf32, #tpu.memory_space<vmem>>, vector<1x4x16xf32>
      %get3A_402 = vector.shape_cast %get3A_401 : vector<1x4x16xf32> to vector<4x16xf32>
      %get3A_403 = arith.constant 9 : index
      %get3A_404 = arith.constant 0 : index
      %get3A_405 = arith.constant 0 : index
      %get3A_406 = vector.load %arg8[%get3A_403, %get3A_404, %get3A_405] : memref<16x16x256xf32, #tpu.memory_space<vmem>>, vector<1x16x256xf32>
      %get3A_407 = vector.shape_cast %get3A_406 : vector<1x16x256xf32> to vector<16x256xf32>
      %dot_general3A_408 = arith.constant dense<0.000000e+00> : vector<4x256xf32>
      %dot_general3A_409 = tpu.matmul %get3A_402, %get3A_407, %dot_general3A_408 {dimension_numbers = #tpu.dot_dimension_numbers<[1], [0], [0], [1], [0, 0, 1, 1], [], []>, transpose_lhs_hint = false} : vector<4x16xf32>, vector<16x256xf32>, vector<4x256xf32> -> vector<4x256xf32>
      %swap3A_410 = arith.constant 100 : index
      %swap3A_411 = arith.constant 0 : index
      %swap3A_412 = vector.load %arg24[%swap3A_410, %swap3A_411] : memref<128x256xf32, #tpu.memory_space<vmem>>, vector<4x256xf32>
      tpu.vector_store %arg24[%swap3A_410, %swap3A_411], %dot_general3A_409 {strides = array<i32>} : memref<128x256xf32, #tpu.memory_space<vmem>>, vector<4x256xf32>,
      %get3A_413 = arith.constant 10 : index
      %get3A_414 = arith.constant 0 : index
      %get3A_415 = arith.constant 0 : index
      %get3A_416 = vector.load %arg5[%get3A_413, %get3A_414, %get3A_415] : memref<16x4x16xf32, #tpu.memory_space<vmem>>, vector<1x4x16xf32>
      %get3A_417 = vector.shape_cast %get3A_416 : vector<1x4x16xf32> to vector<4x16xf32>
      %get3A_418 = arith.constant 10 : index
      %get3A_419 = arith.constant 0 : index
      %get3A_420 = arith.constant 0 : index
      %get3A_421 = vector.load %arg6[%get3A_418, %get3A_419, %get3A_420] : memref<16x16x256xf32, #tpu.memory_space<vmem>>, vector<1x16x256xf32>
      %get3A_422 = vector.shape_cast %get3A_421 : vector<1x16x256xf32> to vector<16x256xf32>
      %dot_general3A_423 = arith.constant dense<0.000000e+00> : vector<4x256xf32>
      %dot_general3A_424 = tpu.matmul %get3A_417, %get3A_422, %dot_general3A_423 {dimension_numbers = #tpu.dot_dimension_numbers<[1], [0], [0], [1], [0, 0, 1, 1], [], []>, transpose_lhs_hint = false} : vector<4x16xf32>, vector<16x256xf32>, vector<4x256xf32> -> vector<4x256xf32>
      %swap3A_425 = arith.constant 40 : index
      %swap3A_426 = arith.constant 0 : index
      %swap3A_427 = vector.load %arg24[%swap3A_425, %swap3A_426] : memref<128x256xf32, #tpu.memory_space<vmem>>, vector<4x256xf32>
      tpu.vector_store %arg24[%swap3A_425, %swap3A_426], %dot_general3A_424 {strides = array<i32>} : memref<128x256xf32, #tpu.memory_space<vmem>>, vector<4x256xf32>,
      %get3A_428 = arith.constant 10 : index
      %get3A_429 = arith.constant 0 : index
      %get3A_430 = arith.constant 0 : index
      %get3A_431 = vector.load %arg7[%get3A_428, %get3A_429, %get3A_430] : memref<16x4x16xf32, #tpu.memory_space<vmem>>, vector<1x4x16xf32>
      %get3A_432 = vector.shape_cast %get3A_431 : vector<1x4x16xf32> to vector<4x16xf32>
      %get3A_433 = arith.constant 10 : index
      %get3A_434 = arith.constant 0 : index
      %get3A_435 = arith.constant 0 : index
      %get3A_436 = vector.load %arg8[%get3A_433, %get3A_434, %get3A_435] : memref<16x16x256xf32, #tpu.memory_space<vmem>>, vector<1x16x256xf32>
      %get3A_437 = vector.shape_cast %get3A_436 : vector<1x16x256xf32> to vector<16x256xf32>
      %dot_general3A_438 = arith.constant dense<0.000000e+00> : vector<4x256xf32>
      %dot_general3A_439 = tpu.matmul %get3A_432, %get3A_437, %dot_general3A_438 {dimension_numbers = #tpu.dot_dimension_numbers<[1], [0], [0], [1], [0, 0, 1, 1], [], []>, transpose_lhs_hint = false} : vector<4x16xf32>, vector<16x256xf32>, vector<4x256xf32> -> vector<4x256xf32>
      %swap3A_440 = arith.constant 104 : index
      %swap3A_441 = arith.constant 0 : index
      %swap3A_442 = vector.load %arg24[%swap3A_440, %swap3A_441] : memref<128x256xf32, #tpu.memory_space<vmem>>, vector<4x256xf32>
      tpu.vector_store %arg24[%swap3A_440, %swap3A_441], %dot_general3A_439 {strides = array<i32>} : memref<128x256xf32, #tpu.memory_space<vmem>>, vector<4x256xf32>,
      %get3A_443 = arith.constant 11 : index
      %get3A_444 = arith.constant 0 : index
      %get3A_445 = arith.constant 0 : index
      %get3A_446 = vector.load %arg5[%get3A_443, %get3A_444, %get3A_445] : memref<16x4x16xf32, #tpu.memory_space<vmem>>, vector<1x4x16xf32>
      %get3A_447 = vector.shape_cast %get3A_446 : vector<1x4x16xf32> to vector<4x16xf32>
      %get3A_448 = arith.constant 11 : index
      %get3A_449 = arith.constant 0 : index
      %get3A_450 = arith.constant 0 : index
      %get3A_451 = vector.load %arg6[%get3A_448, %get3A_449, %get3A_450] : memref<16x16x256xf32, #tpu.memory_space<vmem>>, vector<1x16x256xf32>
      %get3A_452 = vector.shape_cast %get3A_451 : vector<1x16x256xf32> to vector<16x256xf32>
      %dot_general3A_453 = arith.constant dense<0.000000e+00> : vector<4x256xf32>
      %dot_general3A_454 = tpu.matmul %get3A_447, %get3A_452, %dot_general3A_453 {dimension_numbers = #tpu.dot_dimension_numbers<[1], [0], [0], [1], [0, 0, 1, 1], [], []>, transpose_lhs_hint = false} : vector<4x16xf32>, vector<16x256xf32>, vector<4x256xf32> -> vector<4x256xf32>
      %swap3A_455 = arith.constant 44 : index
      %swap3A_456 = arith.constant 0 : index
      %swap3A_457 = vector.load %arg24[%swap3A_455, %swap3A_456] : memref<128x256xf32, #tpu.memory_space<vmem>>, vector<4x256xf32>
      tpu.vector_store %arg24[%swap3A_455, %swap3A_456], %dot_general3A_454 {strides = array<i32>} : memref<128x256xf32, #tpu.memory_space<vmem>>, vector<4x256xf32>,
      %get3A_458 = arith.constant 11 : index
      %get3A_459 = arith.constant 0 : index
      %get3A_460 = arith.constant 0 : index
      %get3A_461 = vector.load %arg7[%get3A_458, %get3A_459, %get3A_460] : memref<16x4x16xf32, #tpu.memory_space<vmem>>, vector<1x4x16xf32>
      %get3A_462 = vector.shape_cast %get3A_461 : vector<1x4x16xf32> to vector<4x16xf32>
      %get3A_463 = arith.constant 11 : index
      %get3A_464 = arith.constant 0 : index
      %get3A_465 = arith.constant 0 : index
      %get3A_466 = vector.load %arg8[%get3A_463, %get3A_464, %get3A_465] : memref<16x16x256xf32, #tpu.memory_space<vmem>>, vector<1x16x256xf32>
      %get3A_467 = vector.shape_cast %get3A_466 : vector<1x16x256xf32> to vector<16x256xf32>
      %dot_general3A_468 = arith.constant dense<0.000000e+00> : vector<4x256xf32>
      %dot_general3A_469 = tpu.matmul %get3A_462, %get3A_467, %dot_general3A_468 {dimension_numbers = #tpu.dot_dimension_numbers<[1], [0], [0], [1], [0, 0, 1, 1], [], []>, transpose_lhs_hint = false} : vector<4x16xf32>, vector<16x256xf32>, vector<4x256xf32> -> vector<4x256xf32>
      %swap3A_470 = arith.constant 108 : index
      %swap3A_471 = arith.constant 0 : index
      %swap3A_472 = vector.load %arg24[%swap3A_470, %swap3A_471] : memref<128x256xf32, #tpu.memory_space<vmem>>, vector<4x256xf32>
      tpu.vector_store %arg24[%swap3A_470, %swap3A_471], %dot_general3A_469 {strides = array<i32>} : memref<128x256xf32, #tpu.memory_space<vmem>>, vector<4x256xf32>,
      %get3A_473 = arith.constant 12 : index
      %get3A_474 = arith.constant 0 : index
      %get3A_475 = arith.constant 0 : index
      %get3A_476 = vector.load %arg5[%get3A_473, %get3A_474, %get3A_475] : memref<16x4x16xf32, #tpu.memory_space<vmem>>, vector<1x4x16xf32>
      %get3A_477 = vector.shape_cast %get3A_476 : vector<1x4x16xf32> to vector<4x16xf32>
      %get3A_478 = arith.constant 12 : index
      %get3A_479 = arith.constant 0 : index
      %get3A_480 = arith.constant 0 : index
      %get3A_481 = vector.load %arg6[%get3A_478, %get3A_479, %get3A_480] : memref<16x16x256xf32, #tpu.memory_space<vmem>>, vector<1x16x256xf32>
      %get3A_482 = vector.shape_cast %get3A_481 : vector<1x16x256xf32> to vector<16x256xf32>
      %dot_general3A_483 = arith.constant dense<0.000000e+00> : vector<4x256xf32>
      %dot_general3A_484 = tpu.matmul %get3A_477, %get3A_482, %dot_general3A_483 {dimension_numbers = #tpu.dot_dimension_numbers<[1], [0], [0], [1], [0, 0, 1, 1], [], []>, transpose_lhs_hint = false} : vector<4x16xf32>, vector<16x256xf32>, vector<4x256xf32> -> vector<4x256xf32>
      %swap3A_485 = arith.constant 48 : index
      %swap3A_486 = arith.constant 0 : index
      %swap3A_487 = vector.load %arg24[%swap3A_485, %swap3A_486] : memref<128x256xf32, #tpu.memory_space<vmem>>, vector<4x256xf32>
      tpu.vector_store %arg24[%swap3A_485, %swap3A_486], %dot_general3A_484 {strides = array<i32>} : memref<128x256xf32, #tpu.memory_space<vmem>>, vector<4x256xf32>,
      %get3A_488 = arith.constant 12 : index
      %get3A_489 = arith.constant 0 : index
      %get3A_490 = arith.constant 0 : index
      %get3A_491 = vector.load %arg7[%get3A_488, %get3A_489, %get3A_490] : memref<16x4x16xf32, #tpu.memory_space<vmem>>, vector<1x4x16xf32>
      %get3A_492 = vector.shape_cast %get3A_491 : vector<1x4x16xf32> to vector<4x16xf32>
      %get3A_493 = arith.constant 12 : index
      %get3A_494 = arith.constant 0 : index
      %get3A_495 = arith.constant 0 : index
      %get3A_496 = vector.load %arg8[%get3A_493, %get3A_494, %get3A_495] : memref<16x16x256xf32, #tpu.memory_space<vmem>>, vector<1x16x256xf32>
      %get3A_497 = vector.shape_cast %get3A_496 : vector<1x16x256xf32> to vector<16x256xf32>
      %dot_general3A_498 = arith.constant dense<0.000000e+00> : vector<4x256xf32>
      %dot_general3A_499 = tpu.matmul %get3A_492, %get3A_497, %dot_general3A_498 {dimension_numbers = #tpu.dot_dimension_numbers<[1], [0], [0], [1], [0, 0, 1, 1], [], []>, transpose_lhs_hint = false} : vector<4x16xf32>, vector<16x256xf32>, vector<4x256xf32> -> vector<4x256xf32>
      %swap3A_500 = arith.constant 112 : index
      %swap3A_501 = arith.constant 0 : index
      %swap3A_502 = vector.load %arg24[%swap3A_500, %swap3A_501] : memref<128x256xf32, #tpu.memory_space<vmem>>, vector<4x256xf32>
      tpu.vector_store %arg24[%swap3A_500, %swap3A_501], %dot_general3A_499 {strides = array<i32>} : memref<128x256xf32, #tpu.memory_space<vmem>>, vector<4x256xf32>,
      %get3A_503 = arith.constant 13 : index
      %get3A_504 = arith.constant 0 : index
      %get3A_505 = arith.constant 0 : index
      %get3A_506 = vector.load %arg5[%get3A_503, %get3A_504, %get3A_505] : memref<16x4x16xf32, #tpu.memory_space<vmem>>, vector<1x4x16xf32>
      %get3A_507 = vector.shape_cast %get3A_506 : vector<1x4x16xf32> to vector<4x16xf32>
      %get3A_508 = arith.constant 13 : index
      %get3A_509 = arith.constant 0 : index
      %get3A_510 = arith.constant 0 : index
      %get3A_511 = vector.load %arg6[%get3A_508, %get3A_509, %get3A_510] : memref<16x16x256xf32, #tpu.memory_space<vmem>>, vector<1x16x256xf32>
      %get3A_512 = vector.shape_cast %get3A_511 : vector<1x16x256xf32> to vector<16x256xf32>
      %dot_general3A_513 = arith.constant dense<0.000000e+00> : vector<4x256xf32>
      %dot_general3A_514 = tpu.matmul %get3A_507, %get3A_512, %dot_general3A_513 {dimension_numbers = #tpu.dot_dimension_numbers<[1], [0], [0], [1], [0, 0, 1, 1], [], []>, transpose_lhs_hint = false} : vector<4x16xf32>, vector<16x256xf32>, vector<4x256xf32> -> vector<4x256xf32>
      %swap3A_515 = arith.constant 52 : index
      %swap3A_516 = arith.constant 0 : index
      %swap3A_517 = vector.load %arg24[%swap3A_515, %swap3A_516] : memref<128x256xf32, #tpu.memory_space<vmem>>, vector<4x256xf32>
      tpu.vector_store %arg24[%swap3A_515, %swap3A_516], %dot_general3A_514 {strides = array<i32>} : memref<128x256xf32, #tpu.memory_space<vmem>>, vector<4x256xf32>,
      %get3A_518 = arith.constant 13 : index
      %get3A_519 = arith.constant 0 : index
      %get3A_520 = arith.constant 0 : index
      %get3A_521 = vector.load %arg7[%get3A_518, %get3A_519, %get3A_520] : memref<16x4x16xf32, #tpu.memory_space<vmem>>, vector<1x4x16xf32>
      %get3A_522 = vector.shape_cast %get3A_521 : vector<1x4x16xf32> to vector<4x16xf32>
      %get3A_523 = arith.constant 13 : index
      %get3A_524 = arith.constant 0 : index
      %get3A_525 = arith.constant 0 : index
      %get3A_526 = vector.load %arg8[%get3A_523, %get3A_524, %get3A_525] : memref<16x16x256xf32, #tpu.memory_space<vmem>>, vector<1x16x256xf32>
      %get3A_527 = vector.shape_cast %get3A_526 : vector<1x16x256xf32> to vector<16x256xf32>
      %dot_general3A_528 = arith.constant dense<0.000000e+00> : vector<4x256xf32>
      %dot_general3A_529 = tpu.matmul %get3A_522, %get3A_527, %dot_general3A_528 {dimension_numbers = #tpu.dot_dimension_numbers<[1], [0], [0], [1], [0, 0, 1, 1], [], []>, transpose_lhs_hint = false} : vector<4x16xf32>, vector<16x256xf32>, vector<4x256xf32> -> vector<4x256xf32>
      %swap3A_530 = arith.constant 116 : index
      %swap3A_531 = arith.constant 0 : index
      %swap3A_532 = vector.load %arg24[%swap3A_530, %swap3A_531] : memref<128x256xf32, #tpu.memory_space<vmem>>, vector<4x256xf32>
      tpu.vector_store %arg24[%swap3A_530, %swap3A_531], %dot_general3A_529 {strides = array<i32>} : memref<128x256xf32, #tpu.memory_space<vmem>>, vector<4x256xf32>,
      %get3A_533 = arith.constant 14 : index
      %get3A_534 = arith.constant 0 : index
      %get3A_535 = arith.constant 0 : index
      %get3A_536 = vector.load %arg5[%get3A_533, %get3A_534, %get3A_535] : memref<16x4x16xf32, #tpu.memory_space<vmem>>, vector<1x4x16xf32>
      %get3A_537 = vector.shape_cast %get3A_536 : vector<1x4x16xf32> to vector<4x16xf32>
      %get3A_538 = arith.constant 14 : index
      %get3A_539 = arith.constant 0 : index
      %get3A_540 = arith.constant 0 : index
      %get3A_541 = vector.load %arg6[%get3A_538, %get3A_539, %get3A_540] : memref<16x16x256xf32, #tpu.memory_space<vmem>>, vector<1x16x256xf32>
      %get3A_542 = vector.shape_cast %get3A_541 : vector<1x16x256xf32> to vector<16x256xf32>
      %dot_general3A_543 = arith.constant dense<0.000000e+00> : vector<4x256xf32>
      %dot_general3A_544 = tpu.matmul %get3A_537, %get3A_542, %dot_general3A_543 {dimension_numbers = #tpu.dot_dimension_numbers<[1], [0], [0], [1], [0, 0, 1, 1], [], []>, transpose_lhs_hint = false} : vector<4x16xf32>, vector<16x256xf32>, vector<4x256xf32> -> vector<4x256xf32>
      %swap3A_545 = arith.constant 56 : index
      %swap3A_546 = arith.constant 0 : index
      %swap3A_547 = vector.load %arg24[%swap3A_545, %swap3A_546] : memref<128x256xf32, #tpu.memory_space<vmem>>, vector<4x256xf32>
      tpu.vector_store %arg24[%swap3A_545, %swap3A_546], %dot_general3A_544 {strides = array<i32>} : memref<128x256xf32, #tpu.memory_space<vmem>>, vector<4x256xf32>,
      %get3A_548 = arith.constant 14 : index
      %get3A_549 = arith.constant 0 : index
      %get3A_550 = arith.constant 0 : index
      %get3A_551 = vector.load %arg7[%get3A_548, %get3A_549, %get3A_550] : memref<16x4x16xf32, #tpu.memory_space<vmem>>, vector<1x4x16xf32>
      %get3A_552 = vector.shape_cast %get3A_551 : vector<1x4x16xf32> to vector<4x16xf32>
      %get3A_553 = arith.constant 14 : index
      %get3A_554 = arith.constant 0 : index
      %get3A_555 = arith.constant 0 : index
      %get3A_556 = vector.load %arg8[%get3A_553, %get3A_554, %get3A_555] : memref<16x16x256xf32, #tpu.memory_space<vmem>>, vector<1x16x256xf32>
      %get3A_557 = vector.shape_cast %get3A_556 : vector<1x16x256xf32> to vector<16x256xf32>
      %dot_general3A_558 = arith.constant dense<0.000000e+00> : vector<4x256xf32>
      %dot_general3A_559 = tpu.matmul %get3A_552, %get3A_557, %dot_general3A_558 {dimension_numbers = #tpu.dot_dimension_numbers<[1], [0], [0], [1], [0, 0, 1, 1], [], []>, transpose_lhs_hint = false} : vector<4x16xf32>, vector<16x256xf32>, vector<4x256xf32> -> vector<4x256xf32>
      %swap3A_560 = arith.constant 120 : index
      %swap3A_561 = arith.constant 0 : index
      %swap3A_562 = vector.load %arg24[%swap3A_560, %swap3A_561] : memref<128x256xf32, #tpu.memory_space<vmem>>, vector<4x256xf32>
      tpu.vector_store %arg24[%swap3A_560, %swap3A_561], %dot_general3A_559 {strides = array<i32>} : memref<128x256xf32, #tpu.memory_space<vmem>>, vector<4x256xf32>,
      %get3A_563 = arith.constant 15 : index
      %get3A_564 = arith.constant 0 : index
      %get3A_565 = arith.constant 0 : index
      %get3A_566 = vector.load %arg5[%get3A_563, %get3A_564, %get3A_565] : memref<16x4x16xf32, #tpu.memory_space<vmem>>, vector<1x4x16xf32>
      %get3A_567 = vector.shape_cast %get3A_566 : vector<1x4x16xf32> to vector<4x16xf32>
      %get3A_568 = arith.constant 15 : index
      %get3A_569 = arith.constant 0 : index
      %get3A_570 = arith.constant 0 : index
      %get3A_571 = vector.load %arg6[%get3A_568, %get3A_569, %get3A_570] : memref<16x16x256xf32, #tpu.memory_space<vmem>>, vector<1x16x256xf32>
      %get3A_572 = vector.shape_cast %get3A_571 : vector<1x16x256xf32> to vector<16x256xf32>
      %dot_general3A_573 = arith.constant dense<0.000000e+00> : vector<4x256xf32>
      %dot_general3A_574 = tpu.matmul %get3A_567, %get3A_572, %dot_general3A_573 {dimension_numbers = #tpu.dot_dimension_numbers<[1], [0], [0], [1], [0, 0, 1, 1], [], []>, transpose_lhs_hint = false} : vector<4x16xf32>, vector<16x256xf32>, vector<4x256xf32> -> vector<4x256xf32>
      %swap3A_575 = arith.constant 60 : index
      %swap3A_576 = arith.constant 0 : index
      %swap3A_577 = vector.load %arg24[%swap3A_575, %swap3A_576] : memref<128x256xf32, #tpu.memory_space<vmem>>, vector<4x256xf32>
      tpu.vector_store %arg24[%swap3A_575, %swap3A_576], %dot_general3A_574 {strides = array<i32>} : memref<128x256xf32, #tpu.memory_space<vmem>>, vector<4x256xf32>,
      %get3A_578 = arith.constant 15 : index
      %get3A_579 = arith.constant 0 : index
      %get3A_580 = arith.constant 0 : index
      %get3A_581 = vector.load %arg7[%get3A_578, %get3A_579, %get3A_580] : memref<16x4x16xf32, #tpu.memory_space<vmem>>, vector<1x4x16xf32>
      %get3A_582 = vector.shape_cast %get3A_581 : vector<1x4x16xf32> to vector<4x16xf32>
      %get3A_583 = arith.constant 15 : index
      %get3A_584 = arith.constant 0 : index
      %get3A_585 = arith.constant 0 : index
      %get3A_586 = vector.load %arg8[%get3A_583, %get3A_584, %get3A_585] : memref<16x16x256xf32, #tpu.memory_space<vmem>>, vector<1x16x256xf32>
      %get3A_587 = vector.shape_cast %get3A_586 : vector<1x16x256xf32> to vector<16x256xf32>
      %dot_general3A_588 = arith.constant dense<0.000000e+00> : vector<4x256xf32>
      %dot_general3A_589 = tpu.matmul %get3A_582, %get3A_587, %dot_general3A_588 {dimension_numbers = #tpu.dot_dimension_numbers<[1], [0], [0], [1], [0, 0, 1, 1], [], []>, transpose_lhs_hint = false} : vector<4x16xf32>, vector<16x256xf32>, vector<4x256xf32> -> vector<4x256xf32>
      %swap3A_590 = arith.constant 124 : index
      %swap3A_591 = arith.constant 0 : index
      %swap3A_592 = vector.load %arg24[%swap3A_590, %swap3A_591] : memref<128x256xf32, #tpu.memory_space<vmem>>, vector<4x256xf32>
      tpu.vector_store %arg24[%swap3A_590, %swap3A_591], %dot_general3A_589 {strides = array<i32>} : memref<128x256xf32, #tpu.memory_space<vmem>>, vector<4x256xf32>,
      %get3A_593 = arith.constant 0 : index
      %get3A_594 = arith.constant 0 : index
      %get3A_595 = vector.load %arg9[%get3A_593, %get3A_594] : memref<1x256xf32, #tpu.memory_space<vmem>>, vector<1x256xf32>
      %get3A_596 = arith.constant 0 : index
      %get3A_597 = arith.constant 0 : index
      %get3A_598 = vector.load %arg10[%get3A_596, %get3A_597] : memref<1x256xf32, #tpu.memory_space<vmem>>, vector<1x256xf32>
      %add3A_599 = arith.addf %get3A_595, %get3A_598 : vector<1x256xf32>
      %swap3A_600 = arith.constant 0 : index
      %swap3A_601 = arith.constant 0 : index
      %swap3A_602 = vector.load %arg25[%swap3A_600, %swap3A_601] : memref<1x256xf32, #tpu.memory_space<vmem>>, vector<1x256xf32>
      tpu.vector_store %arg25[%swap3A_600, %swap3A_601], %add3A_599 {strides = array<i32>} : memref<1x256xf32, #tpu.memory_space<vmem>>, vector<1x256xf32>,
    } else {
    }
    %gt3A = arith.constant 0 : i32
    %gt3A_2 = arith.cmpi sgt, %arg0, %gt3A : i32
    %convert_element_type3A_3 = arith.extui %gt3A_2 : i1 to i32
    %cond3A_4 = arith.constant 0 : i32
    %cond3A_5 = arith.cmpi ne, %convert_element_type3A_3, %cond3A_4 : i32
    scf.if %cond3A_5 {
      %iota3A = tpu.iota {dimensions = array<i32: 0>} : vector<16x64xi32>
      %iota3A_6 = tpu.iota {dimensions = array<i32: 1>} : vector<16x64xi32>
      %jit3A = arith.constant 4 : i32
      %div3A = vector.broadcast %jit3A : i32 to vector<16x64xi32>
      %div3A_7 = arith.divsi %iota3A_6, %div3A : vector<16x64xi32>
      %sign3A = arith.constant 0 : i32
      %sign3A_8 = vector.broadcast %sign3A : i32 to vector<16x64xi32>
      %sign3A_9 = arith.cmpi sgt, %iota3A_6, %sign3A_8 : vector<16x64xi32>
      %sign3A_10 = arith.extui %sign3A_9 : vector<16x64xi1> to vector<16x64xi32>
      %sign3A_11 = arith.constant 0 : i32
      %sign3A_12 = vector.broadcast %sign3A_11 : i32 to vector<16x64xi32>
      %sign3A_13 = arith.cmpi slt, %iota3A_6, %sign3A_12 : vector<16x64xi32>
      %sign3A_14 = arith.extui %sign3A_13 : vector<16x64xi1> to vector<16x64xi32>
      %sign3A_15 = arith.subi %sign3A_10, %sign3A_14 : vector<16x64xi32>
      %sign3A_16 = arith.constant 0 : i32
      %sign3A_17 = arith.cmpi sgt, %jit3A, %sign3A_16 : i32
      %sign3A_18 = arith.extui %sign3A_17 : i1 to i32
      %sign3A_19 = arith.constant 0 : i32
      %sign3A_20 = arith.cmpi slt, %jit3A, %sign3A_19 : i32
      %sign3A_21 = arith.extui %sign3A_20 : i1 to i32
      %sign3A_22 = arith.subi %sign3A_18, %sign3A_21 : i32
      %ne3A = vector.broadcast %sign3A_22 : i32 to vector<16x64xi32>
      %ne3A_23 = arith.cmpi ne, %sign3A_15, %ne3A : vector<16x64xi32>
      %rem3A = vector.broadcast %jit3A : i32 to vector<16x64xi32>
      %rem3A_24 = arith.remsi %iota3A_6, %rem3A : vector<16x64xi32>
      %ne3A_25 = arith.constant 0 : i32
      %ne3A_26 = vector.broadcast %ne3A_25 : i32 to vector<16x64xi32>
      %ne3A_27 = arith.cmpi ne, %rem3A_24, %ne3A_26 : vector<16x64xi32>
      %and3A = arith.andi %ne3A_23, %ne3A_27 : vector<16x64xi1>
      %sub3A = arith.constant 1 : i32
      %sub3A_28 = vector.broadcast %sub3A : i32 to vector<16x64xi32>
      %sub3A_29 = arith.subi %div3A_7, %sub3A_28 : vector<16x64xi32>
      %select_n3A = arith.select %and3A, %sub3A_29, %div3A_7 : vector<16x64xi1>, vector<16x64xi32>
      %eq3A_30 = arith.cmpi eq, %iota3A, %select_n3A : vector<16x64xi32>
      %convert_element_type3A_31 = arith.extui %eq3A_30 : vector<16x64xi1> to vector<16x64xi32>
      %convert_element_type3A_32 = arith.sitofp %convert_element_type3A_31 : vector<16x64xi32> to vector<16x64xf32>
      %get3A = arith.constant 0 : index
      %get3A_33 = arith.constant 0 : index
      %get3A_34 = vector.load %arg24[%get3A, %get3A_33] : memref<128x256xf32, #tpu.memory_space<vmem>>, vector<128x256xf32>
      %get3A_35 = arith.constant 0 : index
      %get3A_36 = arith.constant 0 : index
      %get3A_37 = vector.load %arg23[%get3A_35, %get3A_36] : memref<256x3xf32, #tpu.memory_space<vmem>>, vector<256x3xf32>
      %get3A_38 = arith.constant 0 : index
      %get3A_39 = arith.constant 0 : index
      %get3A_40 = vector.load %arg25[%get3A_38, %get3A_39] : memref<1x256xf32, #tpu.memory_space<vmem>>, vector<1x256xf32>
      %get3A_41 = arith.constant 0 : index
      %get3A_42 = arith.constant 0 : index
      %get3A_43 = vector.load %arg13[%get3A_41, %get3A_42] : memref<1x64xf32, #tpu.memory_space<vmem>>, vector<1x64xf32>
      %get3A_44 = arith.constant 0 : index
      %get3A_45 = arith.constant 0 : index
      %get3A_46 = vector.load %arg14[%get3A_44, %get3A_45] : memref<1x64xf32, #tpu.memory_space<vmem>>, vector<1x64xf32>
      %get3A_47 = arith.constant 0 : index
      %get3A_48 = arith.constant 0 : index
      %get3A_49 = vector.load %arg15[%get3A_47, %get3A_48] : memref<1x64xf32, #tpu.memory_space<vmem>>, vector<1x64xf32>
      %get3A_50 = arith.constant 0 : index
      %get3A_51 = arith.constant 0 : index
      %get3A_52 = vector.load %arg16[%get3A_50, %get3A_51] : memref<1x64xf32, #tpu.memory_space<vmem>>, vector<1x64xf32>
      %get3A_53 = arith.constant 0 : index
      %get3A_54 = arith.constant 0 : index
      %get3A_55 = vector.load %arg17[%get3A_53, %get3A_54] : memref<211x1xf32, #tpu.memory_space<vmem>>, vector<211x1xf32>
      %get3A_56 = arith.constant 0 : index
      %get3A_57 = arith.constant 0 : index
      %get3A_58 = vector.load %arg18[%get3A_56, %get3A_57] : memref<1x1xf32, #tpu.memory_space<vmem>>, vector<1x1xf32>
      %get3A_59 = arith.constant 0 : index
      %get3A_60 = arith.constant 0 : index
      %get3A_61 = vector.load %arg19[%get3A_59, %get3A_60] : memref<256x1xf32, #tpu.memory_space<vmem>>, vector<256x1xf32>
      %get3A_62 = arith.constant 0 : index
      %get3A_63 = arith.constant 0 : index
      %get3A_64 = vector.load %arg20[%get3A_62, %get3A_63] : memref<256x1xf32, #tpu.memory_space<vmem>>, vector<256x1xf32>
      %get3A_65 = arith.constant 0 : index
      %get3A_66 = arith.constant 0 : index
      %get3A_67 = vector.load %arg21[%get3A_65, %get3A_66] : memref<1x1xf32, #tpu.memory_space<vmem>>, vector<1x1xf32>
      %broadcast_in_dim3A = arith.constant 0.000000e+00 : f32
      %broadcast_in_dim3A_68 = vector.broadcast %broadcast_in_dim3A : f32 to vector<1x1xf32>
      %get3A_69 = arith.constant 0 : index
      %get3A_70 = arith.constant 0 : index
      %get3A_71 = arith.constant 0 : index
      %get3A_72 = vector.load %arg11[%get3A_69, %get3A_70, %get3A_71] : memref<16x211x16xf32, #tpu.memory_space<vmem>>, vector<1x211x16xf32>
      %get3A_73 = vector.shape_cast %get3A_72 : vector<1x211x16xf32> to vector<211x16xf32>
      %dot_general3A = arith.constant dense<0.000000e+00> : vector<211x64xf32>
      %dot_general3A_74 = tpu.matmul %get3A_73, %convert_element_type3A_32, %dot_general3A {dimension_numbers = #tpu.dot_dimension_numbers<[1], [0], [0], [1], [0, 0, 1, 1], [], []>, transpose_lhs_hint = false} : vector<211x16xf32>, vector<16x64xf32>, vector<211x64xf32> -> vector<211x64xf32>
      %mul3A = vector.broadcast %get3A_43 : vector<1x64xf32> to vector<211x64xf32>
      %mul3A_75 = arith.mulf %dot_general3A_74, %mul3A : vector<211x64xf32>
      %add3A = vector.broadcast %get3A_46 : vector<1x64xf32> to vector<211x64xf32>
      %add3A_76 = arith.addf %mul3A_75, %add3A : vector<211x64xf32>
      %tanh3A = math.tanh %add3A_76 : vector<211x64xf32>
      %get3A_77 = arith.constant 0 : index
      %get3A_78 = arith.constant 0 : index
      %get3A_79 = arith.constant 0 : index
      %get3A_80 = vector.load %arg12[%get3A_77, %get3A_78, %get3A_79] : memref<1x211x16xf32, #tpu.memory_space<vmem>>, vector<1x211x1xf32>
      %get3A_81 = vector.shape_cast %get3A_80 : vector<1x211x1xf32> to vector<211x1xf32>
      %mul3A_82 = vector.broadcast %get3A_81 : vector<211x1xf32> to vector<211x64xf32>
      %mul3A_83 = vector.broadcast %get3A_49 : vector<1x64xf32> to vector<211x64xf32>
      %mul3A_84 = arith.mulf %mul3A_82, %mul3A_83 : vector<211x64xf32>
      %add3A_85 = vector.broadcast %get3A_52 : vector<1x64xf32> to vector<211x64xf32>
      %add3A_86 = arith.addf %mul3A_84, %add3A_85 : vector<211x64xf32>
      %tanh3A_87 = math.tanh %add3A_86 : vector<211x64xf32>
      %concatenate3A = tpu.concatenate %tanh3A, %tanh3A_87 in 1 : vector<211x64xf32>, vector<211x64xf32> -> vector<211x128xf32>
      %dot_general3A_88 = arith.constant dense<0.000000e+00> : vector<211x256xf32>
      %dot_general3A_89 = tpu.matmul %concatenate3A, %get3A_34, %dot_general3A_88 {dimension_numbers = #tpu.dot_dimension_numbers<[1], [0], [0], [1], [0, 0, 1, 1], [], []>, transpose_lhs_hint = false} : vector<211x128xf32>, vector<128x256xf32>, vector<211x256xf32> -> vector<211x256xf32>
      %add3A_90 = vector.broadcast %get3A_40 : vector<1x256xf32> to vector<211x256xf32>
      %add3A_91 = arith.addf %dot_general3A_89, %add3A_90 : vector<211x256xf32>
      %mul3A_92 = vector.broadcast %get3A_55 : vector<211x1xf32> to vector<211x256xf32>
      %mul3A_93 = arith.mulf %add3A_91, %mul3A_92 : vector<211x256xf32>
      %reduce_sum3A = arith.constant dense<0.000000e+00> : vector<256xf32>
      %reduce_sum3A_94 = vector.multi_reduction <add>, %mul3A_93, %reduce_sum3A [0] : vector<211x256xf32> to vector<256xf32>
      %broadcast_in_dim3A_95 = vector.shape_cast %reduce_sum3A_94 : vector<256xf32> to vector<1x256xf32>
      %add3A_96 = vector.broadcast %get3A_58 : vector<1x1xf32> to vector<1x256xf32>
      %add3A_97 = arith.addf %broadcast_in_dim3A_95, %add3A_96 : vector<1x256xf32>
      %slice3A = vector.extract_strided_slice %add3A_97 {offsets = [0, 0], sizes = [1, 255], strides = [1, 1]} : vector<1x256xf32> to vector<1x255xf32>
      %concatenate3A_98 = tpu.concatenate %broadcast_in_dim3A_68, %slice3A in 1 : vector<1x1xf32>, vector<1x255xf32> -> vector<1x256xf32>
      %slice3A_99 = vector.extract_strided_slice %add3A_97 {offsets = [0, 1], sizes = [1, 255], strides = [1, 1]} : vector<1x256xf32> to vector<1x255xf32>
      %concatenate3A_100 = tpu.concatenate %slice3A_99, %broadcast_in_dim3A_68 in 1 : vector<1x255xf32>, vector<1x1xf32> -> vector<1x256xf32>
      %concatenate3A_101 = tpu.concatenate %concatenate3A_98, %add3A_97, %concatenate3A_100 in 0 : vector<1x256xf32>, vector<1x256xf32>, vector<1x256xf32> -> vector<3x256xf32>
      %dot_general3A_102 = arith.constant dense<0.000000e+00> : vector<256x256xf32>
      %dot_general3A_103 = tpu.matmul %get3A_37, %concatenate3A_101, %dot_general3A_102 {dimension_numbers = #tpu.dot_dimension_numbers<[1], [0], [0], [1], [0, 0, 1, 1], [], []>, transpose_lhs_hint = false} : vector<256x3xf32>, vector<3x256xf32>, vector<256x256xf32> -> vector<256x256xf32>
      %add3A_104 = vector.broadcast %get3A_61 : vector<256x1xf32> to vector<256x256xf32>
      %add3A_105 = arith.addf %dot_general3A_103, %add3A_104 : vector<256x256xf32>
      %reduce_max3A = arith.constant dense<0xFF800000> : vector<256xf32>
      %reduce_max3A_106 = vector.multi_reduction <maximumf>, %add3A_105, %reduce_max3A [1] : vector<256x256xf32> to vector<256xf32>
      %broadcast_in_dim3A_107 = vector.shape_cast %reduce_max3A_106 : vector<256xf32> to vector<256x1xf32>
      %sub3A_108 = vector.broadcast %broadcast_in_dim3A_107 : vector<256x1xf32> to vector<256x256xf32>
      %sub3A_109 = arith.subf %add3A_105, %sub3A_108 : vector<256x256xf32>
      %exp3A = math.exp %sub3A_109 : vector<256x256xf32>
      %reduce_sum3A_110 = arith.constant dense<0.000000e+00> : vector<256xf32>
      %reduce_sum3A_111 = vector.multi_reduction <add>, %exp3A, %reduce_sum3A_110 [1] : vector<256x256xf32> to vector<256xf32>
      %broadcast_in_dim3A_112 = vector.shape_cast %reduce_sum3A_111 : vector<256xf32> to vector<256x1xf32>
      %div3A_113 = arith.divf %get3A_64, %broadcast_in_dim3A_112 : vector<256x1xf32>
      %mul3A_114 = vector.broadcast %div3A_113 : vector<256x1xf32> to vector<256x256xf32>
      %mul3A_115 = arith.mulf %exp3A, %mul3A_114 : vector<256x256xf32>
      %reduce_sum3A_116 = arith.constant dense<0.000000e+00> : vector<256xf32>
      %reduce_sum3A_117 = vector.multi_reduction <add>, %mul3A_115, %reduce_sum3A_116 [0] : vector<256x256xf32> to vector<256xf32>
      %broadcast_in_dim3A_118 = vector.shape_cast %reduce_sum3A_117 : vector<256xf32> to vector<1x256xf32>
      %mul3A_119 = vector.broadcast %broadcast_in_dim3A_118 : vector<1x256xf32> to vector<211x256xf32>
      %mul3A_120 = arith.mulf %add3A_91, %mul3A_119 : vector<211x256xf32>
      %reduce_sum3A_121 = arith.constant dense<0.000000e+00> : vector<211xf32>
      %reduce_sum3A_122 = vector.multi_reduction <add>, %mul3A_120, %reduce_sum3A_121 [1] : vector<211x256xf32> to vector<211xf32>
      %broadcast_in_dim3A_123 = vector.shape_cast %reduce_sum3A_122 : vector<211xf32> to vector<211x1xf32>
      %add3A_124 = vector.broadcast %get3A_67 : vector<1x1xf32> to vector<211x1xf32>
      %add3A_125 = arith.addf %broadcast_in_dim3A_123, %add3A_124 : vector<211x1xf32>
      %reduce_max3A_126 = arith.constant dense<0xFF800000> : vector<1xf32>
      %reduce_max3A_127 = vector.multi_reduction <maximumf>, %add3A_125, %reduce_max3A_126 [0] : vector<211x1xf32> to vector<1xf32>
      %broadcast_in_dim3A_128 = vector.shape_cast %reduce_max3A_127 : vector<1xf32> to vector<1x1xf32>
      %sub3A_129 = vector.broadcast %broadcast_in_dim3A_128 : vector<1x1xf32> to vector<211x1xf32>
      %sub3A_130 = arith.subf %add3A_125, %sub3A_129 : vector<211x1xf32>
      %exp3A_131 = math.exp %sub3A_130 : vector<211x1xf32>
      %reduce_sum3A_132 = arith.constant dense<0.000000e+00> : vector<1xf32>
      %reduce_sum3A_133 = vector.multi_reduction <add>, %exp3A_131, %reduce_sum3A_132 [0] : vector<211x1xf32> to vector<1xf32>
      %broadcast_in_dim3A_134 = vector.shape_cast %reduce_sum3A_133 : vector<1xf32> to vector<1x1xf32>
      %div3A_135 = vector.broadcast %broadcast_in_dim3A_134 : vector<1x1xf32> to vector<211x1xf32>
      %div3A_136 = arith.divf %exp3A_131, %div3A_135 : vector<211x1xf32>
      %mul3A_137 = vector.broadcast %div3A_136 : vector<211x1xf32> to vector<211x256xf32>
      %mul3A_138 = arith.mulf %add3A_91, %mul3A_137 : vector<211x256xf32>
      %reduce_sum3A_139 = arith.constant dense<0.000000e+00> : vector<256xf32>
      %reduce_sum3A_140 = vector.multi_reduction <add>, %mul3A_138, %reduce_sum3A_139 [0] : vector<211x256xf32> to vector<256xf32>
      %broadcast_in_dim3A_141 = vector.shape_cast %reduce_sum3A_140 : vector<256xf32> to vector<1x256xf32>
      %mul3A_142 = vector.broadcast %broadcast_in_dim3A_141 : vector<1x256xf32> to vector<256x256xf32>
      %mul3A_143 = arith.mulf %exp3A, %mul3A_142 : vector<256x256xf32>
      %reduce_sum3A_144 = arith.constant dense<0.000000e+00> : vector<256xf32>
      %reduce_sum3A_145 = vector.multi_reduction <add>, %mul3A_143, %reduce_sum3A_144 [1] : vector<256x256xf32> to vector<256xf32>
      %broadcast_in_dim3A_146 = vector.shape_cast %reduce_sum3A_145 : vector<256xf32> to vector<256x1xf32>
      %div3A_147 = arith.divf %broadcast_in_dim3A_146, %broadcast_in_dim3A_112 : vector<256x1xf32>
      %swap3A = arith.constant 0 : index
      %swap3A_148 = arith.constant 0 : index
      %swap3A_149 = arith.constant 0 : index
      %swap3A_150 = vector.load %arg22[%swap3A, %swap3A_148, %swap3A_149] : memref<1x256x16xf32, #tpu.memory_space<vmem>>, vector<1x256x1xf32>
      %swap3A_151 = vector.shape_cast %swap3A_150 : vector<1x256x1xf32> to vector<256x1xf32>
      %swap3A_152 = vector.shape_cast %div3A_147 : vector<256x1xf32> to vector<1x256x1xf32>
      tpu.vector_store %arg22[%swap3A, %swap3A_148, %swap3A_149], %swap3A_152 {strides = array<i32>} : memref<1x256x16xf32, #tpu.memory_space<vmem>>, vector<1x256x1xf32>,
      %get3A_153 = arith.constant 1 : index
      %get3A_154 = arith.constant 0 : index
      %get3A_155 = arith.constant 0 : index
      %get3A_156 = vector.load %arg11[%get3A_153, %get3A_154, %get3A_155] : memref<16x211x16xf32, #tpu.memory_space<vmem>>, vector<1x211x16xf32>
      %get3A_157 = vector.shape_cast %get3A_156 : vector<1x211x16xf32> to vector<211x16xf32>
      %dot_general3A_158 = arith.constant dense<0.000000e+00> : vector<211x64xf32>
      %dot_general3A_159 = tpu.matmul %get3A_157, %convert_element_type3A_32, %dot_general3A_158 {dimension_numbers = #tpu.dot_dimension_numbers<[1], [0], [0], [1], [0, 0, 1, 1], [], []>, transpose_lhs_hint = false} : vector<211x16xf32>, vector<16x64xf32>, vector<211x64xf32> -> vector<211x64xf32>
      %mul3A_160 = vector.broadcast %get3A_43 : vector<1x64xf32> to vector<211x64xf32>
      %mul3A_161 = arith.mulf %dot_general3A_159, %mul3A_160 : vector<211x64xf32>
      %add3A_162 = vector.broadcast %get3A_46 : vector<1x64xf32> to vector<211x64xf32>
      %add3A_163 = arith.addf %mul3A_161, %add3A_162 : vector<211x64xf32>
      %tanh3A_164 = math.tanh %add3A_163 : vector<211x64xf32>
      %get3A_165 = arith.constant 0 : index
      %get3A_166 = arith.constant 0 : index
      %get3A_167 = arith.constant 1 : index
      %get3A_168 = vector.load %arg12[%get3A_165, %get3A_166, %get3A_167] : memref<1x211x16xf32, #tpu.memory_space<vmem>>, vector<1x211x1xf32>
      %get3A_169 = vector.shape_cast %get3A_168 : vector<1x211x1xf32> to vector<211x1xf32>
      %mul3A_170 = vector.broadcast %get3A_169 : vector<211x1xf32> to vector<211x64xf32>
      %mul3A_171 = vector.broadcast %get3A_49 : vector<1x64xf32> to vector<211x64xf32>
      %mul3A_172 = arith.mulf %mul3A_170, %mul3A_171 : vector<211x64xf32>
      %add3A_173 = vector.broadcast %get3A_52 : vector<1x64xf32> to vector<211x64xf32>
      %add3A_174 = arith.addf %mul3A_172, %add3A_173 : vector<211x64xf32>
      %tanh3A_175 = math.tanh %add3A_174 : vector<211x64xf32>
      %concatenate3A_176 = tpu.concatenate %tanh3A_164, %tanh3A_175 in 1 : vector<211x64xf32>, vector<211x64xf32> -> vector<211x128xf32>
      %dot_general3A_177 = arith.constant dense<0.000000e+00> : vector<211x256xf32>
      %dot_general3A_178 = tpu.matmul %concatenate3A_176, %get3A_34, %dot_general3A_177 {dimension_numbers = #tpu.dot_dimension_numbers<[1], [0], [0], [1], [0, 0, 1, 1], [], []>, transpose_lhs_hint = false} : vector<211x128xf32>, vector<128x256xf32>, vector<211x256xf32> -> vector<211x256xf32>
      %add3A_179 = vector.broadcast %get3A_40 : vector<1x256xf32> to vector<211x256xf32>
      %add3A_180 = arith.addf %dot_general3A_178, %add3A_179 : vector<211x256xf32>
      %mul3A_181 = vector.broadcast %get3A_55 : vector<211x1xf32> to vector<211x256xf32>
      %mul3A_182 = arith.mulf %add3A_180, %mul3A_181 : vector<211x256xf32>
      %reduce_sum3A_183 = arith.constant dense<0.000000e+00> : vector<256xf32>
      %reduce_sum3A_184 = vector.multi_reduction <add>, %mul3A_182, %reduce_sum3A_183 [0] : vector<211x256xf32> to vector<256xf32>
      %broadcast_in_dim3A_185 = vector.shape_cast %reduce_sum3A_184 : vector<256xf32> to vector<1x256xf32>
      %add3A_186 = vector.broadcast %get3A_58 : vector<1x1xf32> to vector<1x256xf32>
      %add3A_187 = arith.addf %broadcast_in_dim3A_185, %add3A_186 : vector<1x256xf32>
      %slice3A_188 = vector.extract_strided_slice %add3A_187 {offsets = [0, 0], sizes = [1, 255], strides = [1, 1]} : vector<1x256xf32> to vector<1x255xf32>
      %concatenate3A_189 = tpu.concatenate %broadcast_in_dim3A_68, %slice3A_188 in 1 : vector<1x1xf32>, vector<1x255xf32> -> vector<1x256xf32>
      %slice3A_190 = vector.extract_strided_slice %add3A_187 {offsets = [0, 1], sizes = [1, 255], strides = [1, 1]} : vector<1x256xf32> to vector<1x255xf32>
      %concatenate3A_191 = tpu.concatenate %slice3A_190, %broadcast_in_dim3A_68 in 1 : vector<1x255xf32>, vector<1x1xf32> -> vector<1x256xf32>
      %concatenate3A_192 = tpu.concatenate %concatenate3A_189, %add3A_187, %concatenate3A_191 in 0 : vector<1x256xf32>, vector<1x256xf32>, vector<1x256xf32> -> vector<3x256xf32>
      %dot_general3A_193 = arith.constant dense<0.000000e+00> : vector<256x256xf32>
      %dot_general3A_194 = tpu.matmul %get3A_37, %concatenate3A_192, %dot_general3A_193 {dimension_numbers = #tpu.dot_dimension_numbers<[1], [0], [0], [1], [0, 0, 1, 1], [], []>, transpose_lhs_hint = false} : vector<256x3xf32>, vector<3x256xf32>, vector<256x256xf32> -> vector<256x256xf32>
      %add3A_195 = vector.broadcast %get3A_61 : vector<256x1xf32> to vector<256x256xf32>
      %add3A_196 = arith.addf %dot_general3A_194, %add3A_195 : vector<256x256xf32>
      %reduce_max3A_197 = arith.constant dense<0xFF800000> : vector<256xf32>
      %reduce_max3A_198 = vector.multi_reduction <maximumf>, %add3A_196, %reduce_max3A_197 [1] : vector<256x256xf32> to vector<256xf32>
      %broadcast_in_dim3A_199 = vector.shape_cast %reduce_max3A_198 : vector<256xf32> to vector<256x1xf32>
      %sub3A_200 = vector.broadcast %broadcast_in_dim3A_199 : vector<256x1xf32> to vector<256x256xf32>
      %sub3A_201 = arith.subf %add3A_196, %sub3A_200 : vector<256x256xf32>
      %exp3A_202 = math.exp %sub3A_201 : vector<256x256xf32>
      %reduce_sum3A_203 = arith.constant dense<0.000000e+00> : vector<256xf32>
      %reduce_sum3A_204 = vector.multi_reduction <add>, %exp3A_202, %reduce_sum3A_203 [1] : vector<256x256xf32> to vector<256xf32>
      %broadcast_in_dim3A_205 = vector.shape_cast %reduce_sum3A_204 : vector<256xf32> to vector<256x1xf32>
      %div3A_206 = arith.divf %get3A_64, %broadcast_in_dim3A_205 : vector<256x1xf32>
      %mul3A_207 = vector.broadcast %div3A_206 : vector<256x1xf32> to vector<256x256xf32>
      %mul3A_208 = arith.mulf %exp3A_202, %mul3A_207 : vector<256x256xf32>
      %reduce_sum3A_209 = arith.constant dense<0.000000e+00> : vector<256xf32>
      %reduce_sum3A_210 = vector.multi_reduction <add>, %mul3A_208, %reduce_sum3A_209 [0] : vector<256x256xf32> to vector<256xf32>
      %broadcast_in_dim3A_211 = vector.shape_cast %reduce_sum3A_210 : vector<256xf32> to vector<1x256xf32>
      %mul3A_212 = vector.broadcast %broadcast_in_dim3A_211 : vector<1x256xf32> to vector<211x256xf32>
      %mul3A_213 = arith.mulf %add3A_180, %mul3A_212 : vector<211x256xf32>
      %reduce_sum3A_214 = arith.constant dense<0.000000e+00> : vector<211xf32>
      %reduce_sum3A_215 = vector.multi_reduction <add>, %mul3A_213, %reduce_sum3A_214 [1] : vector<211x256xf32> to vector<211xf32>
      %broadcast_in_dim3A_216 = vector.shape_cast %reduce_sum3A_215 : vector<211xf32> to vector<211x1xf32>
      %add3A_217 = vector.broadcast %get3A_67 : vector<1x1xf32> to vector<211x1xf32>
      %add3A_218 = arith.addf %broadcast_in_dim3A_216, %add3A_217 : vector<211x1xf32>
      %reduce_max3A_219 = arith.constant dense<0xFF800000> : vector<1xf32>
      %reduce_max3A_220 = vector.multi_reduction <maximumf>, %add3A_218, %reduce_max3A_219 [0] : vector<211x1xf32> to vector<1xf32>
      %broadcast_in_dim3A_221 = vector.shape_cast %reduce_max3A_220 : vector<1xf32> to vector<1x1xf32>
      %sub3A_222 = vector.broadcast %broadcast_in_dim3A_221 : vector<1x1xf32> to vector<211x1xf32>
      %sub3A_223 = arith.subf %add3A_218, %sub3A_222 : vector<211x1xf32>
      %exp3A_224 = math.exp %sub3A_223 : vector<211x1xf32>
      %reduce_sum3A_225 = arith.constant dense<0.000000e+00> : vector<1xf32>
      %reduce_sum3A_226 = vector.multi_reduction <add>, %exp3A_224, %reduce_sum3A_225 [0] : vector<211x1xf32> to vector<1xf32>
      %broadcast_in_dim3A_227 = vector.shape_cast %reduce_sum3A_226 : vector<1xf32> to vector<1x1xf32>
      %div3A_228 = vector.broadcast %broadcast_in_dim3A_227 : vector<1x1xf32> to vector<211x1xf32>
      %div3A_229 = arith.divf %exp3A_224, %div3A_228 : vector<211x1xf32>
      %mul3A_230 = vector.broadcast %div3A_229 : vector<211x1xf32> to vector<211x256xf32>
      %mul3A_231 = arith.mulf %add3A_180, %mul3A_230 : vector<211x256xf32>
      %reduce_sum3A_232 = arith.constant dense<0.000000e+00> : vector<256xf32>
      %reduce_sum3A_233 = vector.multi_reduction <add>, %mul3A_231, %reduce_sum3A_232 [0] : vector<211x256xf32> to vector<256xf32>
      %broadcast_in_dim3A_234 = vector.shape_cast %reduce_sum3A_233 : vector<256xf32> to vector<1x256xf32>
      %mul3A_235 = vector.broadcast %broadcast_in_dim3A_234 : vector<1x256xf32> to vector<256x256xf32>
      %mul3A_236 = arith.mulf %exp3A_202, %mul3A_235 : vector<256x256xf32>
      %reduce_sum3A_237 = arith.constant dense<0.000000e+00> : vector<256xf32>
      %reduce_sum3A_238 = vector.multi_reduction <add>, %mul3A_236, %reduce_sum3A_237 [1] : vector<256x256xf32> to vector<256xf32>
      %broadcast_in_dim3A_239 = vector.shape_cast %reduce_sum3A_238 : vector<256xf32> to vector<256x1xf32>
      %div3A_240 = arith.divf %broadcast_in_dim3A_239, %broadcast_in_dim3A_205 : vector<256x1xf32>
      %swap3A_241 = arith.constant 0 : index
      %swap3A_242 = arith.constant 0 : index
      %swap3A_243 = arith.constant 1 : index
      %swap3A_244 = vector.load %arg22[%swap3A_241, %swap3A_242, %swap3A_243] : memref<1x256x16xf32, #tpu.memory_space<vmem>>, vector<1x256x1xf32>
      %swap3A_245 = vector.shape_cast %swap3A_244 : vector<1x256x1xf32> to vector<256x1xf32>
      %swap3A_246 = vector.shape_cast %div3A_240 : vector<256x1xf32> to vector<1x256x1xf32>
      tpu.vector_store %arg22[%swap3A_241, %swap3A_242, %swap3A_243], %swap3A_246 {strides = array<i32>} : memref<1x256x16xf32, #tpu.memory_space<vmem>>, vector<1x256x1xf32>,
      %get3A_247 = arith.constant 2 : index
      %get3A_248 = arith.constant 0 : index
      %get3A_249 = arith.constant 0 : index
      %get3A_250 = vector.load %arg11[%get3A_247, %get3A_248, %get3A_249] : memref<16x211x16xf32, #tpu.memory_space<vmem>>, vector<1x211x16xf32>
      %get3A_251 = vector.shape_cast %get3A_250 : vector<1x211x16xf32> to vector<211x16xf32>
      %dot_general3A_252 = arith.constant dense<0.000000e+00> : vector<211x64xf32>
      %dot_general3A_253 = tpu.matmul %get3A_251, %convert_element_type3A_32, %dot_general3A_252 {dimension_numbers = #tpu.dot_dimension_numbers<[1], [0], [0], [1], [0, 0, 1, 1], [], []>, transpose_lhs_hint = false} : vector<211x16xf32>, vector<16x64xf32>, vector<211x64xf32> -> vector<211x64xf32>
      %mul3A_254 = vector.broadcast %get3A_43 : vector<1x64xf32> to vector<211x64xf32>
      %mul3A_255 = arith.mulf %dot_general3A_253, %mul3A_254 : vector<211x64xf32>
      %add3A_256 = vector.broadcast %get3A_46 : vector<1x64xf32> to vector<211x64xf32>
      %add3A_257 = arith.addf %mul3A_255, %add3A_256 : vector<211x64xf32>
      %tanh3A_258 = math.tanh %add3A_257 : vector<211x64xf32>
      %get3A_259 = arith.constant 0 : index
      %get3A_260 = arith.constant 0 : index
      %get3A_261 = arith.constant 2 : index
      %get3A_262 = vector.load %arg12[%get3A_259, %get3A_260, %get3A_261] : memref<1x211x16xf32, #tpu.memory_space<vmem>>, vector<1x211x1xf32>
      %get3A_263 = vector.shape_cast %get3A_262 : vector<1x211x1xf32> to vector<211x1xf32>
      %mul3A_264 = vector.broadcast %get3A_263 : vector<211x1xf32> to vector<211x64xf32>
      %mul3A_265 = vector.broadcast %get3A_49 : vector<1x64xf32> to vector<211x64xf32>
      %mul3A_266 = arith.mulf %mul3A_264, %mul3A_265 : vector<211x64xf32>
      %add3A_267 = vector.broadcast %get3A_52 : vector<1x64xf32> to vector<211x64xf32>
      %add3A_268 = arith.addf %mul3A_266, %add3A_267 : vector<211x64xf32>
      %tanh3A_269 = math.tanh %add3A_268 : vector<211x64xf32>
      %concatenate3A_270 = tpu.concatenate %tanh3A_258, %tanh3A_269 in 1 : vector<211x64xf32>, vector<211x64xf32> -> vector<211x128xf32>
      %dot_general3A_271 = arith.constant dense<0.000000e+00> : vector<211x256xf32>
      %dot_general3A_272 = tpu.matmul %concatenate3A_270, %get3A_34, %dot_general3A_271 {dimension_numbers = #tpu.dot_dimension_numbers<[1], [0], [0], [1], [0, 0, 1, 1], [], []>, transpose_lhs_hint = false} : vector<211x128xf32>, vector<128x256xf32>, vector<211x256xf32> -> vector<211x256xf32>
      %add3A_273 = vector.broadcast %get3A_40 : vector<1x256xf32> to vector<211x256xf32>
      %add3A_274 = arith.addf %dot_general3A_272, %add3A_273 : vector<211x256xf32>
      %mul3A_275 = vector.broadcast %get3A_55 : vector<211x1xf32> to vector<211x256xf32>
      %mul3A_276 = arith.mulf %add3A_274, %mul3A_275 : vector<211x256xf32>
      %reduce_sum3A_277 = arith.constant dense<0.000000e+00> : vector<256xf32>
      %reduce_sum3A_278 = vector.multi_reduction <add>, %mul3A_276, %reduce_sum3A_277 [0] : vector<211x256xf32> to vector<256xf32>
      %broadcast_in_dim3A_279 = vector.shape_cast %reduce_sum3A_278 : vector<256xf32> to vector<1x256xf32>
      %add3A_280 = vector.broadcast %get3A_58 : vector<1x1xf32> to vector<1x256xf32>
      %add3A_281 = arith.addf %broadcast_in_dim3A_279, %add3A_280 : vector<1x256xf32>
      %slice3A_282 = vector.extract_strided_slice %add3A_281 {offsets = [0, 0], sizes = [1, 255], strides = [1, 1]} : vector<1x256xf32> to vector<1x255xf32>
      %concatenate3A_283 = tpu.concatenate %broadcast_in_dim3A_68, %slice3A_282 in 1 : vector<1x1xf32>, vector<1x255xf32> -> vector<1x256xf32>
      %slice3A_284 = vector.extract_strided_slice %add3A_281 {offsets = [0, 1], sizes = [1, 255], strides = [1, 1]} : vector<1x256xf32> to vector<1x255xf32>
      %concatenate3A_285 = tpu.concatenate %slice3A_284, %broadcast_in_dim3A_68 in 1 : vector<1x255xf32>, vector<1x1xf32> -> vector<1x256xf32>
      %concatenate3A_286 = tpu.concatenate %concatenate3A_283, %add3A_281, %concatenate3A_285 in 0 : vector<1x256xf32>, vector<1x256xf32>, vector<1x256xf32> -> vector<3x256xf32>
      %dot_general3A_287 = arith.constant dense<0.000000e+00> : vector<256x256xf32>
      %dot_general3A_288 = tpu.matmul %get3A_37, %concatenate3A_286, %dot_general3A_287 {dimension_numbers = #tpu.dot_dimension_numbers<[1], [0], [0], [1], [0, 0, 1, 1], [], []>, transpose_lhs_hint = false} : vector<256x3xf32>, vector<3x256xf32>, vector<256x256xf32> -> vector<256x256xf32>
      %add3A_289 = vector.broadcast %get3A_61 : vector<256x1xf32> to vector<256x256xf32>
      %add3A_290 = arith.addf %dot_general3A_288, %add3A_289 : vector<256x256xf32>
      %reduce_max3A_291 = arith.constant dense<0xFF800000> : vector<256xf32>
      %reduce_max3A_292 = vector.multi_reduction <maximumf>, %add3A_290, %reduce_max3A_291 [1] : vector<256x256xf32> to vector<256xf32>
      %broadcast_in_dim3A_293 = vector.shape_cast %reduce_max3A_292 : vector<256xf32> to vector<256x1xf32>
      %sub3A_294 = vector.broadcast %broadcast_in_dim3A_293 : vector<256x1xf32> to vector<256x256xf32>
      %sub3A_295 = arith.subf %add3A_290, %sub3A_294 : vector<256x256xf32>
      %exp3A_296 = math.exp %sub3A_295 : vector<256x256xf32>
      %reduce_sum3A_297 = arith.constant dense<0.000000e+00> : vector<256xf32>
      %reduce_sum3A_298 = vector.multi_reduction <add>, %exp3A_296, %reduce_sum3A_297 [1] : vector<256x256xf32> to vector<256xf32>
      %broadcast_in_dim3A_299 = vector.shape_cast %reduce_sum3A_298 : vector<256xf32> to vector<256x1xf32>
      %div3A_300 = arith.divf %get3A_64, %broadcast_in_dim3A_299 : vector<256x1xf32>
      %mul3A_301 = vector.broadcast %div3A_300 : vector<256x1xf32> to vector<256x256xf32>
      %mul3A_302 = arith.mulf %exp3A_296, %mul3A_301 : vector<256x256xf32>
      %reduce_sum3A_303 = arith.constant dense<0.000000e+00> : vector<256xf32>
      %reduce_sum3A_304 = vector.multi_reduction <add>, %mul3A_302, %reduce_sum3A_303 [0] : vector<256x256xf32> to vector<256xf32>
      %broadcast_in_dim3A_305 = vector.shape_cast %reduce_sum3A_304 : vector<256xf32> to vector<1x256xf32>
      %mul3A_306 = vector.broadcast %broadcast_in_dim3A_305 : vector<1x256xf32> to vector<211x256xf32>
      %mul3A_307 = arith.mulf %add3A_274, %mul3A_306 : vector<211x256xf32>
      %reduce_sum3A_308 = arith.constant dense<0.000000e+00> : vector<211xf32>
      %reduce_sum3A_309 = vector.multi_reduction <add>, %mul3A_307, %reduce_sum3A_308 [1] : vector<211x256xf32> to vector<211xf32>
      %broadcast_in_dim3A_310 = vector.shape_cast %reduce_sum3A_309 : vector<211xf32> to vector<211x1xf32>
      %add3A_311 = vector.broadcast %get3A_67 : vector<1x1xf32> to vector<211x1xf32>
      %add3A_312 = arith.addf %broadcast_in_dim3A_310, %add3A_311 : vector<211x1xf32>
      %reduce_max3A_313 = arith.constant dense<0xFF800000> : vector<1xf32>
      %reduce_max3A_314 = vector.multi_reduction <maximumf>, %add3A_312, %reduce_max3A_313 [0] : vector<211x1xf32> to vector<1xf32>
      %broadcast_in_dim3A_315 = vector.shape_cast %reduce_max3A_314 : vector<1xf32> to vector<1x1xf32>
      %sub3A_316 = vector.broadcast %broadcast_in_dim3A_315 : vector<1x1xf32> to vector<211x1xf32>
      %sub3A_317 = arith.subf %add3A_312, %sub3A_316 : vector<211x1xf32>
      %exp3A_318 = math.exp %sub3A_317 : vector<211x1xf32>
      %reduce_sum3A_319 = arith.constant dense<0.000000e+00> : vector<1xf32>
      %reduce_sum3A_320 = vector.multi_reduction <add>, %exp3A_318, %reduce_sum3A_319 [0] : vector<211x1xf32> to vector<1xf32>
      %broadcast_in_dim3A_321 = vector.shape_cast %reduce_sum3A_320 : vector<1xf32> to vector<1x1xf32>
      %div3A_322 = vector.broadcast %broadcast_in_dim3A_321 : vector<1x1xf32> to vector<211x1xf32>
      %div3A_323 = arith.divf %exp3A_318, %div3A_322 : vector<211x1xf32>
      %mul3A_324 = vector.broadcast %div3A_323 : vector<211x1xf32> to vector<211x256xf32>
      %mul3A_325 = arith.mulf %add3A_274, %mul3A_324 : vector<211x256xf32>
      %reduce_sum3A_326 = arith.constant dense<0.000000e+00> : vector<256xf32>
      %reduce_sum3A_327 = vector.multi_reduction <add>, %mul3A_325, %reduce_sum3A_326 [0] : vector<211x256xf32> to vector<256xf32>
      %broadcast_in_dim3A_328 = vector.shape_cast %reduce_sum3A_327 : vector<256xf32> to vector<1x256xf32>
      %mul3A_329 = vector.broadcast %broadcast_in_dim3A_328 : vector<1x256xf32> to vector<256x256xf32>
      %mul3A_330 = arith.mulf %exp3A_296, %mul3A_329 : vector<256x256xf32>
      %reduce_sum3A_331 = arith.constant dense<0.000000e+00> : vector<256xf32>
      %reduce_sum3A_332 = vector.multi_reduction <add>, %mul3A_330, %reduce_sum3A_331 [1] : vector<256x256xf32> to vector<256xf32>
      %broadcast_in_dim3A_333 = vector.shape_cast %reduce_sum3A_332 : vector<256xf32> to vector<256x1xf32>
      %div3A_334 = arith.divf %broadcast_in_dim3A_333, %broadcast_in_dim3A_299 : vector<256x1xf32>
      %swap3A_335 = arith.constant 0 : index
      %swap3A_336 = arith.constant 0 : index
      %swap3A_337 = arith.constant 2 : index
      %swap3A_338 = vector.load %arg22[%swap3A_335, %swap3A_336, %swap3A_337] : memref<1x256x16xf32, #tpu.memory_space<vmem>>, vector<1x256x1xf32>
      %swap3A_339 = vector.shape_cast %swap3A_338 : vector<1x256x1xf32> to vector<256x1xf32>
      %swap3A_340 = vector.shape_cast %div3A_334 : vector<256x1xf32> to vector<1x256x1xf32>
      tpu.vector_store %arg22[%swap3A_335, %swap3A_336, %swap3A_337], %swap3A_340 {strides = array<i32>} : memref<1x256x16xf32, #tpu.memory_space<vmem>>, vector<1x256x1xf32>,
      %get3A_341 = arith.constant 3 : index
      %get3A_342 = arith.constant 0 : index
      %get3A_343 = arith.constant 0 : index
      %get3A_344 = vector.load %arg11[%get3A_341, %get3A_342, %get3A_343] : memref<16x211x16xf32, #tpu.memory_space<vmem>>, vector<1x211x16xf32>
      %get3A_345 = vector.shape_cast %get3A_344 : vector<1x211x16xf32> to vector<211x16xf32>
      %dot_general3A_346 = arith.constant dense<0.000000e+00> : vector<211x64xf32>
      %dot_general3A_347 = tpu.matmul %get3A_345, %convert_element_type3A_32, %dot_general3A_346 {dimension_numbers = #tpu.dot_dimension_numbers<[1], [0], [0], [1], [0, 0, 1, 1], [], []>, transpose_lhs_hint = false} : vector<211x16xf32>, vector<16x64xf32>, vector<211x64xf32> -> vector<211x64xf32>
      %mul3A_348 = vector.broadcast %get3A_43 : vector<1x64xf32> to vector<211x64xf32>
      %mul3A_349 = arith.mulf %dot_general3A_347, %mul3A_348 : vector<211x64xf32>
      %add3A_350 = vector.broadcast %get3A_46 : vector<1x64xf32> to vector<211x64xf32>
      %add3A_351 = arith.addf %mul3A_349, %add3A_350 : vector<211x64xf32>
      %tanh3A_352 = math.tanh %add3A_351 : vector<211x64xf32>
      %get3A_353 = arith.constant 0 : index
      %get3A_354 = arith.constant 0 : index
      %get3A_355 = arith.constant 3 : index
      %get3A_356 = vector.load %arg12[%get3A_353, %get3A_354, %get3A_355] : memref<1x211x16xf32, #tpu.memory_space<vmem>>, vector<1x211x1xf32>
      %get3A_357 = vector.shape_cast %get3A_356 : vector<1x211x1xf32> to vector<211x1xf32>
      %mul3A_358 = vector.broadcast %get3A_357 : vector<211x1xf32> to vector<211x64xf32>
      %mul3A_359 = vector.broadcast %get3A_49 : vector<1x64xf32> to vector<211x64xf32>
      %mul3A_360 = arith.mulf %mul3A_358, %mul3A_359 : vector<211x64xf32>
      %add3A_361 = vector.broadcast %get3A_52 : vector<1x64xf32> to vector<211x64xf32>
      %add3A_362 = arith.addf %mul3A_360, %add3A_361 : vector<211x64xf32>
      %tanh3A_363 = math.tanh %add3A_362 : vector<211x64xf32>
      %concatenate3A_364 = tpu.concatenate %tanh3A_352, %tanh3A_363 in 1 : vector<211x64xf32>, vector<211x64xf32> -> vector<211x128xf32>
      %dot_general3A_365 = arith.constant dense<0.000000e+00> : vector<211x256xf32>
      %dot_general3A_366 = tpu.matmul %concatenate3A_364, %get3A_34, %dot_general3A_365 {dimension_numbers = #tpu.dot_dimension_numbers<[1], [0], [0], [1], [0, 0, 1, 1], [], []>, transpose_lhs_hint = false} : vector<211x128xf32>, vector<128x256xf32>, vector<211x256xf32> -> vector<211x256xf32>
      %add3A_367 = vector.broadcast %get3A_40 : vector<1x256xf32> to vector<211x256xf32>
      %add3A_368 = arith.addf %dot_general3A_366, %add3A_367 : vector<211x256xf32>
      %mul3A_369 = vector.broadcast %get3A_55 : vector<211x1xf32> to vector<211x256xf32>
      %mul3A_370 = arith.mulf %add3A_368, %mul3A_369 : vector<211x256xf32>
      %reduce_sum3A_371 = arith.constant dense<0.000000e+00> : vector<256xf32>
      %reduce_sum3A_372 = vector.multi_reduction <add>, %mul3A_370, %reduce_sum3A_371 [0] : vector<211x256xf32> to vector<256xf32>
      %broadcast_in_dim3A_373 = vector.shape_cast %reduce_sum3A_372 : vector<256xf32> to vector<1x256xf32>
      %add3A_374 = vector.broadcast %get3A_58 : vector<1x1xf32> to vector<1x256xf32>
      %add3A_375 = arith.addf %broadcast_in_dim3A_373, %add3A_374 : vector<1x256xf32>
      %slice3A_376 = vector.extract_strided_slice %add3A_375 {offsets = [0, 0], sizes = [1, 255], strides = [1, 1]} : vector<1x256xf32> to vector<1x255xf32>
      %concatenate3A_377 = tpu.concatenate %broadcast_in_dim3A_68, %slice3A_376 in 1 : vector<1x1xf32>, vector<1x255xf32> -> vector<1x256xf32>
      %slice3A_378 = vector.extract_strided_slice %add3A_375 {offsets = [0, 1], sizes = [1, 255], strides = [1, 1]} : vector<1x256xf32> to vector<1x255xf32>
      %concatenate3A_379 = tpu.concatenate %slice3A_378, %broadcast_in_dim3A_68 in 1 : vector<1x255xf32>, vector<1x1xf32> -> vector<1x256xf32>
      %concatenate3A_380 = tpu.concatenate %concatenate3A_377, %add3A_375, %concatenate3A_379 in 0 : vector<1x256xf32>, vector<1x256xf32>, vector<1x256xf32> -> vector<3x256xf32>
      %dot_general3A_381 = arith.constant dense<0.000000e+00> : vector<256x256xf32>
      %dot_general3A_382 = tpu.matmul %get3A_37, %concatenate3A_380, %dot_general3A_381 {dimension_numbers = #tpu.dot_dimension_numbers<[1], [0], [0], [1], [0, 0, 1, 1], [], []>, transpose_lhs_hint = false} : vector<256x3xf32>, vector<3x256xf32>, vector<256x256xf32> -> vector<256x256xf32>
      %add3A_383 = vector.broadcast %get3A_61 : vector<256x1xf32> to vector<256x256xf32>
      %add3A_384 = arith.addf %dot_general3A_382, %add3A_383 : vector<256x256xf32>
      %reduce_max3A_385 = arith.constant dense<0xFF800000> : vector<256xf32>
      %reduce_max3A_386 = vector.multi_reduction <maximumf>, %add3A_384, %reduce_max3A_385 [1] : vector<256x256xf32> to vector<256xf32>
      %broadcast_in_dim3A_387 = vector.shape_cast %reduce_max3A_386 : vector<256xf32> to vector<256x1xf32>
      %sub3A_388 = vector.broadcast %broadcast_in_dim3A_387 : vector<256x1xf32> to vector<256x256xf32>
      %sub3A_389 = arith.subf %add3A_384, %sub3A_388 : vector<256x256xf32>
      %exp3A_390 = math.exp %sub3A_389 : vector<256x256xf32>
      %reduce_sum3A_391 = arith.constant dense<0.000000e+00> : vector<256xf32>
      %reduce_sum3A_392 = vector.multi_reduction <add>, %exp3A_390, %reduce_sum3A_391 [1] : vector<256x256xf32> to vector<256xf32>
      %broadcast_in_dim3A_393 = vector.shape_cast %reduce_sum3A_392 : vector<256xf32> to vector<256x1xf32>
      %div3A_394 = arith.divf %get3A_64, %broadcast_in_dim3A_393 : vector<256x1xf32>
      %mul3A_395 = vector.broadcast %div3A_394 : vector<256x1xf32> to vector<256x256xf32>
      %mul3A_396 = arith.mulf %exp3A_390, %mul3A_395 : vector<256x256xf32>
      %reduce_sum3A_397 = arith.constant dense<0.000000e+00> : vector<256xf32>
      %reduce_sum3A_398 = vector.multi_reduction <add>, %mul3A_396, %reduce_sum3A_397 [0] : vector<256x256xf32> to vector<256xf32>
      %broadcast_in_dim3A_399 = vector.shape_cast %reduce_sum3A_398 : vector<256xf32> to vector<1x256xf32>
      %mul3A_400 = vector.broadcast %broadcast_in_dim3A_399 : vector<1x256xf32> to vector<211x256xf32>
      %mul3A_401 = arith.mulf %add3A_368, %mul3A_400 : vector<211x256xf32>
      %reduce_sum3A_402 = arith.constant dense<0.000000e+00> : vector<211xf32>
      %reduce_sum3A_403 = vector.multi_reduction <add>, %mul3A_401, %reduce_sum3A_402 [1] : vector<211x256xf32> to vector<211xf32>
      %broadcast_in_dim3A_404 = vector.shape_cast %reduce_sum3A_403 : vector<211xf32> to vector<211x1xf32>
      %add3A_405 = vector.broadcast %get3A_67 : vector<1x1xf32> to vector<211x1xf32>
      %add3A_406 = arith.addf %broadcast_in_dim3A_404, %add3A_405 : vector<211x1xf32>
      %reduce_max3A_407 = arith.constant dense<0xFF800000> : vector<1xf32>
      %reduce_max3A_408 = vector.multi_reduction <maximumf>, %add3A_406, %reduce_max3A_407 [0] : vector<211x1xf32> to vector<1xf32>
      %broadcast_in_dim3A_409 = vector.shape_cast %reduce_max3A_408 : vector<1xf32> to vector<1x1xf32>
      %sub3A_410 = vector.broadcast %broadcast_in_dim3A_409 : vector<1x1xf32> to vector<211x1xf32>
      %sub3A_411 = arith.subf %add3A_406, %sub3A_410 : vector<211x1xf32>
      %exp3A_412 = math.exp %sub3A_411 : vector<211x1xf32>
      %reduce_sum3A_413 = arith.constant dense<0.000000e+00> : vector<1xf32>
      %reduce_sum3A_414 = vector.multi_reduction <add>, %exp3A_412, %reduce_sum3A_413 [0] : vector<211x1xf32> to vector<1xf32>
      %broadcast_in_dim3A_415 = vector.shape_cast %reduce_sum3A_414 : vector<1xf32> to vector<1x1xf32>
      %div3A_416 = vector.broadcast %broadcast_in_dim3A_415 : vector<1x1xf32> to vector<211x1xf32>
      %div3A_417 = arith.divf %exp3A_412, %div3A_416 : vector<211x1xf32>
      %mul3A_418 = vector.broadcast %div3A_417 : vector<211x1xf32> to vector<211x256xf32>
      %mul3A_419 = arith.mulf %add3A_368, %mul3A_418 : vector<211x256xf32>
      %reduce_sum3A_420 = arith.constant dense<0.000000e+00> : vector<256xf32>
      %reduce_sum3A_421 = vector.multi_reduction <add>, %mul3A_419, %reduce_sum3A_420 [0] : vector<211x256xf32> to vector<256xf32>
      %broadcast_in_dim3A_422 = vector.shape_cast %reduce_sum3A_421 : vector<256xf32> to vector<1x256xf32>
      %mul3A_423 = vector.broadcast %broadcast_in_dim3A_422 : vector<1x256xf32> to vector<256x256xf32>
      %mul3A_424 = arith.mulf %exp3A_390, %mul3A_423 : vector<256x256xf32>
      %reduce_sum3A_425 = arith.constant dense<0.000000e+00> : vector<256xf32>
      %reduce_sum3A_426 = vector.multi_reduction <add>, %mul3A_424, %reduce_sum3A_425 [1] : vector<256x256xf32> to vector<256xf32>
      %broadcast_in_dim3A_427 = vector.shape_cast %reduce_sum3A_426 : vector<256xf32> to vector<256x1xf32>
      %div3A_428 = arith.divf %broadcast_in_dim3A_427, %broadcast_in_dim3A_393 : vector<256x1xf32>
      %swap3A_429 = arith.constant 0 : index
      %swap3A_430 = arith.constant 0 : index
      %swap3A_431 = arith.constant 3 : index
      %swap3A_432 = vector.load %arg22[%swap3A_429, %swap3A_430, %swap3A_431] : memref<1x256x16xf32, #tpu.memory_space<vmem>>, vector<1x256x1xf32>
      %swap3A_433 = vector.shape_cast %swap3A_432 : vector<1x256x1xf32> to vector<256x1xf32>
      %swap3A_434 = vector.shape_cast %div3A_428 : vector<256x1xf32> to vector<1x256x1xf32>
      tpu.vector_store %arg22[%swap3A_429, %swap3A_430, %swap3A_431], %swap3A_434 {strides = array<i32>} : memref<1x256x16xf32, #tpu.memory_space<vmem>>, vector<1x256x1xf32>,
      %get3A_435 = arith.constant 4 : index
      %get3A_436 = arith.constant 0 : index
      %get3A_437 = arith.constant 0 : index
      %get3A_438 = vector.load %arg11[%get3A_435, %get3A_436, %get3A_437] : memref<16x211x16xf32, #tpu.memory_space<vmem>>, vector<1x211x16xf32>
      %get3A_439 = vector.shape_cast %get3A_438 : vector<1x211x16xf32> to vector<211x16xf32>
      %dot_general3A_440 = arith.constant dense<0.000000e+00> : vector<211x64xf32>
      %dot_general3A_441 = tpu.matmul %get3A_439, %convert_element_type3A_32, %dot_general3A_440 {dimension_numbers = #tpu.dot_dimension_numbers<[1], [0], [0], [1], [0, 0, 1, 1], [], []>, transpose_lhs_hint = false} : vector<211x16xf32>, vector<16x64xf32>, vector<211x64xf32> -> vector<211x64xf32>
      %mul3A_442 = vector.broadcast %get3A_43 : vector<1x64xf32> to vector<211x64xf32>
      %mul3A_443 = arith.mulf %dot_general3A_441, %mul3A_442 : vector<211x64xf32>
      %add3A_444 = vector.broadcast %get3A_46 : vector<1x64xf32> to vector<211x64xf32>
      %add3A_445 = arith.addf %mul3A_443, %add3A_444 : vector<211x64xf32>
      %tanh3A_446 = math.tanh %add3A_445 : vector<211x64xf32>
      %get3A_447 = arith.constant 0 : index
      %get3A_448 = arith.constant 0 : index
      %get3A_449 = arith.constant 4 : index
      %get3A_450 = vector.load %arg12[%get3A_447, %get3A_448, %get3A_449] : memref<1x211x16xf32, #tpu.memory_space<vmem>>, vector<1x211x1xf32>
      %get3A_451 = vector.shape_cast %get3A_450 : vector<1x211x1xf32> to vector<211x1xf32>
      %mul3A_452 = vector.broadcast %get3A_451 : vector<211x1xf32> to vector<211x64xf32>
      %mul3A_453 = vector.broadcast %get3A_49 : vector<1x64xf32> to vector<211x64xf32>
      %mul3A_454 = arith.mulf %mul3A_452, %mul3A_453 : vector<211x64xf32>
      %add3A_455 = vector.broadcast %get3A_52 : vector<1x64xf32> to vector<211x64xf32>
      %add3A_456 = arith.addf %mul3A_454, %add3A_455 : vector<211x64xf32>
      %tanh3A_457 = math.tanh %add3A_456 : vector<211x64xf32>
      %concatenate3A_458 = tpu.concatenate %tanh3A_446, %tanh3A_457 in 1 : vector<211x64xf32>, vector<211x64xf32> -> vector<211x128xf32>
      %dot_general3A_459 = arith.constant dense<0.000000e+00> : vector<211x256xf32>
      %dot_general3A_460 = tpu.matmul %concatenate3A_458, %get3A_34, %dot_general3A_459 {dimension_numbers = #tpu.dot_dimension_numbers<[1], [0], [0], [1], [0, 0, 1, 1], [], []>, transpose_lhs_hint = false} : vector<211x128xf32>, vector<128x256xf32>, vector<211x256xf32> -> vector<211x256xf32>
      %add3A_461 = vector.broadcast %get3A_40 : vector<1x256xf32> to vector<211x256xf32>
      %add3A_462 = arith.addf %dot_general3A_460, %add3A_461 : vector<211x256xf32>
      %mul3A_463 = vector.broadcast %get3A_55 : vector<211x1xf32> to vector<211x256xf32>
      %mul3A_464 = arith.mulf %add3A_462, %mul3A_463 : vector<211x256xf32>
      %reduce_sum3A_465 = arith.constant dense<0.000000e+00> : vector<256xf32>
      %reduce_sum3A_466 = vector.multi_reduction <add>, %mul3A_464, %reduce_sum3A_465 [0] : vector<211x256xf32> to vector<256xf32>
      %broadcast_in_dim3A_467 = vector.shape_cast %reduce_sum3A_466 : vector<256xf32> to vector<1x256xf32>
      %add3A_468 = vector.broadcast %get3A_58 : vector<1x1xf32> to vector<1x256xf32>
      %add3A_469 = arith.addf %broadcast_in_dim3A_467, %add3A_468 : vector<1x256xf32>
      %slice3A_470 = vector.extract_strided_slice %add3A_469 {offsets = [0, 0], sizes = [1, 255], strides = [1, 1]} : vector<1x256xf32> to vector<1x255xf32>
      %concatenate3A_471 = tpu.concatenate %broadcast_in_dim3A_68, %slice3A_470 in 1 : vector<1x1xf32>, vector<1x255xf32> -> vector<1x256xf32>
      %slice3A_472 = vector.extract_strided_slice %add3A_469 {offsets = [0, 1], sizes = [1, 255], strides = [1, 1]} : vector<1x256xf32> to vector<1x255xf32>
      %concatenate3A_473 = tpu.concatenate %slice3A_472, %broadcast_in_dim3A_68 in 1 : vector<1x255xf32>, vector<1x1xf32> -> vector<1x256xf32>
      %concatenate3A_474 = tpu.concatenate %concatenate3A_471, %add3A_469, %concatenate3A_473 in 0 : vector<1x256xf32>, vector<1x256xf32>, vector<1x256xf32> -> vector<3x256xf32>
      %dot_general3A_475 = arith.constant dense<0.000000e+00> : vector<256x256xf32>
      %dot_general3A_476 = tpu.matmul %get3A_37, %concatenate3A_474, %dot_general3A_475 {dimension_numbers = #tpu.dot_dimension_numbers<[1], [0], [0], [1], [0, 0, 1, 1], [], []>, transpose_lhs_hint = false} : vector<256x3xf32>, vector<3x256xf32>, vector<256x256xf32> -> vector<256x256xf32>
      %add3A_477 = vector.broadcast %get3A_61 : vector<256x1xf32> to vector<256x256xf32>
      %add3A_478 = arith.addf %dot_general3A_476, %add3A_477 : vector<256x256xf32>
      %reduce_max3A_479 = arith.constant dense<0xFF800000> : vector<256xf32>
      %reduce_max3A_480 = vector.multi_reduction <maximumf>, %add3A_478, %reduce_max3A_479 [1] : vector<256x256xf32> to vector<256xf32>
      %broadcast_in_dim3A_481 = vector.shape_cast %reduce_max3A_480 : vector<256xf32> to vector<256x1xf32>
      %sub3A_482 = vector.broadcast %broadcast_in_dim3A_481 : vector<256x1xf32> to vector<256x256xf32>
      %sub3A_483 = arith.subf %add3A_478, %sub3A_482 : vector<256x256xf32>
      %exp3A_484 = math.exp %sub3A_483 : vector<256x256xf32>
      %reduce_sum3A_485 = arith.constant dense<0.000000e+00> : vector<256xf32>
      %reduce_sum3A_486 = vector.multi_reduction <add>, %exp3A_484, %reduce_sum3A_485 [1] : vector<256x256xf32> to vector<256xf32>
      %broadcast_in_dim3A_487 = vector.shape_cast %reduce_sum3A_486 : vector<256xf32> to vector<256x1xf32>
      %div3A_488 = arith.divf %get3A_64, %broadcast_in_dim3A_487 : vector<256x1xf32>
      %mul3A_489 = vector.broadcast %div3A_488 : vector<256x1xf32> to vector<256x256xf32>
      %mul3A_490 = arith.mulf %exp3A_484, %mul3A_489 : vector<256x256xf32>
      %reduce_sum3A_491 = arith.constant dense<0.000000e+00> : vector<256xf32>
      %reduce_sum3A_492 = vector.multi_reduction <add>, %mul3A_490, %reduce_sum3A_491 [0] : vector<256x256xf32> to vector<256xf32>
      %broadcast_in_dim3A_493 = vector.shape_cast %reduce_sum3A_492 : vector<256xf32> to vector<1x256xf32>
      %mul3A_494 = vector.broadcast %broadcast_in_dim3A_493 : vector<1x256xf32> to vector<211x256xf32>
      %mul3A_495 = arith.mulf %add3A_462, %mul3A_494 : vector<211x256xf32>
      %reduce_sum3A_496 = arith.constant dense<0.000000e+00> : vector<211xf32>
      %reduce_sum3A_497 = vector.multi_reduction <add>, %mul3A_495, %reduce_sum3A_496 [1] : vector<211x256xf32> to vector<211xf32>
      %broadcast_in_dim3A_498 = vector.shape_cast %reduce_sum3A_497 : vector<211xf32> to vector<211x1xf32>
      %add3A_499 = vector.broadcast %get3A_67 : vector<1x1xf32> to vector<211x1xf32>
      %add3A_500 = arith.addf %broadcast_in_dim3A_498, %add3A_499 : vector<211x1xf32>
      %reduce_max3A_501 = arith.constant dense<0xFF800000> : vector<1xf32>
      %reduce_max3A_502 = vector.multi_reduction <maximumf>, %add3A_500, %reduce_max3A_501 [0] : vector<211x1xf32> to vector<1xf32>
      %broadcast_in_dim3A_503 = vector.shape_cast %reduce_max3A_502 : vector<1xf32> to vector<1x1xf32>
      %sub3A_504 = vector.broadcast %broadcast_in_dim3A_503 : vector<1x1xf32> to vector<211x1xf32>
      %sub3A_505 = arith.subf %add3A_500, %sub3A_504 : vector<211x1xf32>
      %exp3A_506 = math.exp %sub3A_505 : vector<211x1xf32>
      %reduce_sum3A_507 = arith.constant dense<0.000000e+00> : vector<1xf32>
      %reduce_sum3A_508 = vector.multi_reduction <add>, %exp3A_506, %reduce_sum3A_507 [0] : vector<211x1xf32> to vector<1xf32>
      %broadcast_in_dim3A_509 = vector.shape_cast %reduce_sum3A_508 : vector<1xf32> to vector<1x1xf32>
      %div3A_510 = vector.broadcast %broadcast_in_dim3A_509 : vector<1x1xf32> to vector<211x1xf32>
      %div3A_511 = arith.divf %exp3A_506, %div3A_510 : vector<211x1xf32>
      %mul3A_512 = vector.broadcast %div3A_511 : vector<211x1xf32> to vector<211x256xf32>
      %mul3A_513 = arith.mulf %add3A_462, %mul3A_512 : vector<211x256xf32>
      %reduce_sum3A_514 = arith.constant dense<0.000000e+00> : vector<256xf32>
      %reduce_sum3A_515 = vector.multi_reduction <add>, %mul3A_513, %reduce_sum3A_514 [0] : vector<211x256xf32> to vector<256xf32>
      %broadcast_in_dim3A_516 = vector.shape_cast %reduce_sum3A_515 : vector<256xf32> to vector<1x256xf32>
      %mul3A_517 = vector.broadcast %broadcast_in_dim3A_516 : vector<1x256xf32> to vector<256x256xf32>
      %mul3A_518 = arith.mulf %exp3A_484, %mul3A_517 : vector<256x256xf32>
      %reduce_sum3A_519 = arith.constant dense<0.000000e+00> : vector<256xf32>
      %reduce_sum3A_520 = vector.multi_reduction <add>, %mul3A_518, %reduce_sum3A_519 [1] : vector<256x256xf32> to vector<256xf32>
      %broadcast_in_dim3A_521 = vector.shape_cast %reduce_sum3A_520 : vector<256xf32> to vector<256x1xf32>
      %div3A_522 = arith.divf %broadcast_in_dim3A_521, %broadcast_in_dim3A_487 : vector<256x1xf32>
      %swap3A_523 = arith.constant 0 : index
      %swap3A_524 = arith.constant 0 : index
      %swap3A_525 = arith.constant 4 : index
      %swap3A_526 = vector.load %arg22[%swap3A_523, %swap3A_524, %swap3A_525] : memref<1x256x16xf32, #tpu.memory_space<vmem>>, vector<1x256x1xf32>
      %swap3A_527 = vector.shape_cast %swap3A_526 : vector<1x256x1xf32> to vector<256x1xf32>
      %swap3A_528 = vector.shape_cast %div3A_522 : vector<256x1xf32> to vector<1x256x1xf32>
      tpu.vector_store %arg22[%swap3A_523, %swap3A_524, %swap3A_525], %swap3A_528 {strides = array<i32>} : memref<1x256x16xf32, #tpu.memory_space<vmem>>, vector<1x256x1xf32>,
      %get3A_529 = arith.constant 5 : index
      %get3A_530 = arith.constant 0 : index
      %get3A_531 = arith.constant 0 : index
      %get3A_532 = vector.load %arg11[%get3A_529, %get3A_530, %get3A_531] : memref<16x211x16xf32, #tpu.memory_space<vmem>>, vector<1x211x16xf32>
      %get3A_533 = vector.shape_cast %get3A_532 : vector<1x211x16xf32> to vector<211x16xf32>
      %dot_general3A_534 = arith.constant dense<0.000000e+00> : vector<211x64xf32>
      %dot_general3A_535 = tpu.matmul %get3A_533, %convert_element_type3A_32, %dot_general3A_534 {dimension_numbers = #tpu.dot_dimension_numbers<[1], [0], [0], [1], [0, 0, 1, 1], [], []>, transpose_lhs_hint = false} : vector<211x16xf32>, vector<16x64xf32>, vector<211x64xf32> -> vector<211x64xf32>
      %mul3A_536 = vector.broadcast %get3A_43 : vector<1x64xf32> to vector<211x64xf32>
      %mul3A_537 = arith.mulf %dot_general3A_535, %mul3A_536 : vector<211x64xf32>
      %add3A_538 = vector.broadcast %get3A_46 : vector<1x64xf32> to vector<211x64xf32>
      %add3A_539 = arith.addf %mul3A_537, %add3A_538 : vector<211x64xf32>
      %tanh3A_540 = math.tanh %add3A_539 : vector<211x64xf32>
      %get3A_541 = arith.constant 0 : index
      %get3A_542 = arith.constant 0 : index
      %get3A_543 = arith.constant 5 : index
      %get3A_544 = vector.load %arg12[%get3A_541, %get3A_542, %get3A_543] : memref<1x211x16xf32, #tpu.memory_space<vmem>>, vector<1x211x1xf32>
      %get3A_545 = vector.shape_cast %get3A_544 : vector<1x211x1xf32> to vector<211x1xf32>
      %mul3A_546 = vector.broadcast %get3A_545 : vector<211x1xf32> to vector<211x64xf32>
      %mul3A_547 = vector.broadcast %get3A_49 : vector<1x64xf32> to vector<211x64xf32>
      %mul3A_548 = arith.mulf %mul3A_546, %mul3A_547 : vector<211x64xf32>
      %add3A_549 = vector.broadcast %get3A_52 : vector<1x64xf32> to vector<211x64xf32>
      %add3A_550 = arith.addf %mul3A_548, %add3A_549 : vector<211x64xf32>
      %tanh3A_551 = math.tanh %add3A_550 : vector<211x64xf32>
      %concatenate3A_552 = tpu.concatenate %tanh3A_540, %tanh3A_551 in 1 : vector<211x64xf32>, vector<211x64xf32> -> vector<211x128xf32>
      %dot_general3A_553 = arith.constant dense<0.000000e+00> : vector<211x256xf32>
      %dot_general3A_554 = tpu.matmul %concatenate3A_552, %get3A_34, %dot_general3A_553 {dimension_numbers = #tpu.dot_dimension_numbers<[1], [0], [0], [1], [0, 0, 1, 1], [], []>, transpose_lhs_hint = false} : vector<211x128xf32>, vector<128x256xf32>, vector<211x256xf32> -> vector<211x256xf32>
      %add3A_555 = vector.broadcast %get3A_40 : vector<1x256xf32> to vector<211x256xf32>
      %add3A_556 = arith.addf %dot_general3A_554, %add3A_555 : vector<211x256xf32>
      %mul3A_557 = vector.broadcast %get3A_55 : vector<211x1xf32> to vector<211x256xf32>
      %mul3A_558 = arith.mulf %add3A_556, %mul3A_557 : vector<211x256xf32>
      %reduce_sum3A_559 = arith.constant dense<0.000000e+00> : vector<256xf32>
      %reduce_sum3A_560 = vector.multi_reduction <add>, %mul3A_558, %reduce_sum3A_559 [0] : vector<211x256xf32> to vector<256xf32>
      %broadcast_in_dim3A_561 = vector.shape_cast %reduce_sum3A_560 : vector<256xf32> to vector<1x256xf32>
      %add3A_562 = vector.broadcast %get3A_58 : vector<1x1xf32> to vector<1x256xf32>
      %add3A_563 = arith.addf %broadcast_in_dim3A_561, %add3A_562 : vector<1x256xf32>
      %slice3A_564 = vector.extract_strided_slice %add3A_563 {offsets = [0, 0], sizes = [1, 255], strides = [1, 1]} : vector<1x256xf32> to vector<1x255xf32>
      %concatenate3A_565 = tpu.concatenate %broadcast_in_dim3A_68, %slice3A_564 in 1 : vector<1x1xf32>, vector<1x255xf32> -> vector<1x256xf32>
      %slice3A_566 = vector.extract_strided_slice %add3A_563 {offsets = [0, 1], sizes = [1, 255], strides = [1, 1]} : vector<1x256xf32> to vector<1x255xf32>
      %concatenate3A_567 = tpu.concatenate %slice3A_566, %broadcast_in_dim3A_68 in 1 : vector<1x255xf32>, vector<1x1xf32> -> vector<1x256xf32>
      %concatenate3A_568 = tpu.concatenate %concatenate3A_565, %add3A_563, %concatenate3A_567 in 0 : vector<1x256xf32>, vector<1x256xf32>, vector<1x256xf32> -> vector<3x256xf32>
      %dot_general3A_569 = arith.constant dense<0.000000e+00> : vector<256x256xf32>
      %dot_general3A_570 = tpu.matmul %get3A_37, %concatenate3A_568, %dot_general3A_569 {dimension_numbers = #tpu.dot_dimension_numbers<[1], [0], [0], [1], [0, 0, 1, 1], [], []>, transpose_lhs_hint = false} : vector<256x3xf32>, vector<3x256xf32>, vector<256x256xf32> -> vector<256x256xf32>
      %add3A_571 = vector.broadcast %get3A_61 : vector<256x1xf32> to vector<256x256xf32>
      %add3A_572 = arith.addf %dot_general3A_570, %add3A_571 : vector<256x256xf32>
      %reduce_max3A_573 = arith.constant dense<0xFF800000> : vector<256xf32>
      %reduce_max3A_574 = vector.multi_reduction <maximumf>, %add3A_572, %reduce_max3A_573 [1] : vector<256x256xf32> to vector<256xf32>
      %broadcast_in_dim3A_575 = vector.shape_cast %reduce_max3A_574 : vector<256xf32> to vector<256x1xf32>
      %sub3A_576 = vector.broadcast %broadcast_in_dim3A_575 : vector<256x1xf32> to vector<256x256xf32>
      %sub3A_577 = arith.subf %add3A_572, %sub3A_576 : vector<256x256xf32>
      %exp3A_578 = math.exp %sub3A_577 : vector<256x256xf32>
      %reduce_sum3A_579 = arith.constant dense<0.000000e+00> : vector<256xf32>
      %reduce_sum3A_580 = vector.multi_reduction <add>, %exp3A_578, %reduce_sum3A_579 [1] : vector<256x256xf32> to vector<256xf32>
      %broadcast_in_dim3A_581 = vector.shape_cast %reduce_sum3A_580 : vector<256xf32> to vector<256x1xf32>
      %div3A_582 = arith.divf %get3A_64, %broadcast_in_dim3A_581 : vector<256x1xf32>
      %mul3A_583 = vector.broadcast %div3A_582 : vector<256x1xf32> to vector<256x256xf32>
      %mul3A_584 = arith.mulf %exp3A_578, %mul3A_583 : vector<256x256xf32>
      %reduce_sum3A_585 = arith.constant dense<0.000000e+00> : vector<256xf32>
      %reduce_sum3A_586 = vector.multi_reduction <add>, %mul3A_584, %reduce_sum3A_585 [0] : vector<256x256xf32> to vector<256xf32>
      %broadcast_in_dim3A_587 = vector.shape_cast %reduce_sum3A_586 : vector<256xf32> to vector<1x256xf32>
      %mul3A_588 = vector.broadcast %broadcast_in_dim3A_587 : vector<1x256xf32> to vector<211x256xf32>
      %mul3A_589 = arith.mulf %add3A_556, %mul3A_588 : vector<211x256xf32>
      %reduce_sum3A_590 = arith.constant dense<0.000000e+00> : vector<211xf32>
      %reduce_sum3A_591 = vector.multi_reduction <add>, %mul3A_589, %reduce_sum3A_590 [1] : vector<211x256xf32> to vector<211xf32>
      %broadcast_in_dim3A_592 = vector.shape_cast %reduce_sum3A_591 : vector<211xf32> to vector<211x1xf32>
      %add3A_593 = vector.broadcast %get3A_67 : vector<1x1xf32> to vector<211x1xf32>
      %add3A_594 = arith.addf %broadcast_in_dim3A_592, %add3A_593 : vector<211x1xf32>
      %reduce_max3A_595 = arith.constant dense<0xFF800000> : vector<1xf32>
      %reduce_max3A_596 = vector.multi_reduction <maximumf>, %add3A_594, %reduce_max3A_595 [0] : vector<211x1xf32> to vector<1xf32>
      %broadcast_in_dim3A_597 = vector.shape_cast %reduce_max3A_596 : vector<1xf32> to vector<1x1xf32>
      %sub3A_598 = vector.broadcast %broadcast_in_dim3A_597 : vector<1x1xf32> to vector<211x1xf32>
      %sub3A_599 = arith.subf %add3A_594, %sub3A_598 : vector<211x1xf32>
      %exp3A_600 = math.exp %sub3A_599 : vector<211x1xf32>
      %reduce_sum3A_601 = arith.constant dense<0.000000e+00> : vector<1xf32>
      %reduce_sum3A_602 = vector.multi_reduction <add>, %exp3A_600, %reduce_sum3A_601 [0] : vector<211x1xf32> to vector<1xf32>
      %broadcast_in_dim3A_603 = vector.shape_cast %reduce_sum3A_602 : vector<1xf32> to vector<1x1xf32>
      %div3A_604 = vector.broadcast %broadcast_in_dim3A_603 : vector<1x1xf32> to vector<211x1xf32>
      %div3A_605 = arith.divf %exp3A_600, %div3A_604 : vector<211x1xf32>
      %mul3A_606 = vector.broadcast %div3A_605 : vector<211x1xf32> to vector<211x256xf32>
      %mul3A_607 = arith.mulf %add3A_556, %mul3A_606 : vector<211x256xf32>
      %reduce_sum3A_608 = arith.constant dense<0.000000e+00> : vector<256xf32>
      %reduce_sum3A_609 = vector.multi_reduction <add>, %mul3A_607, %reduce_sum3A_608 [0] : vector<211x256xf32> to vector<256xf32>
      %broadcast_in_dim3A_610 = vector.shape_cast %reduce_sum3A_609 : vector<256xf32> to vector<1x256xf32>
      %mul3A_611 = vector.broadcast %broadcast_in_dim3A_610 : vector<1x256xf32> to vector<256x256xf32>
      %mul3A_612 = arith.mulf %exp3A_578, %mul3A_611 : vector<256x256xf32>
      %reduce_sum3A_613 = arith.constant dense<0.000000e+00> : vector<256xf32>
      %reduce_sum3A_614 = vector.multi_reduction <add>, %mul3A_612, %reduce_sum3A_613 [1] : vector<256x256xf32> to vector<256xf32>
      %broadcast_in_dim3A_615 = vector.shape_cast %reduce_sum3A_614 : vector<256xf32> to vector<256x1xf32>
      %div3A_616 = arith.divf %broadcast_in_dim3A_615, %broadcast_in_dim3A_581 : vector<256x1xf32>
      %swap3A_617 = arith.constant 0 : index
      %swap3A_618 = arith.constant 0 : index
      %swap3A_619 = arith.constant 5 : index
      %swap3A_620 = vector.load %arg22[%swap3A_617, %swap3A_618, %swap3A_619] : memref<1x256x16xf32, #tpu.memory_space<vmem>>, vector<1x256x1xf32>
      %swap3A_621 = vector.shape_cast %swap3A_620 : vector<1x256x1xf32> to vector<256x1xf32>
      %swap3A_622 = vector.shape_cast %div3A_616 : vector<256x1xf32> to vector<1x256x1xf32>
      tpu.vector_store %arg22[%swap3A_617, %swap3A_618, %swap3A_619], %swap3A_622 {strides = array<i32>} : memref<1x256x16xf32, #tpu.memory_space<vmem>>, vector<1x256x1xf32>,
      %get3A_623 = arith.constant 6 : index
      %get3A_624 = arith.constant 0 : index
      %get3A_625 = arith.constant 0 : index
      %get3A_626 = vector.load %arg11[%get3A_623, %get3A_624, %get3A_625] : memref<16x211x16xf32, #tpu.memory_space<vmem>>, vector<1x211x16xf32>
      %get3A_627 = vector.shape_cast %get3A_626 : vector<1x211x16xf32> to vector<211x16xf32>
      %dot_general3A_628 = arith.constant dense<0.000000e+00> : vector<211x64xf32>
      %dot_general3A_629 = tpu.matmul %get3A_627, %convert_element_type3A_32, %dot_general3A_628 {dimension_numbers = #tpu.dot_dimension_numbers<[1], [0], [0], [1], [0, 0, 1, 1], [], []>, transpose_lhs_hint = false} : vector<211x16xf32>, vector<16x64xf32>, vector<211x64xf32> -> vector<211x64xf32>
      %mul3A_630 = vector.broadcast %get3A_43 : vector<1x64xf32> to vector<211x64xf32>
      %mul3A_631 = arith.mulf %dot_general3A_629, %mul3A_630 : vector<211x64xf32>
      %add3A_632 = vector.broadcast %get3A_46 : vector<1x64xf32> to vector<211x64xf32>
      %add3A_633 = arith.addf %mul3A_631, %add3A_632 : vector<211x64xf32>
      %tanh3A_634 = math.tanh %add3A_633 : vector<211x64xf32>
      %get3A_635 = arith.constant 0 : index
      %get3A_636 = arith.constant 0 : index
      %get3A_637 = arith.constant 6 : index
      %get3A_638 = vector.load %arg12[%get3A_635, %get3A_636, %get3A_637] : memref<1x211x16xf32, #tpu.memory_space<vmem>>, vector<1x211x1xf32>
      %get3A_639 = vector.shape_cast %get3A_638 : vector<1x211x1xf32> to vector<211x1xf32>
      %mul3A_640 = vector.broadcast %get3A_639 : vector<211x1xf32> to vector<211x64xf32>
      %mul3A_641 = vector.broadcast %get3A_49 : vector<1x64xf32> to vector<211x64xf32>
      %mul3A_642 = arith.mulf %mul3A_640, %mul3A_641 : vector<211x64xf32>
      %add3A_643 = vector.broadcast %get3A_52 : vector<1x64xf32> to vector<211x64xf32>
      %add3A_644 = arith.addf %mul3A_642, %add3A_643 : vector<211x64xf32>
      %tanh3A_645 = math.tanh %add3A_644 : vector<211x64xf32>
      %concatenate3A_646 = tpu.concatenate %tanh3A_634, %tanh3A_645 in 1 : vector<211x64xf32>, vector<211x64xf32> -> vector<211x128xf32>
      %dot_general3A_647 = arith.constant dense<0.000000e+00> : vector<211x256xf32>
      %dot_general3A_648 = tpu.matmul %concatenate3A_646, %get3A_34, %dot_general3A_647 {dimension_numbers = #tpu.dot_dimension_numbers<[1], [0], [0], [1], [0, 0, 1, 1], [], []>, transpose_lhs_hint = false} : vector<211x128xf32>, vector<128x256xf32>, vector<211x256xf32> -> vector<211x256xf32>
      %add3A_649 = vector.broadcast %get3A_40 : vector<1x256xf32> to vector<211x256xf32>
      %add3A_650 = arith.addf %dot_general3A_648, %add3A_649 : vector<211x256xf32>
      %mul3A_651 = vector.broadcast %get3A_55 : vector<211x1xf32> to vector<211x256xf32>
      %mul3A_652 = arith.mulf %add3A_650, %mul3A_651 : vector<211x256xf32>
      %reduce_sum3A_653 = arith.constant dense<0.000000e+00> : vector<256xf32>
      %reduce_sum3A_654 = vector.multi_reduction <add>, %mul3A_652, %reduce_sum3A_653 [0] : vector<211x256xf32> to vector<256xf32>
      %broadcast_in_dim3A_655 = vector.shape_cast %reduce_sum3A_654 : vector<256xf32> to vector<1x256xf32>
      %add3A_656 = vector.broadcast %get3A_58 : vector<1x1xf32> to vector<1x256xf32>
      %add3A_657 = arith.addf %broadcast_in_dim3A_655, %add3A_656 : vector<1x256xf32>
      %slice3A_658 = vector.extract_strided_slice %add3A_657 {offsets = [0, 0], sizes = [1, 255], strides = [1, 1]} : vector<1x256xf32> to vector<1x255xf32>
      %concatenate3A_659 = tpu.concatenate %broadcast_in_dim3A_68, %slice3A_658 in 1 : vector<1x1xf32>, vector<1x255xf32> -> vector<1x256xf32>
      %slice3A_660 = vector.extract_strided_slice %add3A_657 {offsets = [0, 1], sizes = [1, 255], strides = [1, 1]} : vector<1x256xf32> to vector<1x255xf32>
      %concatenate3A_661 = tpu.concatenate %slice3A_660, %broadcast_in_dim3A_68 in 1 : vector<1x255xf32>, vector<1x1xf32> -> vector<1x256xf32>
      %concatenate3A_662 = tpu.concatenate %concatenate3A_659, %add3A_657, %concatenate3A_661 in 0 : vector<1x256xf32>, vector<1x256xf32>, vector<1x256xf32> -> vector<3x256xf32>
      %dot_general3A_663 = arith.constant dense<0.000000e+00> : vector<256x256xf32>
      %dot_general3A_664 = tpu.matmul %get3A_37, %concatenate3A_662, %dot_general3A_663 {dimension_numbers = #tpu.dot_dimension_numbers<[1], [0], [0], [1], [0, 0, 1, 1], [], []>, transpose_lhs_hint = false} : vector<256x3xf32>, vector<3x256xf32>, vector<256x256xf32> -> vector<256x256xf32>
      %add3A_665 = vector.broadcast %get3A_61 : vector<256x1xf32> to vector<256x256xf32>
      %add3A_666 = arith.addf %dot_general3A_664, %add3A_665 : vector<256x256xf32>
      %reduce_max3A_667 = arith.constant dense<0xFF800000> : vector<256xf32>
      %reduce_max3A_668 = vector.multi_reduction <maximumf>, %add3A_666, %reduce_max3A_667 [1] : vector<256x256xf32> to vector<256xf32>
      %broadcast_in_dim3A_669 = vector.shape_cast %reduce_max3A_668 : vector<256xf32> to vector<256x1xf32>
      %sub3A_670 = vector.broadcast %broadcast_in_dim3A_669 : vector<256x1xf32> to vector<256x256xf32>
      %sub3A_671 = arith.subf %add3A_666, %sub3A_670 : vector<256x256xf32>
      %exp3A_672 = math.exp %sub3A_671 : vector<256x256xf32>
      %reduce_sum3A_673 = arith.constant dense<0.000000e+00> : vector<256xf32>
      %reduce_sum3A_674 = vector.multi_reduction <add>, %exp3A_672, %reduce_sum3A_673 [1] : vector<256x256xf32> to vector<256xf32>
      %broadcast_in_dim3A_675 = vector.shape_cast %reduce_sum3A_674 : vector<256xf32> to vector<256x1xf32>
      %div3A_676 = arith.divf %get3A_64, %broadcast_in_dim3A_675 : vector<256x1xf32>
      %mul3A_677 = vector.broadcast %div3A_676 : vector<256x1xf32> to vector<256x256xf32>
      %mul3A_678 = arith.mulf %exp3A_672, %mul3A_677 : vector<256x256xf32>
      %reduce_sum3A_679 = arith.constant dense<0.000000e+00> : vector<256xf32>
      %reduce_sum3A_680 = vector.multi_reduction <add>, %mul3A_678, %reduce_sum3A_679 [0] : vector<256x256xf32> to vector<256xf32>
      %broadcast_in_dim3A_681 = vector.shape_cast %reduce_sum3A_680 : vector<256xf32> to vector<1x256xf32>
      %mul3A_682 = vector.broadcast %broadcast_in_dim3A_681 : vector<1x256xf32> to vector<211x256xf32>
      %mul3A_683 = arith.mulf %add3A_650, %mul3A_682 : vector<211x256xf32>
      %reduce_sum3A_684 = arith.constant dense<0.000000e+00> : vector<211xf32>
      %reduce_sum3A_685 = vector.multi_reduction <add>, %mul3A_683, %reduce_sum3A_684 [1] : vector<211x256xf32> to vector<211xf32>
      %broadcast_in_dim3A_686 = vector.shape_cast %reduce_sum3A_685 : vector<211xf32> to vector<211x1xf32>
      %add3A_687 = vector.broadcast %get3A_67 : vector<1x1xf32> to vector<211x1xf32>
      %add3A_688 = arith.addf %broadcast_in_dim3A_686, %add3A_687 : vector<211x1xf32>
      %reduce_max3A_689 = arith.constant dense<0xFF800000> : vector<1xf32>
      %reduce_max3A_690 = vector.multi_reduction <maximumf>, %add3A_688, %reduce_max3A_689 [0] : vector<211x1xf32> to vector<1xf32>
      %broadcast_in_dim3A_691 = vector.shape_cast %reduce_max3A_690 : vector<1xf32> to vector<1x1xf32>
      %sub3A_692 = vector.broadcast %broadcast_in_dim3A_691 : vector<1x1xf32> to vector<211x1xf32>
      %sub3A_693 = arith.subf %add3A_688, %sub3A_692 : vector<211x1xf32>
      %exp3A_694 = math.exp %sub3A_693 : vector<211x1xf32>
      %reduce_sum3A_695 = arith.constant dense<0.000000e+00> : vector<1xf32>
      %reduce_sum3A_696 = vector.multi_reduction <add>, %exp3A_694, %reduce_sum3A_695 [0] : vector<211x1xf32> to vector<1xf32>
      %broadcast_in_dim3A_697 = vector.shape_cast %reduce_sum3A_696 : vector<1xf32> to vector<1x1xf32>
      %div3A_698 = vector.broadcast %broadcast_in_dim3A_697 : vector<1x1xf32> to vector<211x1xf32>
      %div3A_699 = arith.divf %exp3A_694, %div3A_698 : vector<211x1xf32>
      %mul3A_700 = vector.broadcast %div3A_699 : vector<211x1xf32> to vector<211x256xf32>
      %mul3A_701 = arith.mulf %add3A_650, %mul3A_700 : vector<211x256xf32>
      %reduce_sum3A_702 = arith.constant dense<0.000000e+00> : vector<256xf32>
      %reduce_sum3A_703 = vector.multi_reduction <add>, %mul3A_701, %reduce_sum3A_702 [0] : vector<211x256xf32> to vector<256xf32>
      %broadcast_in_dim3A_704 = vector.shape_cast %reduce_sum3A_703 : vector<256xf32> to vector<1x256xf32>
      %mul3A_705 = vector.broadcast %broadcast_in_dim3A_704 : vector<1x256xf32> to vector<256x256xf32>
      %mul3A_706 = arith.mulf %exp3A_672, %mul3A_705 : vector<256x256xf32>
      %reduce_sum3A_707 = arith.constant dense<0.000000e+00> : vector<256xf32>
      %reduce_sum3A_708 = vector.multi_reduction <add>, %mul3A_706, %reduce_sum3A_707 [1] : vector<256x256xf32> to vector<256xf32>
      %broadcast_in_dim3A_709 = vector.shape_cast %reduce_sum3A_708 : vector<256xf32> to vector<256x1xf32>
      %div3A_710 = arith.divf %broadcast_in_dim3A_709, %broadcast_in_dim3A_675 : vector<256x1xf32>
      %swap3A_711 = arith.constant 0 : index
      %swap3A_712 = arith.constant 0 : index
      %swap3A_713 = arith.constant 6 : index
      %swap3A_714 = vector.load %arg22[%swap3A_711, %swap3A_712, %swap3A_713] : memref<1x256x16xf32, #tpu.memory_space<vmem>>, vector<1x256x1xf32>
      %swap3A_715 = vector.shape_cast %swap3A_714 : vector<1x256x1xf32> to vector<256x1xf32>
      %swap3A_716 = vector.shape_cast %div3A_710 : vector<256x1xf32> to vector<1x256x1xf32>
      tpu.vector_store %arg22[%swap3A_711, %swap3A_712, %swap3A_713], %swap3A_716 {strides = array<i32>} : memref<1x256x16xf32, #tpu.memory_space<vmem>>, vector<1x256x1xf32>,
      %get3A_717 = arith.constant 7 : index
      %get3A_718 = arith.constant 0 : index
      %get3A_719 = arith.constant 0 : index
      %get3A_720 = vector.load %arg11[%get3A_717, %get3A_718, %get3A_719] : memref<16x211x16xf32, #tpu.memory_space<vmem>>, vector<1x211x16xf32>
      %get3A_721 = vector.shape_cast %get3A_720 : vector<1x211x16xf32> to vector<211x16xf32>
      %dot_general3A_722 = arith.constant dense<0.000000e+00> : vector<211x64xf32>
      %dot_general3A_723 = tpu.matmul %get3A_721, %convert_element_type3A_32, %dot_general3A_722 {dimension_numbers = #tpu.dot_dimension_numbers<[1], [0], [0], [1], [0, 0, 1, 1], [], []>, transpose_lhs_hint = false} : vector<211x16xf32>, vector<16x64xf32>, vector<211x64xf32> -> vector<211x64xf32>
      %mul3A_724 = vector.broadcast %get3A_43 : vector<1x64xf32> to vector<211x64xf32>
      %mul3A_725 = arith.mulf %dot_general3A_723, %mul3A_724 : vector<211x64xf32>
      %add3A_726 = vector.broadcast %get3A_46 : vector<1x64xf32> to vector<211x64xf32>
      %add3A_727 = arith.addf %mul3A_725, %add3A_726 : vector<211x64xf32>
      %tanh3A_728 = math.tanh %add3A_727 : vector<211x64xf32>
      %get3A_729 = arith.constant 0 : index
      %get3A_730 = arith.constant 0 : index
      %get3A_731 = arith.constant 7 : index
      %get3A_732 = vector.load %arg12[%get3A_729, %get3A_730, %get3A_731] : memref<1x211x16xf32, #tpu.memory_space<vmem>>, vector<1x211x1xf32>
      %get3A_733 = vector.shape_cast %get3A_732 : vector<1x211x1xf32> to vector<211x1xf32>
      %mul3A_734 = vector.broadcast %get3A_733 : vector<211x1xf32> to vector<211x64xf32>
      %mul3A_735 = vector.broadcast %get3A_49 : vector<1x64xf32> to vector<211x64xf32>
      %mul3A_736 = arith.mulf %mul3A_734, %mul3A_735 : vector<211x64xf32>
      %add3A_737 = vector.broadcast %get3A_52 : vector<1x64xf32> to vector<211x64xf32>
      %add3A_738 = arith.addf %mul3A_736, %add3A_737 : vector<211x64xf32>
      %tanh3A_739 = math.tanh %add3A_738 : vector<211x64xf32>
      %concatenate3A_740 = tpu.concatenate %tanh3A_728, %tanh3A_739 in 1 : vector<211x64xf32>, vector<211x64xf32> -> vector<211x128xf32>
      %dot_general3A_741 = arith.constant dense<0.000000e+00> : vector<211x256xf32>
      %dot_general3A_742 = tpu.matmul %concatenate3A_740, %get3A_34, %dot_general3A_741 {dimension_numbers = #tpu.dot_dimension_numbers<[1], [0], [0], [1], [0, 0, 1, 1], [], []>, transpose_lhs_hint = false} : vector<211x128xf32>, vector<128x256xf32>, vector<211x256xf32> -> vector<211x256xf32>
      %add3A_743 = vector.broadcast %get3A_40 : vector<1x256xf32> to vector<211x256xf32>
      %add3A_744 = arith.addf %dot_general3A_742, %add3A_743 : vector<211x256xf32>
      %mul3A_745 = vector.broadcast %get3A_55 : vector<211x1xf32> to vector<211x256xf32>
      %mul3A_746 = arith.mulf %add3A_744, %mul3A_745 : vector<211x256xf32>
      %reduce_sum3A_747 = arith.constant dense<0.000000e+00> : vector<256xf32>
      %reduce_sum3A_748 = vector.multi_reduction <add>, %mul3A_746, %reduce_sum3A_747 [0] : vector<211x256xf32> to vector<256xf32>
      %broadcast_in_dim3A_749 = vector.shape_cast %reduce_sum3A_748 : vector<256xf32> to vector<1x256xf32>
      %add3A_750 = vector.broadcast %get3A_58 : vector<1x1xf32> to vector<1x256xf32>
      %add3A_751 = arith.addf %broadcast_in_dim3A_749, %add3A_750 : vector<1x256xf32>
      %slice3A_752 = vector.extract_strided_slice %add3A_751 {offsets = [0, 0], sizes = [1, 255], strides = [1, 1]} : vector<1x256xf32> to vector<1x255xf32>
      %concatenate3A_753 = tpu.concatenate %broadcast_in_dim3A_68, %slice3A_752 in 1 : vector<1x1xf32>, vector<1x255xf32> -> vector<1x256xf32>
      %slice3A_754 = vector.extract_strided_slice %add3A_751 {offsets = [0, 1], sizes = [1, 255], strides = [1, 1]} : vector<1x256xf32> to vector<1x255xf32>
      %concatenate3A_755 = tpu.concatenate %slice3A_754, %broadcast_in_dim3A_68 in 1 : vector<1x255xf32>, vector<1x1xf32> -> vector<1x256xf32>
      %concatenate3A_756 = tpu.concatenate %concatenate3A_753, %add3A_751, %concatenate3A_755 in 0 : vector<1x256xf32>, vector<1x256xf32>, vector<1x256xf32> -> vector<3x256xf32>
      %dot_general3A_757 = arith.constant dense<0.000000e+00> : vector<256x256xf32>
      %dot_general3A_758 = tpu.matmul %get3A_37, %concatenate3A_756, %dot_general3A_757 {dimension_numbers = #tpu.dot_dimension_numbers<[1], [0], [0], [1], [0, 0, 1, 1], [], []>, transpose_lhs_hint = false} : vector<256x3xf32>, vector<3x256xf32>, vector<256x256xf32> -> vector<256x256xf32>
      %add3A_759 = vector.broadcast %get3A_61 : vector<256x1xf32> to vector<256x256xf32>
      %add3A_760 = arith.addf %dot_general3A_758, %add3A_759 : vector<256x256xf32>
      %reduce_max3A_761 = arith.constant dense<0xFF800000> : vector<256xf32>
      %reduce_max3A_762 = vector.multi_reduction <maximumf>, %add3A_760, %reduce_max3A_761 [1] : vector<256x256xf32> to vector<256xf32>
      %broadcast_in_dim3A_763 = vector.shape_cast %reduce_max3A_762 : vector<256xf32> to vector<256x1xf32>
      %sub3A_764 = vector.broadcast %broadcast_in_dim3A_763 : vector<256x1xf32> to vector<256x256xf32>
      %sub3A_765 = arith.subf %add3A_760, %sub3A_764 : vector<256x256xf32>
      %exp3A_766 = math.exp %sub3A_765 : vector<256x256xf32>
      %reduce_sum3A_767 = arith.constant dense<0.000000e+00> : vector<256xf32>
      %reduce_sum3A_768 = vector.multi_reduction <add>, %exp3A_766, %reduce_sum3A_767 [1] : vector<256x256xf32> to vector<256xf32>
      %broadcast_in_dim3A_769 = vector.shape_cast %reduce_sum3A_768 : vector<256xf32> to vector<256x1xf32>
      %div3A_770 = arith.divf %get3A_64, %broadcast_in_dim3A_769 : vector<256x1xf32>
      %mul3A_771 = vector.broadcast %div3A_770 : vector<256x1xf32> to vector<256x256xf32>
      %mul3A_772 = arith.mulf %exp3A_766, %mul3A_771 : vector<256x256xf32>
      %reduce_sum3A_773 = arith.constant dense<0.000000e+00> : vector<256xf32>
      %reduce_sum3A_774 = vector.multi_reduction <add>, %mul3A_772, %reduce_sum3A_773 [0] : vector<256x256xf32> to vector<256xf32>
      %broadcast_in_dim3A_775 = vector.shape_cast %reduce_sum3A_774 : vector<256xf32> to vector<1x256xf32>
      %mul3A_776 = vector.broadcast %broadcast_in_dim3A_775 : vector<1x256xf32> to vector<211x256xf32>
      %mul3A_777 = arith.mulf %add3A_744, %mul3A_776 : vector<211x256xf32>
      %reduce_sum3A_778 = arith.constant dense<0.000000e+00> : vector<211xf32>
      %reduce_sum3A_779 = vector.multi_reduction <add>, %mul3A_777, %reduce_sum3A_778 [1] : vector<211x256xf32> to vector<211xf32>
      %broadcast_in_dim3A_780 = vector.shape_cast %reduce_sum3A_779 : vector<211xf32> to vector<211x1xf32>
      %add3A_781 = vector.broadcast %get3A_67 : vector<1x1xf32> to vector<211x1xf32>
      %add3A_782 = arith.addf %broadcast_in_dim3A_780, %add3A_781 : vector<211x1xf32>
      %reduce_max3A_783 = arith.constant dense<0xFF800000> : vector<1xf32>
      %reduce_max3A_784 = vector.multi_reduction <maximumf>, %add3A_782, %reduce_max3A_783 [0] : vector<211x1xf32> to vector<1xf32>
      %broadcast_in_dim3A_785 = vector.shape_cast %reduce_max3A_784 : vector<1xf32> to vector<1x1xf32>
      %sub3A_786 = vector.broadcast %broadcast_in_dim3A_785 : vector<1x1xf32> to vector<211x1xf32>
      %sub3A_787 = arith.subf %add3A_782, %sub3A_786 : vector<211x1xf32>
      %exp3A_788 = math.exp %sub3A_787 : vector<211x1xf32>
      %reduce_sum3A_789 = arith.constant dense<0.000000e+00> : vector<1xf32>
      %reduce_sum3A_790 = vector.multi_reduction <add>, %exp3A_788, %reduce_sum3A_789 [0] : vector<211x1xf32> to vector<1xf32>
      %broadcast_in_dim3A_791 = vector.shape_cast %reduce_sum3A_790 : vector<1xf32> to vector<1x1xf32>
      %div3A_792 = vector.broadcast %broadcast_in_dim3A_791 : vector<1x1xf32> to vector<211x1xf32>
      %div3A_793 = arith.divf %exp3A_788, %div3A_792 : vector<211x1xf32>
      %mul3A_794 = vector.broadcast %div3A_793 : vector<211x1xf32> to vector<211x256xf32>
      %mul3A_795 = arith.mulf %add3A_744, %mul3A_794 : vector<211x256xf32>
      %reduce_sum3A_796 = arith.constant dense<0.000000e+00> : vector<256xf32>
      %reduce_sum3A_797 = vector.multi_reduction <add>, %mul3A_795, %reduce_sum3A_796 [0] : vector<211x256xf32> to vector<256xf32>
      %broadcast_in_dim3A_798 = vector.shape_cast %reduce_sum3A_797 : vector<256xf32> to vector<1x256xf32>
      %mul3A_799 = vector.broadcast %broadcast_in_dim3A_798 : vector<1x256xf32> to vector<256x256xf32>
      %mul3A_800 = arith.mulf %exp3A_766, %mul3A_799 : vector<256x256xf32>
      %reduce_sum3A_801 = arith.constant dense<0.000000e+00> : vector<256xf32>
      %reduce_sum3A_802 = vector.multi_reduction <add>, %mul3A_800, %reduce_sum3A_801 [1] : vector<256x256xf32> to vector<256xf32>
      %broadcast_in_dim3A_803 = vector.shape_cast %reduce_sum3A_802 : vector<256xf32> to vector<256x1xf32>
      %div3A_804 = arith.divf %broadcast_in_dim3A_803, %broadcast_in_dim3A_769 : vector<256x1xf32>
      %swap3A_805 = arith.constant 0 : index
      %swap3A_806 = arith.constant 0 : index
      %swap3A_807 = arith.constant 7 : index
      %swap3A_808 = vector.load %arg22[%swap3A_805, %swap3A_806, %swap3A_807] : memref<1x256x16xf32, #tpu.memory_space<vmem>>, vector<1x256x1xf32>
      %swap3A_809 = vector.shape_cast %swap3A_808 : vector<1x256x1xf32> to vector<256x1xf32>
      %swap3A_810 = vector.shape_cast %div3A_804 : vector<256x1xf32> to vector<1x256x1xf32>
      tpu.vector_store %arg22[%swap3A_805, %swap3A_806, %swap3A_807], %swap3A_810 {strides = array<i32>} : memref<1x256x16xf32, #tpu.memory_space<vmem>>, vector<1x256x1xf32>,
      %get3A_811 = arith.constant 8 : index
      %get3A_812 = arith.constant 0 : index
      %get3A_813 = arith.constant 0 : index
      %get3A_814 = vector.load %arg11[%get3A_811, %get3A_812, %get3A_813] : memref<16x211x16xf32, #tpu.memory_space<vmem>>, vector<1x211x16xf32>
      %get3A_815 = vector.shape_cast %get3A_814 : vector<1x211x16xf32> to vector<211x16xf32>
      %dot_general3A_816 = arith.constant dense<0.000000e+00> : vector<211x64xf32>
      %dot_general3A_817 = tpu.matmul %get3A_815, %convert_element_type3A_32, %dot_general3A_816 {dimension_numbers = #tpu.dot_dimension_numbers<[1], [0], [0], [1], [0, 0, 1, 1], [], []>, transpose_lhs_hint = false} : vector<211x16xf32>, vector<16x64xf32>, vector<211x64xf32> -> vector<211x64xf32>
      %mul3A_818 = vector.broadcast %get3A_43 : vector<1x64xf32> to vector<211x64xf32>
      %mul3A_819 = arith.mulf %dot_general3A_817, %mul3A_818 : vector<211x64xf32>
      %add3A_820 = vector.broadcast %get3A_46 : vector<1x64xf32> to vector<211x64xf32>
      %add3A_821 = arith.addf %mul3A_819, %add3A_820 : vector<211x64xf32>
      %tanh3A_822 = math.tanh %add3A_821 : vector<211x64xf32>
      %get3A_823 = arith.constant 0 : index
      %get3A_824 = arith.constant 0 : index
      %get3A_825 = arith.constant 8 : index
      %get3A_826 = vector.load %arg12[%get3A_823, %get3A_824, %get3A_825] : memref<1x211x16xf32, #tpu.memory_space<vmem>>, vector<1x211x1xf32>
      %get3A_827 = vector.shape_cast %get3A_826 : vector<1x211x1xf32> to vector<211x1xf32>
      %mul3A_828 = vector.broadcast %get3A_827 : vector<211x1xf32> to vector<211x64xf32>
      %mul3A_829 = vector.broadcast %get3A_49 : vector<1x64xf32> to vector<211x64xf32>
      %mul3A_830 = arith.mulf %mul3A_828, %mul3A_829 : vector<211x64xf32>
      %add3A_831 = vector.broadcast %get3A_52 : vector<1x64xf32> to vector<211x64xf32>
      %add3A_832 = arith.addf %mul3A_830, %add3A_831 : vector<211x64xf32>
      %tanh3A_833 = math.tanh %add3A_832 : vector<211x64xf32>
      %concatenate3A_834 = tpu.concatenate %tanh3A_822, %tanh3A_833 in 1 : vector<211x64xf32>, vector<211x64xf32> -> vector<211x128xf32>
      %dot_general3A_835 = arith.constant dense<0.000000e+00> : vector<211x256xf32>
      %dot_general3A_836 = tpu.matmul %concatenate3A_834, %get3A_34, %dot_general3A_835 {dimension_numbers = #tpu.dot_dimension_numbers<[1], [0], [0], [1], [0, 0, 1, 1], [], []>, transpose_lhs_hint = false} : vector<211x128xf32>, vector<128x256xf32>, vector<211x256xf32> -> vector<211x256xf32>
      %add3A_837 = vector.broadcast %get3A_40 : vector<1x256xf32> to vector<211x256xf32>
      %add3A_838 = arith.addf %dot_general3A_836, %add3A_837 : vector<211x256xf32>
      %mul3A_839 = vector.broadcast %get3A_55 : vector<211x1xf32> to vector<211x256xf32>
      %mul3A_840 = arith.mulf %add3A_838, %mul3A_839 : vector<211x256xf32>
      %reduce_sum3A_841 = arith.constant dense<0.000000e+00> : vector<256xf32>
      %reduce_sum3A_842 = vector.multi_reduction <add>, %mul3A_840, %reduce_sum3A_841 [0] : vector<211x256xf32> to vector<256xf32>
      %broadcast_in_dim3A_843 = vector.shape_cast %reduce_sum3A_842 : vector<256xf32> to vector<1x256xf32>
      %add3A_844 = vector.broadcast %get3A_58 : vector<1x1xf32> to vector<1x256xf32>
      %add3A_845 = arith.addf %broadcast_in_dim3A_843, %add3A_844 : vector<1x256xf32>
      %slice3A_846 = vector.extract_strided_slice %add3A_845 {offsets = [0, 0], sizes = [1, 255], strides = [1, 1]} : vector<1x256xf32> to vector<1x255xf32>
      %concatenate3A_847 = tpu.concatenate %broadcast_in_dim3A_68, %slice3A_846 in 1 : vector<1x1xf32>, vector<1x255xf32> -> vector<1x256xf32>
      %slice3A_848 = vector.extract_strided_slice %add3A_845 {offsets = [0, 1], sizes = [1, 255], strides = [1, 1]} : vector<1x256xf32> to vector<1x255xf32>
      %concatenate3A_849 = tpu.concatenate %slice3A_848, %broadcast_in_dim3A_68 in 1 : vector<1x255xf32>, vector<1x1xf32> -> vector<1x256xf32>
      %concatenate3A_850 = tpu.concatenate %concatenate3A_847, %add3A_845, %concatenate3A_849 in 0 : vector<1x256xf32>, vector<1x256xf32>, vector<1x256xf32> -> vector<3x256xf32>
      %dot_general3A_851 = arith.constant dense<0.000000e+00> : vector<256x256xf32>
      %dot_general3A_852 = tpu.matmul %get3A_37, %concatenate3A_850, %dot_general3A_851 {dimension_numbers = #tpu.dot_dimension_numbers<[1], [0], [0], [1], [0, 0, 1, 1], [], []>, transpose_lhs_hint = false} : vector<256x3xf32>, vector<3x256xf32>, vector<256x256xf32> -> vector<256x256xf32>
      %add3A_853 = vector.broadcast %get3A_61 : vector<256x1xf32> to vector<256x256xf32>
      %add3A_854 = arith.addf %dot_general3A_852, %add3A_853 : vector<256x256xf32>
      %reduce_max3A_855 = arith.constant dense<0xFF800000> : vector<256xf32>
      %reduce_max3A_856 = vector.multi_reduction <maximumf>, %add3A_854, %reduce_max3A_855 [1] : vector<256x256xf32> to vector<256xf32>
      %broadcast_in_dim3A_857 = vector.shape_cast %reduce_max3A_856 : vector<256xf32> to vector<256x1xf32>
      %sub3A_858 = vector.broadcast %broadcast_in_dim3A_857 : vector<256x1xf32> to vector<256x256xf32>
      %sub3A_859 = arith.subf %add3A_854, %sub3A_858 : vector<256x256xf32>
      %exp3A_860 = math.exp %sub3A_859 : vector<256x256xf32>
      %reduce_sum3A_861 = arith.constant dense<0.000000e+00> : vector<256xf32>
      %reduce_sum3A_862 = vector.multi_reduction <add>, %exp3A_860, %reduce_sum3A_861 [1] : vector<256x256xf32> to vector<256xf32>
      %broadcast_in_dim3A_863 = vector.shape_cast %reduce_sum3A_862 : vector<256xf32> to vector<256x1xf32>
      %div3A_864 = arith.divf %get3A_64, %broadcast_in_dim3A_863 : vector<256x1xf32>
      %mul3A_865 = vector.broadcast %div3A_864 : vector<256x1xf32> to vector<256x256xf32>
      %mul3A_866 = arith.mulf %exp3A_860, %mul3A_865 : vector<256x256xf32>
      %reduce_sum3A_867 = arith.constant dense<0.000000e+00> : vector<256xf32>
      %reduce_sum3A_868 = vector.multi_reduction <add>, %mul3A_866, %reduce_sum3A_867 [0] : vector<256x256xf32> to vector<256xf32>
      %broadcast_in_dim3A_869 = vector.shape_cast %reduce_sum3A_868 : vector<256xf32> to vector<1x256xf32>
      %mul3A_870 = vector.broadcast %broadcast_in_dim3A_869 : vector<1x256xf32> to vector<211x256xf32>
      %mul3A_871 = arith.mulf %add3A_838, %mul3A_870 : vector<211x256xf32>
      %reduce_sum3A_872 = arith.constant dense<0.000000e+00> : vector<211xf32>
      %reduce_sum3A_873 = vector.multi_reduction <add>, %mul3A_871, %reduce_sum3A_872 [1] : vector<211x256xf32> to vector<211xf32>
      %broadcast_in_dim3A_874 = vector.shape_cast %reduce_sum3A_873 : vector<211xf32> to vector<211x1xf32>
      %add3A_875 = vector.broadcast %get3A_67 : vector<1x1xf32> to vector<211x1xf32>
      %add3A_876 = arith.addf %broadcast_in_dim3A_874, %add3A_875 : vector<211x1xf32>
      %reduce_max3A_877 = arith.constant dense<0xFF800000> : vector<1xf32>
      %reduce_max3A_878 = vector.multi_reduction <maximumf>, %add3A_876, %reduce_max3A_877 [0] : vector<211x1xf32> to vector<1xf32>
      %broadcast_in_dim3A_879 = vector.shape_cast %reduce_max3A_878 : vector<1xf32> to vector<1x1xf32>
      %sub3A_880 = vector.broadcast %broadcast_in_dim3A_879 : vector<1x1xf32> to vector<211x1xf32>
      %sub3A_881 = arith.subf %add3A_876, %sub3A_880 : vector<211x1xf32>
      %exp3A_882 = math.exp %sub3A_881 : vector<211x1xf32>
      %reduce_sum3A_883 = arith.constant dense<0.000000e+00> : vector<1xf32>
      %reduce_sum3A_884 = vector.multi_reduction <add>, %exp3A_882, %reduce_sum3A_883 [0] : vector<211x1xf32> to vector<1xf32>
      %broadcast_in_dim3A_885 = vector.shape_cast %reduce_sum3A_884 : vector<1xf32> to vector<1x1xf32>
      %div3A_886 = vector.broadcast %broadcast_in_dim3A_885 : vector<1x1xf32> to vector<211x1xf32>
      %div3A_887 = arith.divf %exp3A_882, %div3A_886 : vector<211x1xf32>
      %mul3A_888 = vector.broadcast %div3A_887 : vector<211x1xf32> to vector<211x256xf32>
      %mul3A_889 = arith.mulf %add3A_838, %mul3A_888 : vector<211x256xf32>
      %reduce_sum3A_890 = arith.constant dense<0.000000e+00> : vector<256xf32>
      %reduce_sum3A_891 = vector.multi_reduction <add>, %mul3A_889, %reduce_sum3A_890 [0] : vector<211x256xf32> to vector<256xf32>
      %broadcast_in_dim3A_892 = vector.shape_cast %reduce_sum3A_891 : vector<256xf32> to vector<1x256xf32>
      %mul3A_893 = vector.broadcast %broadcast_in_dim3A_892 : vector<1x256xf32> to vector<256x256xf32>
      %mul3A_894 = arith.mulf %exp3A_860, %mul3A_893 : vector<256x256xf32>
      %reduce_sum3A_895 = arith.constant dense<0.000000e+00> : vector<256xf32>
      %reduce_sum3A_896 = vector.multi_reduction <add>, %mul3A_894, %reduce_sum3A_895 [1] : vector<256x256xf32> to vector<256xf32>
      %broadcast_in_dim3A_897 = vector.shape_cast %reduce_sum3A_896 : vector<256xf32> to vector<256x1xf32>
      %div3A_898 = arith.divf %broadcast_in_dim3A_897, %broadcast_in_dim3A_863 : vector<256x1xf32>
      %swap3A_899 = arith.constant 0 : index
      %swap3A_900 = arith.constant 0 : index
      %swap3A_901 = arith.constant 8 : index
      %swap3A_902 = vector.load %arg22[%swap3A_899, %swap3A_900, %swap3A_901] : memref<1x256x16xf32, #tpu.memory_space<vmem>>, vector<1x256x1xf32>
      %swap3A_903 = vector.shape_cast %swap3A_902 : vector<1x256x1xf32> to vector<256x1xf32>
      %swap3A_904 = vector.shape_cast %div3A_898 : vector<256x1xf32> to vector<1x256x1xf32>
      tpu.vector_store %arg22[%swap3A_899, %swap3A_900, %swap3A_901], %swap3A_904 {strides = array<i32>} : memref<1x256x16xf32, #tpu.memory_space<vmem>>, vector<1x256x1xf32>,
      %get3A_905 = arith.constant 9 : index
      %get3A_906 = arith.constant 0 : index
      %get3A_907 = arith.constant 0 : index
      %get3A_908 = vector.load %arg11[%get3A_905, %get3A_906, %get3A_907] : memref<16x211x16xf32, #tpu.memory_space<vmem>>, vector<1x211x16xf32>
      %get3A_909 = vector.shape_cast %get3A_908 : vector<1x211x16xf32> to vector<211x16xf32>
      %dot_general3A_910 = arith.constant dense<0.000000e+00> : vector<211x64xf32>
      %dot_general3A_911 = tpu.matmul %get3A_909, %convert_element_type3A_32, %dot_general3A_910 {dimension_numbers = #tpu.dot_dimension_numbers<[1], [0], [0], [1], [0, 0, 1, 1], [], []>, transpose_lhs_hint = false} : vector<211x16xf32>, vector<16x64xf32>, vector<211x64xf32> -> vector<211x64xf32>
      %mul3A_912 = vector.broadcast %get3A_43 : vector<1x64xf32> to vector<211x64xf32>
      %mul3A_913 = arith.mulf %dot_general3A_911, %mul3A_912 : vector<211x64xf32>
      %add3A_914 = vector.broadcast %get3A_46 : vector<1x64xf32> to vector<211x64xf32>
      %add3A_915 = arith.addf %mul3A_913, %add3A_914 : vector<211x64xf32>
      %tanh3A_916 = math.tanh %add3A_915 : vector<211x64xf32>
      %get3A_917 = arith.constant 0 : index
      %get3A_918 = arith.constant 0 : index
      %get3A_919 = arith.constant 9 : index
      %get3A_920 = vector.load %arg12[%get3A_917, %get3A_918, %get3A_919] : memref<1x211x16xf32, #tpu.memory_space<vmem>>, vector<1x211x1xf32>
      %get3A_921 = vector.shape_cast %get3A_920 : vector<1x211x1xf32> to vector<211x1xf32>
      %mul3A_922 = vector.broadcast %get3A_921 : vector<211x1xf32> to vector<211x64xf32>
      %mul3A_923 = vector.broadcast %get3A_49 : vector<1x64xf32> to vector<211x64xf32>
      %mul3A_924 = arith.mulf %mul3A_922, %mul3A_923 : vector<211x64xf32>
      %add3A_925 = vector.broadcast %get3A_52 : vector<1x64xf32> to vector<211x64xf32>
      %add3A_926 = arith.addf %mul3A_924, %add3A_925 : vector<211x64xf32>
      %tanh3A_927 = math.tanh %add3A_926 : vector<211x64xf32>
      %concatenate3A_928 = tpu.concatenate %tanh3A_916, %tanh3A_927 in 1 : vector<211x64xf32>, vector<211x64xf32> -> vector<211x128xf32>
      %dot_general3A_929 = arith.constant dense<0.000000e+00> : vector<211x256xf32>
      %dot_general3A_930 = tpu.matmul %concatenate3A_928, %get3A_34, %dot_general3A_929 {dimension_numbers = #tpu.dot_dimension_numbers<[1], [0], [0], [1], [0, 0, 1, 1], [], []>, transpose_lhs_hint = false} : vector<211x128xf32>, vector<128x256xf32>, vector<211x256xf32> -> vector<211x256xf32>
      %add3A_931 = vector.broadcast %get3A_40 : vector<1x256xf32> to vector<211x256xf32>
      %add3A_932 = arith.addf %dot_general3A_930, %add3A_931 : vector<211x256xf32>
      %mul3A_933 = vector.broadcast %get3A_55 : vector<211x1xf32> to vector<211x256xf32>
      %mul3A_934 = arith.mulf %add3A_932, %mul3A_933 : vector<211x256xf32>
      %reduce_sum3A_935 = arith.constant dense<0.000000e+00> : vector<256xf32>
      %reduce_sum3A_936 = vector.multi_reduction <add>, %mul3A_934, %reduce_sum3A_935 [0] : vector<211x256xf32> to vector<256xf32>
      %broadcast_in_dim3A_937 = vector.shape_cast %reduce_sum3A_936 : vector<256xf32> to vector<1x256xf32>
      %add3A_938 = vector.broadcast %get3A_58 : vector<1x1xf32> to vector<1x256xf32>
      %add3A_939 = arith.addf %broadcast_in_dim3A_937, %add3A_938 : vector<1x256xf32>
      %slice3A_940 = vector.extract_strided_slice %add3A_939 {offsets = [0, 0], sizes = [1, 255], strides = [1, 1]} : vector<1x256xf32> to vector<1x255xf32>
      %concatenate3A_941 = tpu.concatenate %broadcast_in_dim3A_68, %slice3A_940 in 1 : vector<1x1xf32>, vector<1x255xf32> -> vector<1x256xf32>
      %slice3A_942 = vector.extract_strided_slice %add3A_939 {offsets = [0, 1], sizes = [1, 255], strides = [1, 1]} : vector<1x256xf32> to vector<1x255xf32>
      %concatenate3A_943 = tpu.concatenate %slice3A_942, %broadcast_in_dim3A_68 in 1 : vector<1x255xf32>, vector<1x1xf32> -> vector<1x256xf32>
      %concatenate3A_944 = tpu.concatenate %concatenate3A_941, %add3A_939, %concatenate3A_943 in 0 : vector<1x256xf32>, vector<1x256xf32>, vector<1x256xf32> -> vector<3x256xf32>
      %dot_general3A_945 = arith.constant dense<0.000000e+00> : vector<256x256xf32>
      %dot_general3A_946 = tpu.matmul %get3A_37, %concatenate3A_944, %dot_general3A_945 {dimension_numbers = #tpu.dot_dimension_numbers<[1], [0], [0], [1], [0, 0, 1, 1], [], []>, transpose_lhs_hint = false} : vector<256x3xf32>, vector<3x256xf32>, vector<256x256xf32> -> vector<256x256xf32>
      %add3A_947 = vector.broadcast %get3A_61 : vector<256x1xf32> to vector<256x256xf32>
      %add3A_948 = arith.addf %dot_general3A_946, %add3A_947 : vector<256x256xf32>
      %reduce_max3A_949 = arith.constant dense<0xFF800000> : vector<256xf32>
      %reduce_max3A_950 = vector.multi_reduction <maximumf>, %add3A_948, %reduce_max3A_949 [1] : vector<256x256xf32> to vector<256xf32>
      %broadcast_in_dim3A_951 = vector.shape_cast %reduce_max3A_950 : vector<256xf32> to vector<256x1xf32>
      %sub3A_952 = vector.broadcast %broadcast_in_dim3A_951 : vector<256x1xf32> to vector<256x256xf32>
      %sub3A_953 = arith.subf %add3A_948, %sub3A_952 : vector<256x256xf32>
      %exp3A_954 = math.exp %sub3A_953 : vector<256x256xf32>
      %reduce_sum3A_955 = arith.constant dense<0.000000e+00> : vector<256xf32>
      %reduce_sum3A_956 = vector.multi_reduction <add>, %exp3A_954, %reduce_sum3A_955 [1] : vector<256x256xf32> to vector<256xf32>
      %broadcast_in_dim3A_957 = vector.shape_cast %reduce_sum3A_956 : vector<256xf32> to vector<256x1xf32>
      %div3A_958 = arith.divf %get3A_64, %broadcast_in_dim3A_957 : vector<256x1xf32>
      %mul3A_959 = vector.broadcast %div3A_958 : vector<256x1xf32> to vector<256x256xf32>
      %mul3A_960 = arith.mulf %exp3A_954, %mul3A_959 : vector<256x256xf32>
      %reduce_sum3A_961 = arith.constant dense<0.000000e+00> : vector<256xf32>
      %reduce_sum3A_962 = vector.multi_reduction <add>, %mul3A_960, %reduce_sum3A_961 [0] : vector<256x256xf32> to vector<256xf32>
      %broadcast_in_dim3A_963 = vector.shape_cast %reduce_sum3A_962 : vector<256xf32> to vector<1x256xf32>
      %mul3A_964 = vector.broadcast %broadcast_in_dim3A_963 : vector<1x256xf32> to vector<211x256xf32>
      %mul3A_965 = arith.mulf %add3A_932, %mul3A_964 : vector<211x256xf32>
      %reduce_sum3A_966 = arith.constant dense<0.000000e+00> : vector<211xf32>
      %reduce_sum3A_967 = vector.multi_reduction <add>, %mul3A_965, %reduce_sum3A_966 [1] : vector<211x256xf32> to vector<211xf32>
      %broadcast_in_dim3A_968 = vector.shape_cast %reduce_sum3A_967 : vector<211xf32> to vector<211x1xf32>
      %add3A_969 = vector.broadcast %get3A_67 : vector<1x1xf32> to vector<211x1xf32>
      %add3A_970 = arith.addf %broadcast_in_dim3A_968, %add3A_969 : vector<211x1xf32>
      %reduce_max3A_971 = arith.constant dense<0xFF800000> : vector<1xf32>
      %reduce_max3A_972 = vector.multi_reduction <maximumf>, %add3A_970, %reduce_max3A_971 [0] : vector<211x1xf32> to vector<1xf32>
      %broadcast_in_dim3A_973 = vector.shape_cast %reduce_max3A_972 : vector<1xf32> to vector<1x1xf32>
      %sub3A_974 = vector.broadcast %broadcast_in_dim3A_973 : vector<1x1xf32> to vector<211x1xf32>
      %sub3A_975 = arith.subf %add3A_970, %sub3A_974 : vector<211x1xf32>
      %exp3A_976 = math.exp %sub3A_975 : vector<211x1xf32>
      %reduce_sum3A_977 = arith.constant dense<0.000000e+00> : vector<1xf32>
      %reduce_sum3A_978 = vector.multi_reduction <add>, %exp3A_976, %reduce_sum3A_977 [0] : vector<211x1xf32> to vector<1xf32>
      %broadcast_in_dim3A_979 = vector.shape_cast %reduce_sum3A_978 : vector<1xf32> to vector<1x1xf32>
      %div3A_980 = vector.broadcast %broadcast_in_dim3A_979 : vector<1x1xf32> to vector<211x1xf32>
      %div3A_981 = arith.divf %exp3A_976, %div3A_980 : vector<211x1xf32>
      %mul3A_982 = vector.broadcast %div3A_981 : vector<211x1xf32> to vector<211x256xf32>
      %mul3A_983 = arith.mulf %add3A_932, %mul3A_982 : vector<211x256xf32>
      %reduce_sum3A_984 = arith.constant dense<0.000000e+00> : vector<256xf32>
      %reduce_sum3A_985 = vector.multi_reduction <add>, %mul3A_983, %reduce_sum3A_984 [0] : vector<211x256xf32> to vector<256xf32>
      %broadcast_in_dim3A_986 = vector.shape_cast %reduce_sum3A_985 : vector<256xf32> to vector<1x256xf32>
      %mul3A_987 = vector.broadcast %broadcast_in_dim3A_986 : vector<1x256xf32> to vector<256x256xf32>
      %mul3A_988 = arith.mulf %exp3A_954, %mul3A_987 : vector<256x256xf32>
      %reduce_sum3A_989 = arith.constant dense<0.000000e+00> : vector<256xf32>
      %reduce_sum3A_990 = vector.multi_reduction <add>, %mul3A_988, %reduce_sum3A_989 [1] : vector<256x256xf32> to vector<256xf32>
      %broadcast_in_dim3A_991 = vector.shape_cast %reduce_sum3A_990 : vector<256xf32> to vector<256x1xf32>
      %div3A_992 = arith.divf %broadcast_in_dim3A_991, %broadcast_in_dim3A_957 : vector<256x1xf32>
      %swap3A_993 = arith.constant 0 : index
      %swap3A_994 = arith.constant 0 : index
      %swap3A_995 = arith.constant 9 : index
      %swap3A_996 = vector.load %arg22[%swap3A_993, %swap3A_994, %swap3A_995] : memref<1x256x16xf32, #tpu.memory_space<vmem>>, vector<1x256x1xf32>
      %swap3A_997 = vector.shape_cast %swap3A_996 : vector<1x256x1xf32> to vector<256x1xf32>
      %swap3A_998 = vector.shape_cast %div3A_992 : vector<256x1xf32> to vector<1x256x1xf32>
      tpu.vector_store %arg22[%swap3A_993, %swap3A_994, %swap3A_995], %swap3A_998 {strides = array<i32>} : memref<1x256x16xf32, #tpu.memory_space<vmem>>, vector<1x256x1xf32>,
      %get3A_999 = arith.constant 10 : index
      %get3A_1000 = arith.constant 0 : index
      %get3A_1001 = arith.constant 0 : index
      %get3A_1002 = vector.load %arg11[%get3A_999, %get3A_1000, %get3A_1001] : memref<16x211x16xf32, #tpu.memory_space<vmem>>, vector<1x211x16xf32>
      %get3A_1003 = vector.shape_cast %get3A_1002 : vector<1x211x16xf32> to vector<211x16xf32>
      %dot_general3A_1004 = arith.constant dense<0.000000e+00> : vector<211x64xf32>
      %dot_general3A_1005 = tpu.matmul %get3A_1003, %convert_element_type3A_32, %dot_general3A_1004 {dimension_numbers = #tpu.dot_dimension_numbers<[1], [0], [0], [1], [0, 0, 1, 1], [], []>, transpose_lhs_hint = false} : vector<211x16xf32>, vector<16x64xf32>, vector<211x64xf32> -> vector<211x64xf32>
      %mul3A_1006 = vector.broadcast %get3A_43 : vector<1x64xf32> to vector<211x64xf32>
      %mul3A_1007 = arith.mulf %dot_general3A_1005, %mul3A_1006 : vector<211x64xf32>
      %add3A_1008 = vector.broadcast %get3A_46 : vector<1x64xf32> to vector<211x64xf32>
      %add3A_1009 = arith.addf %mul3A_1007, %add3A_1008 : vector<211x64xf32>
      %tanh3A_1010 = math.tanh %add3A_1009 : vector<211x64xf32>
      %get3A_1011 = arith.constant 0 : index
      %get3A_1012 = arith.constant 0 : index
      %get3A_1013 = arith.constant 10 : index
      %get3A_1014 = vector.load %arg12[%get3A_1011, %get3A_1012, %get3A_1013] : memref<1x211x16xf32, #tpu.memory_space<vmem>>, vector<1x211x1xf32>
      %get3A_1015 = vector.shape_cast %get3A_1014 : vector<1x211x1xf32> to vector<211x1xf32>
      %mul3A_1016 = vector.broadcast %get3A_1015 : vector<211x1xf32> to vector<211x64xf32>
      %mul3A_1017 = vector.broadcast %get3A_49 : vector<1x64xf32> to vector<211x64xf32>
      %mul3A_1018 = arith.mulf %mul3A_1016, %mul3A_1017 : vector<211x64xf32>
      %add3A_1019 = vector.broadcast %get3A_52 : vector<1x64xf32> to vector<211x64xf32>
      %add3A_1020 = arith.addf %mul3A_1018, %add3A_1019 : vector<211x64xf32>
      %tanh3A_1021 = math.tanh %add3A_1020 : vector<211x64xf32>
      %concatenate3A_1022 = tpu.concatenate %tanh3A_1010, %tanh3A_1021 in 1 : vector<211x64xf32>, vector<211x64xf32> -> vector<211x128xf32>
      %dot_general3A_1023 = arith.constant dense<0.000000e+00> : vector<211x256xf32>
      %dot_general3A_1024 = tpu.matmul %concatenate3A_1022, %get3A_34, %dot_general3A_1023 {dimension_numbers = #tpu.dot_dimension_numbers<[1], [0], [0], [1], [0, 0, 1, 1], [], []>, transpose_lhs_hint = false} : vector<211x128xf32>, vector<128x256xf32>, vector<211x256xf32> -> vector<211x256xf32>
      %add3A_1025 = vector.broadcast %get3A_40 : vector<1x256xf32> to vector<211x256xf32>
      %add3A_1026 = arith.addf %dot_general3A_1024, %add3A_1025 : vector<211x256xf32>
      %mul3A_1027 = vector.broadcast %get3A_55 : vector<211x1xf32> to vector<211x256xf32>
      %mul3A_1028 = arith.mulf %add3A_1026, %mul3A_1027 : vector<211x256xf32>
      %reduce_sum3A_1029 = arith.constant dense<0.000000e+00> : vector<256xf32>
      %reduce_sum3A_1030 = vector.multi_reduction <add>, %mul3A_1028, %reduce_sum3A_1029 [0] : vector<211x256xf32> to vector<256xf32>
      %broadcast_in_dim3A_1031 = vector.shape_cast %reduce_sum3A_1030 : vector<256xf32> to vector<1x256xf32>
      %add3A_1032 = vector.broadcast %get3A_58 : vector<1x1xf32> to vector<1x256xf32>
      %add3A_1033 = arith.addf %broadcast_in_dim3A_1031, %add3A_1032 : vector<1x256xf32>
      %slice3A_1034 = vector.extract_strided_slice %add3A_1033 {offsets = [0, 0], sizes = [1, 255], strides = [1, 1]} : vector<1x256xf32> to vector<1x255xf32>
      %concatenate3A_1035 = tpu.concatenate %broadcast_in_dim3A_68, %slice3A_1034 in 1 : vector<1x1xf32>, vector<1x255xf32> -> vector<1x256xf32>
      %slice3A_1036 = vector.extract_strided_slice %add3A_1033 {offsets = [0, 1], sizes = [1, 255], strides = [1, 1]} : vector<1x256xf32> to vector<1x255xf32>
      %concatenate3A_1037 = tpu.concatenate %slice3A_1036, %broadcast_in_dim3A_68 in 1 : vector<1x255xf32>, vector<1x1xf32> -> vector<1x256xf32>
      %concatenate3A_1038 = tpu.concatenate %concatenate3A_1035, %add3A_1033, %concatenate3A_1037 in 0 : vector<1x256xf32>, vector<1x256xf32>, vector<1x256xf32> -> vector<3x256xf32>
      %dot_general3A_1039 = arith.constant dense<0.000000e+00> : vector<256x256xf32>
      %dot_general3A_1040 = tpu.matmul %get3A_37, %concatenate3A_1038, %dot_general3A_1039 {dimension_numbers = #tpu.dot_dimension_numbers<[1], [0], [0], [1], [0, 0, 1, 1], [], []>, transpose_lhs_hint = false} : vector<256x3xf32>, vector<3x256xf32>, vector<256x256xf32> -> vector<256x256xf32>
      %add3A_1041 = vector.broadcast %get3A_61 : vector<256x1xf32> to vector<256x256xf32>
      %add3A_1042 = arith.addf %dot_general3A_1040, %add3A_1041 : vector<256x256xf32>
      %reduce_max3A_1043 = arith.constant dense<0xFF800000> : vector<256xf32>
      %reduce_max3A_1044 = vector.multi_reduction <maximumf>, %add3A_1042, %reduce_max3A_1043 [1] : vector<256x256xf32> to vector<256xf32>
      %broadcast_in_dim3A_1045 = vector.shape_cast %reduce_max3A_1044 : vector<256xf32> to vector<256x1xf32>
      %sub3A_1046 = vector.broadcast %broadcast_in_dim3A_1045 : vector<256x1xf32> to vector<256x256xf32>
      %sub3A_1047 = arith.subf %add3A_1042, %sub3A_1046 : vector<256x256xf32>
      %exp3A_1048 = math.exp %sub3A_1047 : vector<256x256xf32>
      %reduce_sum3A_1049 = arith.constant dense<0.000000e+00> : vector<256xf32>
      %reduce_sum3A_1050 = vector.multi_reduction <add>, %exp3A_1048, %reduce_sum3A_1049 [1] : vector<256x256xf32> to vector<256xf32>
      %broadcast_in_dim3A_1051 = vector.shape_cast %reduce_sum3A_1050 : vector<256xf32> to vector<256x1xf32>
      %div3A_1052 = arith.divf %get3A_64, %broadcast_in_dim3A_1051 : vector<256x1xf32>
      %mul3A_1053 = vector.broadcast %div3A_1052 : vector<256x1xf32> to vector<256x256xf32>
      %mul3A_1054 = arith.mulf %exp3A_1048, %mul3A_1053 : vector<256x256xf32>
      %reduce_sum3A_1055 = arith.constant dense<0.000000e+00> : vector<256xf32>
      %reduce_sum3A_1056 = vector.multi_reduction <add>, %mul3A_1054, %reduce_sum3A_1055 [0] : vector<256x256xf32> to vector<256xf32>
      %broadcast_in_dim3A_1057 = vector.shape_cast %reduce_sum3A_1056 : vector<256xf32> to vector<1x256xf32>
      %mul3A_1058 = vector.broadcast %broadcast_in_dim3A_1057 : vector<1x256xf32> to vector<211x256xf32>
      %mul3A_1059 = arith.mulf %add3A_1026, %mul3A_1058 : vector<211x256xf32>
      %reduce_sum3A_1060 = arith.constant dense<0.000000e+00> : vector<211xf32>
      %reduce_sum3A_1061 = vector.multi_reduction <add>, %mul3A_1059, %reduce_sum3A_1060 [1] : vector<211x256xf32> to vector<211xf32>
      %broadcast_in_dim3A_1062 = vector.shape_cast %reduce_sum3A_1061 : vector<211xf32> to vector<211x1xf32>
      %add3A_1063 = vector.broadcast %get3A_67 : vector<1x1xf32> to vector<211x1xf32>
      %add3A_1064 = arith.addf %broadcast_in_dim3A_1062, %add3A_1063 : vector<211x1xf32>
      %reduce_max3A_1065 = arith.constant dense<0xFF800000> : vector<1xf32>
      %reduce_max3A_1066 = vector.multi_reduction <maximumf>, %add3A_1064, %reduce_max3A_1065 [0] : vector<211x1xf32> to vector<1xf32>
      %broadcast_in_dim3A_1067 = vector.shape_cast %reduce_max3A_1066 : vector<1xf32> to vector<1x1xf32>
      %sub3A_1068 = vector.broadcast %broadcast_in_dim3A_1067 : vector<1x1xf32> to vector<211x1xf32>
      %sub3A_1069 = arith.subf %add3A_1064, %sub3A_1068 : vector<211x1xf32>
      %exp3A_1070 = math.exp %sub3A_1069 : vector<211x1xf32>
      %reduce_sum3A_1071 = arith.constant dense<0.000000e+00> : vector<1xf32>
      %reduce_sum3A_1072 = vector.multi_reduction <add>, %exp3A_1070, %reduce_sum3A_1071 [0] : vector<211x1xf32> to vector<1xf32>
      %broadcast_in_dim3A_1073 = vector.shape_cast %reduce_sum3A_1072 : vector<1xf32> to vector<1x1xf32>
      %div3A_1074 = vector.broadcast %broadcast_in_dim3A_1073 : vector<1x1xf32> to vector<211x1xf32>
      %div3A_1075 = arith.divf %exp3A_1070, %div3A_1074 : vector<211x1xf32>
      %mul3A_1076 = vector.broadcast %div3A_1075 : vector<211x1xf32> to vector<211x256xf32>
      %mul3A_1077 = arith.mulf %add3A_1026, %mul3A_1076 : vector<211x256xf32>
      %reduce_sum3A_1078 = arith.constant dense<0.000000e+00> : vector<256xf32>
      %reduce_sum3A_1079 = vector.multi_reduction <add>, %mul3A_1077, %reduce_sum3A_1078 [0] : vector<211x256xf32> to vector<256xf32>
      %broadcast_in_dim3A_1080 = vector.shape_cast %reduce_sum3A_1079 : vector<256xf32> to vector<1x256xf32>
      %mul3A_1081 = vector.broadcast %broadcast_in_dim3A_1080 : vector<1x256xf32> to vector<256x256xf32>
      %mul3A_1082 = arith.mulf %exp3A_1048, %mul3A_1081 : vector<256x256xf32>
      %reduce_sum3A_1083 = arith.constant dense<0.000000e+00> : vector<256xf32>
      %reduce_sum3A_1084 = vector.multi_reduction <add>, %mul3A_1082, %reduce_sum3A_1083 [1] : vector<256x256xf32> to vector<256xf32>
      %broadcast_in_dim3A_1085 = vector.shape_cast %reduce_sum3A_1084 : vector<256xf32> to vector<256x1xf32>
      %div3A_1086 = arith.divf %broadcast_in_dim3A_1085, %broadcast_in_dim3A_1051 : vector<256x1xf32>
      %swap3A_1087 = arith.constant 0 : index
      %swap3A_1088 = arith.constant 0 : index
      %swap3A_1089 = arith.constant 10 : index
      %swap3A_1090 = vector.load %arg22[%swap3A_1087, %swap3A_1088, %swap3A_1089] : memref<1x256x16xf32, #tpu.memory_space<vmem>>, vector<1x256x1xf32>
      %swap3A_1091 = vector.shape_cast %swap3A_1090 : vector<1x256x1xf32> to vector<256x1xf32>
      %swap3A_1092 = vector.shape_cast %div3A_1086 : vector<256x1xf32> to vector<1x256x1xf32>
      tpu.vector_store %arg22[%swap3A_1087, %swap3A_1088, %swap3A_1089], %swap3A_1092 {strides = array<i32>} : memref<1x256x16xf32, #tpu.memory_space<vmem>>, vector<1x256x1xf32>,
      %get3A_1093 = arith.constant 11 : index
      %get3A_1094 = arith.constant 0 : index
      %get3A_1095 = arith.constant 0 : index
      %get3A_1096 = vector.load %arg11[%get3A_1093, %get3A_1094, %get3A_1095] : memref<16x211x16xf32, #tpu.memory_space<vmem>>, vector<1x211x16xf32>
      %get3A_1097 = vector.shape_cast %get3A_1096 : vector<1x211x16xf32> to vector<211x16xf32>
      %dot_general3A_1098 = arith.constant dense<0.000000e+00> : vector<211x64xf32>
      %dot_general3A_1099 = tpu.matmul %get3A_1097, %convert_element_type3A_32, %dot_general3A_1098 {dimension_numbers = #tpu.dot_dimension_numbers<[1], [0], [0], [1], [0, 0, 1, 1], [], []>, transpose_lhs_hint = false} : vector<211x16xf32>, vector<16x64xf32>, vector<211x64xf32> -> vector<211x64xf32>
      %mul3A_1100 = vector.broadcast %get3A_43 : vector<1x64xf32> to vector<211x64xf32>
      %mul3A_1101 = arith.mulf %dot_general3A_1099, %mul3A_1100 : vector<211x64xf32>
      %add3A_1102 = vector.broadcast %get3A_46 : vector<1x64xf32> to vector<211x64xf32>
      %add3A_1103 = arith.addf %mul3A_1101, %add3A_1102 : vector<211x64xf32>
      %tanh3A_1104 = math.tanh %add3A_1103 : vector<211x64xf32>
      %get3A_1105 = arith.constant 0 : index
      %get3A_1106 = arith.constant 0 : index
      %get3A_1107 = arith.constant 11 : index
      %get3A_1108 = vector.load %arg12[%get3A_1105, %get3A_1106, %get3A_1107] : memref<1x211x16xf32, #tpu.memory_space<vmem>>, vector<1x211x1xf32>
      %get3A_1109 = vector.shape_cast %get3A_1108 : vector<1x211x1xf32> to vector<211x1xf32>
      %mul3A_1110 = vector.broadcast %get3A_1109 : vector<211x1xf32> to vector<211x64xf32>
      %mul3A_1111 = vector.broadcast %get3A_49 : vector<1x64xf32> to vector<211x64xf32>
      %mul3A_1112 = arith.mulf %mul3A_1110, %mul3A_1111 : vector<211x64xf32>
      %add3A_1113 = vector.broadcast %get3A_52 : vector<1x64xf32> to vector<211x64xf32>
      %add3A_1114 = arith.addf %mul3A_1112, %add3A_1113 : vector<211x64xf32>
      %tanh3A_1115 = math.tanh %add3A_1114 : vector<211x64xf32>
      %concatenate3A_1116 = tpu.concatenate %tanh3A_1104, %tanh3A_1115 in 1 : vector<211x64xf32>, vector<211x64xf32> -> vector<211x128xf32>
      %dot_general3A_1117 = arith.constant dense<0.000000e+00> : vector<211x256xf32>
      %dot_general3A_1118 = tpu.matmul %concatenate3A_1116, %get3A_34, %dot_general3A_1117 {dimension_numbers = #tpu.dot_dimension_numbers<[1], [0], [0], [1], [0, 0, 1, 1], [], []>, transpose_lhs_hint = false} : vector<211x128xf32>, vector<128x256xf32>, vector<211x256xf32> -> vector<211x256xf32>
      %add3A_1119 = vector.broadcast %get3A_40 : vector<1x256xf32> to vector<211x256xf32>
      %add3A_1120 = arith.addf %dot_general3A_1118, %add3A_1119 : vector<211x256xf32>
      %mul3A_1121 = vector.broadcast %get3A_55 : vector<211x1xf32> to vector<211x256xf32>
      %mul3A_1122 = arith.mulf %add3A_1120, %mul3A_1121 : vector<211x256xf32>
      %reduce_sum3A_1123 = arith.constant dense<0.000000e+00> : vector<256xf32>
      %reduce_sum3A_1124 = vector.multi_reduction <add>, %mul3A_1122, %reduce_sum3A_1123 [0] : vector<211x256xf32> to vector<256xf32>
      %broadcast_in_dim3A_1125 = vector.shape_cast %reduce_sum3A_1124 : vector<256xf32> to vector<1x256xf32>
      %add3A_1126 = vector.broadcast %get3A_58 : vector<1x1xf32> to vector<1x256xf32>
      %add3A_1127 = arith.addf %broadcast_in_dim3A_1125, %add3A_1126 : vector<1x256xf32>
      %slice3A_1128 = vector.extract_strided_slice %add3A_1127 {offsets = [0, 0], sizes = [1, 255], strides = [1, 1]} : vector<1x256xf32> to vector<1x255xf32>
      %concatenate3A_1129 = tpu.concatenate %broadcast_in_dim3A_68, %slice3A_1128 in 1 : vector<1x1xf32>, vector<1x255xf32> -> vector<1x256xf32>
      %slice3A_1130 = vector.extract_strided_slice %add3A_1127 {offsets = [0, 1], sizes = [1, 255], strides = [1, 1]} : vector<1x256xf32> to vector<1x255xf32>
      %concatenate3A_1131 = tpu.concatenate %slice3A_1130, %broadcast_in_dim3A_68 in 1 : vector<1x255xf32>, vector<1x1xf32> -> vector<1x256xf32>
      %concatenate3A_1132 = tpu.concatenate %concatenate3A_1129, %add3A_1127, %concatenate3A_1131 in 0 : vector<1x256xf32>, vector<1x256xf32>, vector<1x256xf32> -> vector<3x256xf32>
      %dot_general3A_1133 = arith.constant dense<0.000000e+00> : vector<256x256xf32>
      %dot_general3A_1134 = tpu.matmul %get3A_37, %concatenate3A_1132, %dot_general3A_1133 {dimension_numbers = #tpu.dot_dimension_numbers<[1], [0], [0], [1], [0, 0, 1, 1], [], []>, transpose_lhs_hint = false} : vector<256x3xf32>, vector<3x256xf32>, vector<256x256xf32> -> vector<256x256xf32>
      %add3A_1135 = vector.broadcast %get3A_61 : vector<256x1xf32> to vector<256x256xf32>
      %add3A_1136 = arith.addf %dot_general3A_1134, %add3A_1135 : vector<256x256xf32>
      %reduce_max3A_1137 = arith.constant dense<0xFF800000> : vector<256xf32>
      %reduce_max3A_1138 = vector.multi_reduction <maximumf>, %add3A_1136, %reduce_max3A_1137 [1] : vector<256x256xf32> to vector<256xf32>
      %broadcast_in_dim3A_1139 = vector.shape_cast %reduce_max3A_1138 : vector<256xf32> to vector<256x1xf32>
      %sub3A_1140 = vector.broadcast %broadcast_in_dim3A_1139 : vector<256x1xf32> to vector<256x256xf32>
      %sub3A_1141 = arith.subf %add3A_1136, %sub3A_1140 : vector<256x256xf32>
      %exp3A_1142 = math.exp %sub3A_1141 : vector<256x256xf32>
      %reduce_sum3A_1143 = arith.constant dense<0.000000e+00> : vector<256xf32>
      %reduce_sum3A_1144 = vector.multi_reduction <add>, %exp3A_1142, %reduce_sum3A_1143 [1] : vector<256x256xf32> to vector<256xf32>
      %broadcast_in_dim3A_1145 = vector.shape_cast %reduce_sum3A_1144 : vector<256xf32> to vector<256x1xf32>
      %div3A_1146 = arith.divf %get3A_64, %broadcast_in_dim3A_1145 : vector<256x1xf32>
      %mul3A_1147 = vector.broadcast %div3A_1146 : vector<256x1xf32> to vector<256x256xf32>
      %mul3A_1148 = arith.mulf %exp3A_1142, %mul3A_1147 : vector<256x256xf32>
      %reduce_sum3A_1149 = arith.constant dense<0.000000e+00> : vector<256xf32>
      %reduce_sum3A_1150 = vector.multi_reduction <add>, %mul3A_1148, %reduce_sum3A_1149 [0] : vector<256x256xf32> to vector<256xf32>
      %broadcast_in_dim3A_1151 = vector.shape_cast %reduce_sum3A_1150 : vector<256xf32> to vector<1x256xf32>
      %mul3A_1152 = vector.broadcast %broadcast_in_dim3A_1151 : vector<1x256xf32> to vector<211x256xf32>
      %mul3A_1153 = arith.mulf %add3A_1120, %mul3A_1152 : vector<211x256xf32>
      %reduce_sum3A_1154 = arith.constant dense<0.000000e+00> : vector<211xf32>
      %reduce_sum3A_1155 = vector.multi_reduction <add>, %mul3A_1153, %reduce_sum3A_1154 [1] : vector<211x256xf32> to vector<211xf32>
      %broadcast_in_dim3A_1156 = vector.shape_cast %reduce_sum3A_1155 : vector<211xf32> to vector<211x1xf32>
      %add3A_1157 = vector.broadcast %get3A_67 : vector<1x1xf32> to vector<211x1xf32>
      %add3A_1158 = arith.addf %broadcast_in_dim3A_1156, %add3A_1157 : vector<211x1xf32>
      %reduce_max3A_1159 = arith.constant dense<0xFF800000> : vector<1xf32>
      %reduce_max3A_1160 = vector.multi_reduction <maximumf>, %add3A_1158, %reduce_max3A_1159 [0] : vector<211x1xf32> to vector<1xf32>
      %broadcast_in_dim3A_1161 = vector.shape_cast %reduce_max3A_1160 : vector<1xf32> to vector<1x1xf32>
      %sub3A_1162 = vector.broadcast %broadcast_in_dim3A_1161 : vector<1x1xf32> to vector<211x1xf32>
      %sub3A_1163 = arith.subf %add3A_1158, %sub3A_1162 : vector<211x1xf32>
      %exp3A_1164 = math.exp %sub3A_1163 : vector<211x1xf32>
      %reduce_sum3A_1165 = arith.constant dense<0.000000e+00> : vector<1xf32>
      %reduce_sum3A_1166 = vector.multi_reduction <add>, %exp3A_1164, %reduce_sum3A_1165 [0] : vector<211x1xf32> to vector<1xf32>
      %broadcast_in_dim3A_1167 = vector.shape_cast %reduce_sum3A_1166 : vector<1xf32> to vector<1x1xf32>
      %div3A_1168 = vector.broadcast %broadcast_in_dim3A_1167 : vector<1x1xf32> to vector<211x1xf32>
      %div3A_1169 = arith.divf %exp3A_1164, %div3A_1168 : vector<211x1xf32>
      %mul3A_1170 = vector.broadcast %div3A_1169 : vector<211x1xf32> to vector<211x256xf32>
      %mul3A_1171 = arith.mulf %add3A_1120, %mul3A_1170 : vector<211x256xf32>
      %reduce_sum3A_1172 = arith.constant dense<0.000000e+00> : vector<256xf32>
      %reduce_sum3A_1173 = vector.multi_reduction <add>, %mul3A_1171, %reduce_sum3A_1172 [0] : vector<211x256xf32> to vector<256xf32>
      %broadcast_in_dim3A_1174 = vector.shape_cast %reduce_sum3A_1173 : vector<256xf32> to vector<1x256xf32>
      %mul3A_1175 = vector.broadcast %broadcast_in_dim3A_1174 : vector<1x256xf32> to vector<256x256xf32>
      %mul3A_1176 = arith.mulf %exp3A_1142, %mul3A_1175 : vector<256x256xf32>
      %reduce_sum3A_1177 = arith.constant dense<0.000000e+00> : vector<256xf32>
      %reduce_sum3A_1178 = vector.multi_reduction <add>, %mul3A_1176, %reduce_sum3A_1177 [1] : vector<256x256xf32> to vector<256xf32>
      %broadcast_in_dim3A_1179 = vector.shape_cast %reduce_sum3A_1178 : vector<256xf32> to vector<256x1xf32>
      %div3A_1180 = arith.divf %broadcast_in_dim3A_1179, %broadcast_in_dim3A_1145 : vector<256x1xf32>
      %swap3A_1181 = arith.constant 0 : index
      %swap3A_1182 = arith.constant 0 : index
      %swap3A_1183 = arith.constant 11 : index
      %swap3A_1184 = vector.load %arg22[%swap3A_1181, %swap3A_1182, %swap3A_1183] : memref<1x256x16xf32, #tpu.memory_space<vmem>>, vector<1x256x1xf32>
      %swap3A_1185 = vector.shape_cast %swap3A_1184 : vector<1x256x1xf32> to vector<256x1xf32>
      %swap3A_1186 = vector.shape_cast %div3A_1180 : vector<256x1xf32> to vector<1x256x1xf32>
      tpu.vector_store %arg22[%swap3A_1181, %swap3A_1182, %swap3A_1183], %swap3A_1186 {strides = array<i32>} : memref<1x256x16xf32, #tpu.memory_space<vmem>>, vector<1x256x1xf32>,
      %get3A_1187 = arith.constant 12 : index
      %get3A_1188 = arith.constant 0 : index
      %get3A_1189 = arith.constant 0 : index
      %get3A_1190 = vector.load %arg11[%get3A_1187, %get3A_1188, %get3A_1189] : memref<16x211x16xf32, #tpu.memory_space<vmem>>, vector<1x211x16xf32>
      %get3A_1191 = vector.shape_cast %get3A_1190 : vector<1x211x16xf32> to vector<211x16xf32>
      %dot_general3A_1192 = arith.constant dense<0.000000e+00> : vector<211x64xf32>
      %dot_general3A_1193 = tpu.matmul %get3A_1191, %convert_element_type3A_32, %dot_general3A_1192 {dimension_numbers = #tpu.dot_dimension_numbers<[1], [0], [0], [1], [0, 0, 1, 1], [], []>, transpose_lhs_hint = false} : vector<211x16xf32>, vector<16x64xf32>, vector<211x64xf32> -> vector<211x64xf32>
      %mul3A_1194 = vector.broadcast %get3A_43 : vector<1x64xf32> to vector<211x64xf32>
      %mul3A_1195 = arith.mulf %dot_general3A_1193, %mul3A_1194 : vector<211x64xf32>
      %add3A_1196 = vector.broadcast %get3A_46 : vector<1x64xf32> to vector<211x64xf32>
      %add3A_1197 = arith.addf %mul3A_1195, %add3A_1196 : vector<211x64xf32>
      %tanh3A_1198 = math.tanh %add3A_1197 : vector<211x64xf32>
      %get3A_1199 = arith.constant 0 : index
      %get3A_1200 = arith.constant 0 : index
      %get3A_1201 = arith.constant 12 : index
      %get3A_1202 = vector.load %arg12[%get3A_1199, %get3A_1200, %get3A_1201] : memref<1x211x16xf32, #tpu.memory_space<vmem>>, vector<1x211x1xf32>
      %get3A_1203 = vector.shape_cast %get3A_1202 : vector<1x211x1xf32> to vector<211x1xf32>
      %mul3A_1204 = vector.broadcast %get3A_1203 : vector<211x1xf32> to vector<211x64xf32>
      %mul3A_1205 = vector.broadcast %get3A_49 : vector<1x64xf32> to vector<211x64xf32>
      %mul3A_1206 = arith.mulf %mul3A_1204, %mul3A_1205 : vector<211x64xf32>
      %add3A_1207 = vector.broadcast %get3A_52 : vector<1x64xf32> to vector<211x64xf32>
      %add3A_1208 = arith.addf %mul3A_1206, %add3A_1207 : vector<211x64xf32>
      %tanh3A_1209 = math.tanh %add3A_1208 : vector<211x64xf32>
      %concatenate3A_1210 = tpu.concatenate %tanh3A_1198, %tanh3A_1209 in 1 : vector<211x64xf32>, vector<211x64xf32> -> vector<211x128xf32>
      %dot_general3A_1211 = arith.constant dense<0.000000e+00> : vector<211x256xf32>
      %dot_general3A_1212 = tpu.matmul %concatenate3A_1210, %get3A_34, %dot_general3A_1211 {dimension_numbers = #tpu.dot_dimension_numbers<[1], [0], [0], [1], [0, 0, 1, 1], [], []>, transpose_lhs_hint = false} : vector<211x128xf32>, vector<128x256xf32>, vector<211x256xf32> -> vector<211x256xf32>
      %add3A_1213 = vector.broadcast %get3A_40 : vector<1x256xf32> to vector<211x256xf32>
      %add3A_1214 = arith.addf %dot_general3A_1212, %add3A_1213 : vector<211x256xf32>
      %mul3A_1215 = vector.broadcast %get3A_55 : vector<211x1xf32> to vector<211x256xf32>
      %mul3A_1216 = arith.mulf %add3A_1214, %mul3A_1215 : vector<211x256xf32>
      %reduce_sum3A_1217 = arith.constant dense<0.000000e+00> : vector<256xf32>
      %reduce_sum3A_1218 = vector.multi_reduction <add>, %mul3A_1216, %reduce_sum3A_1217 [0] : vector<211x256xf32> to vector<256xf32>
      %broadcast_in_dim3A_1219 = vector.shape_cast %reduce_sum3A_1218 : vector<256xf32> to vector<1x256xf32>
      %add3A_1220 = vector.broadcast %get3A_58 : vector<1x1xf32> to vector<1x256xf32>
      %add3A_1221 = arith.addf %broadcast_in_dim3A_1219, %add3A_1220 : vector<1x256xf32>
      %slice3A_1222 = vector.extract_strided_slice %add3A_1221 {offsets = [0, 0], sizes = [1, 255], strides = [1, 1]} : vector<1x256xf32> to vector<1x255xf32>
      %concatenate3A_1223 = tpu.concatenate %broadcast_in_dim3A_68, %slice3A_1222 in 1 : vector<1x1xf32>, vector<1x255xf32> -> vector<1x256xf32>
      %slice3A_1224 = vector.extract_strided_slice %add3A_1221 {offsets = [0, 1], sizes = [1, 255], strides = [1, 1]} : vector<1x256xf32> to vector<1x255xf32>
      %concatenate3A_1225 = tpu.concatenate %slice3A_1224, %broadcast_in_dim3A_68 in 1 : vector<1x255xf32>, vector<1x1xf32> -> vector<1x256xf32>
      %concatenate3A_1226 = tpu.concatenate %concatenate3A_1223, %add3A_1221, %concatenate3A_1225 in 0 : vector<1x256xf32>, vector<1x256xf32>, vector<1x256xf32> -> vector<3x256xf32>
      %dot_general3A_1227 = arith.constant dense<0.000000e+00> : vector<256x256xf32>
      %dot_general3A_1228 = tpu.matmul %get3A_37, %concatenate3A_1226, %dot_general3A_1227 {dimension_numbers = #tpu.dot_dimension_numbers<[1], [0], [0], [1], [0, 0, 1, 1], [], []>, transpose_lhs_hint = false} : vector<256x3xf32>, vector<3x256xf32>, vector<256x256xf32> -> vector<256x256xf32>
      %add3A_1229 = vector.broadcast %get3A_61 : vector<256x1xf32> to vector<256x256xf32>
      %add3A_1230 = arith.addf %dot_general3A_1228, %add3A_1229 : vector<256x256xf32>
      %reduce_max3A_1231 = arith.constant dense<0xFF800000> : vector<256xf32>
      %reduce_max3A_1232 = vector.multi_reduction <maximumf>, %add3A_1230, %reduce_max3A_1231 [1] : vector<256x256xf32> to vector<256xf32>
      %broadcast_in_dim3A_1233 = vector.shape_cast %reduce_max3A_1232 : vector<256xf32> to vector<256x1xf32>
      %sub3A_1234 = vector.broadcast %broadcast_in_dim3A_1233 : vector<256x1xf32> to vector<256x256xf32>
      %sub3A_1235 = arith.subf %add3A_1230, %sub3A_1234 : vector<256x256xf32>
      %exp3A_1236 = math.exp %sub3A_1235 : vector<256x256xf32>
      %reduce_sum3A_1237 = arith.constant dense<0.000000e+00> : vector<256xf32>
      %reduce_sum3A_1238 = vector.multi_reduction <add>, %exp3A_1236, %reduce_sum3A_1237 [1] : vector<256x256xf32> to vector<256xf32>
      %broadcast_in_dim3A_1239 = vector.shape_cast %reduce_sum3A_1238 : vector<256xf32> to vector<256x1xf32>
      %div3A_1240 = arith.divf %get3A_64, %broadcast_in_dim3A_1239 : vector<256x1xf32>
      %mul3A_1241 = vector.broadcast %div3A_1240 : vector<256x1xf32> to vector<256x256xf32>
      %mul3A_1242 = arith.mulf %exp3A_1236, %mul3A_1241 : vector<256x256xf32>
      %reduce_sum3A_1243 = arith.constant dense<0.000000e+00> : vector<256xf32>
      %reduce_sum3A_1244 = vector.multi_reduction <add>, %mul3A_1242, %reduce_sum3A_1243 [0] : vector<256x256xf32> to vector<256xf32>
      %broadcast_in_dim3A_1245 = vector.shape_cast %reduce_sum3A_1244 : vector<256xf32> to vector<1x256xf32>
      %mul3A_1246 = vector.broadcast %broadcast_in_dim3A_1245 : vector<1x256xf32> to vector<211x256xf32>
      %mul3A_1247 = arith.mulf %add3A_1214, %mul3A_1246 : vector<211x256xf32>
      %reduce_sum3A_1248 = arith.constant dense<0.000000e+00> : vector<211xf32>
      %reduce_sum3A_1249 = vector.multi_reduction <add>, %mul3A_1247, %reduce_sum3A_1248 [1] : vector<211x256xf32> to vector<211xf32>
      %broadcast_in_dim3A_1250 = vector.shape_cast %reduce_sum3A_1249 : vector<211xf32> to vector<211x1xf32>
      %add3A_1251 = vector.broadcast %get3A_67 : vector<1x1xf32> to vector<211x1xf32>
      %add3A_1252 = arith.addf %broadcast_in_dim3A_1250, %add3A_1251 : vector<211x1xf32>
      %reduce_max3A_1253 = arith.constant dense<0xFF800000> : vector<1xf32>
      %reduce_max3A_1254 = vector.multi_reduction <maximumf>, %add3A_1252, %reduce_max3A_1253 [0] : vector<211x1xf32> to vector<1xf32>
      %broadcast_in_dim3A_1255 = vector.shape_cast %reduce_max3A_1254 : vector<1xf32> to vector<1x1xf32>
      %sub3A_1256 = vector.broadcast %broadcast_in_dim3A_1255 : vector<1x1xf32> to vector<211x1xf32>
      %sub3A_1257 = arith.subf %add3A_1252, %sub3A_1256 : vector<211x1xf32>
      %exp3A_1258 = math.exp %sub3A_1257 : vector<211x1xf32>
      %reduce_sum3A_1259 = arith.constant dense<0.000000e+00> : vector<1xf32>
      %reduce_sum3A_1260 = vector.multi_reduction <add>, %exp3A_1258, %reduce_sum3A_1259 [0] : vector<211x1xf32> to vector<1xf32>
      %broadcast_in_dim3A_1261 = vector.shape_cast %reduce_sum3A_1260 : vector<1xf32> to vector<1x1xf32>
      %div3A_1262 = vector.broadcast %broadcast_in_dim3A_1261 : vector<1x1xf32> to vector<211x1xf32>
      %div3A_1263 = arith.divf %exp3A_1258, %div3A_1262 : vector<211x1xf32>
      %mul3A_1264 = vector.broadcast %div3A_1263 : vector<211x1xf32> to vector<211x256xf32>
      %mul3A_1265 = arith.mulf %add3A_1214, %mul3A_1264 : vector<211x256xf32>
      %reduce_sum3A_1266 = arith.constant dense<0.000000e+00> : vector<256xf32>
      %reduce_sum3A_1267 = vector.multi_reduction <add>, %mul3A_1265, %reduce_sum3A_1266 [0] : vector<211x256xf32> to vector<256xf32>
      %broadcast_in_dim3A_1268 = vector.shape_cast %reduce_sum3A_1267 : vector<256xf32> to vector<1x256xf32>
      %mul3A_1269 = vector.broadcast %broadcast_in_dim3A_1268 : vector<1x256xf32> to vector<256x256xf32>
      %mul3A_1270 = arith.mulf %exp3A_1236, %mul3A_1269 : vector<256x256xf32>
      %reduce_sum3A_1271 = arith.constant dense<0.000000e+00> : vector<256xf32>
      %reduce_sum3A_1272 = vector.multi_reduction <add>, %mul3A_1270, %reduce_sum3A_1271 [1] : vector<256x256xf32> to vector<256xf32>
      %broadcast_in_dim3A_1273 = vector.shape_cast %reduce_sum3A_1272 : vector<256xf32> to vector<256x1xf32>
      %div3A_1274 = arith.divf %broadcast_in_dim3A_1273, %broadcast_in_dim3A_1239 : vector<256x1xf32>
      %swap3A_1275 = arith.constant 0 : index
      %swap3A_1276 = arith.constant 0 : index
      %swap3A_1277 = arith.constant 12 : index
      %swap3A_1278 = vector.load %arg22[%swap3A_1275, %swap3A_1276, %swap3A_1277] : memref<1x256x16xf32, #tpu.memory_space<vmem>>, vector<1x256x1xf32>
      %swap3A_1279 = vector.shape_cast %swap3A_1278 : vector<1x256x1xf32> to vector<256x1xf32>
      %swap3A_1280 = vector.shape_cast %div3A_1274 : vector<256x1xf32> to vector<1x256x1xf32>
      tpu.vector_store %arg22[%swap3A_1275, %swap3A_1276, %swap3A_1277], %swap3A_1280 {strides = array<i32>} : memref<1x256x16xf32, #tpu.memory_space<vmem>>, vector<1x256x1xf32>,
      %get3A_1281 = arith.constant 13 : index
      %get3A_1282 = arith.constant 0 : index
      %get3A_1283 = arith.constant 0 : index
      %get3A_1284 = vector.load %arg11[%get3A_1281, %get3A_1282, %get3A_1283] : memref<16x211x16xf32, #tpu.memory_space<vmem>>, vector<1x211x16xf32>
      %get3A_1285 = vector.shape_cast %get3A_1284 : vector<1x211x16xf32> to vector<211x16xf32>
      %dot_general3A_1286 = arith.constant dense<0.000000e+00> : vector<211x64xf32>
      %dot_general3A_1287 = tpu.matmul %get3A_1285, %convert_element_type3A_32, %dot_general3A_1286 {dimension_numbers = #tpu.dot_dimension_numbers<[1], [0], [0], [1], [0, 0, 1, 1], [], []>, transpose_lhs_hint = false} : vector<211x16xf32>, vector<16x64xf32>, vector<211x64xf32> -> vector<211x64xf32>
      %mul3A_1288 = vector.broadcast %get3A_43 : vector<1x64xf32> to vector<211x64xf32>
      %mul3A_1289 = arith.mulf %dot_general3A_1287, %mul3A_1288 : vector<211x64xf32>
      %add3A_1290 = vector.broadcast %get3A_46 : vector<1x64xf32> to vector<211x64xf32>
      %add3A_1291 = arith.addf %mul3A_1289, %add3A_1290 : vector<211x64xf32>
      %tanh3A_1292 = math.tanh %add3A_1291 : vector<211x64xf32>
      %get3A_1293 = arith.constant 0 : index
      %get3A_1294 = arith.constant 0 : index
      %get3A_1295 = arith.constant 13 : index
      %get3A_1296 = vector.load %arg12[%get3A_1293, %get3A_1294, %get3A_1295] : memref<1x211x16xf32, #tpu.memory_space<vmem>>, vector<1x211x1xf32>
      %get3A_1297 = vector.shape_cast %get3A_1296 : vector<1x211x1xf32> to vector<211x1xf32>
      %mul3A_1298 = vector.broadcast %get3A_1297 : vector<211x1xf32> to vector<211x64xf32>
      %mul3A_1299 = vector.broadcast %get3A_49 : vector<1x64xf32> to vector<211x64xf32>
      %mul3A_1300 = arith.mulf %mul3A_1298, %mul3A_1299 : vector<211x64xf32>
      %add3A_1301 = vector.broadcast %get3A_52 : vector<1x64xf32> to vector<211x64xf32>
      %add3A_1302 = arith.addf %mul3A_1300, %add3A_1301 : vector<211x64xf32>
      %tanh3A_1303 = math.tanh %add3A_1302 : vector<211x64xf32>
      %concatenate3A_1304 = tpu.concatenate %tanh3A_1292, %tanh3A_1303 in 1 : vector<211x64xf32>, vector<211x64xf32> -> vector<211x128xf32>
      %dot_general3A_1305 = arith.constant dense<0.000000e+00> : vector<211x256xf32>
      %dot_general3A_1306 = tpu.matmul %concatenate3A_1304, %get3A_34, %dot_general3A_1305 {dimension_numbers = #tpu.dot_dimension_numbers<[1], [0], [0], [1], [0, 0, 1, 1], [], []>, transpose_lhs_hint = false} : vector<211x128xf32>, vector<128x256xf32>, vector<211x256xf32> -> vector<211x256xf32>
      %add3A_1307 = vector.broadcast %get3A_40 : vector<1x256xf32> to vector<211x256xf32>
      %add3A_1308 = arith.addf %dot_general3A_1306, %add3A_1307 : vector<211x256xf32>
      %mul3A_1309 = vector.broadcast %get3A_55 : vector<211x1xf32> to vector<211x256xf32>
      %mul3A_1310 = arith.mulf %add3A_1308, %mul3A_1309 : vector<211x256xf32>
      %reduce_sum3A_1311 = arith.constant dense<0.000000e+00> : vector<256xf32>
      %reduce_sum3A_1312 = vector.multi_reduction <add>, %mul3A_1310, %reduce_sum3A_1311 [0] : vector<211x256xf32> to vector<256xf32>
      %broadcast_in_dim3A_1313 = vector.shape_cast %reduce_sum3A_1312 : vector<256xf32> to vector<1x256xf32>
      %add3A_1314 = vector.broadcast %get3A_58 : vector<1x1xf32> to vector<1x256xf32>
      %add3A_1315 = arith.addf %broadcast_in_dim3A_1313, %add3A_1314 : vector<1x256xf32>
      %slice3A_1316 = vector.extract_strided_slice %add3A_1315 {offsets = [0, 0], sizes = [1, 255], strides = [1, 1]} : vector<1x256xf32> to vector<1x255xf32>
      %concatenate3A_1317 = tpu.concatenate %broadcast_in_dim3A_68, %slice3A_1316 in 1 : vector<1x1xf32>, vector<1x255xf32> -> vector<1x256xf32>
      %slice3A_1318 = vector.extract_strided_slice %add3A_1315 {offsets = [0, 1], sizes = [1, 255], strides = [1, 1]} : vector<1x256xf32> to vector<1x255xf32>
      %concatenate3A_1319 = tpu.concatenate %slice3A_1318, %broadcast_in_dim3A_68 in 1 : vector<1x255xf32>, vector<1x1xf32> -> vector<1x256xf32>
      %concatenate3A_1320 = tpu.concatenate %concatenate3A_1317, %add3A_1315, %concatenate3A_1319 in 0 : vector<1x256xf32>, vector<1x256xf32>, vector<1x256xf32> -> vector<3x256xf32>
      %dot_general3A_1321 = arith.constant dense<0.000000e+00> : vector<256x256xf32>
      %dot_general3A_1322 = tpu.matmul %get3A_37, %concatenate3A_1320, %dot_general3A_1321 {dimension_numbers = #tpu.dot_dimension_numbers<[1], [0], [0], [1], [0, 0, 1, 1], [], []>, transpose_lhs_hint = false} : vector<256x3xf32>, vector<3x256xf32>, vector<256x256xf32> -> vector<256x256xf32>
      %add3A_1323 = vector.broadcast %get3A_61 : vector<256x1xf32> to vector<256x256xf32>
      %add3A_1324 = arith.addf %dot_general3A_1322, %add3A_1323 : vector<256x256xf32>
      %reduce_max3A_1325 = arith.constant dense<0xFF800000> : vector<256xf32>
      %reduce_max3A_1326 = vector.multi_reduction <maximumf>, %add3A_1324, %reduce_max3A_1325 [1] : vector<256x256xf32> to vector<256xf32>
      %broadcast_in_dim3A_1327 = vector.shape_cast %reduce_max3A_1326 : vector<256xf32> to vector<256x1xf32>
      %sub3A_1328 = vector.broadcast %broadcast_in_dim3A_1327 : vector<256x1xf32> to vector<256x256xf32>
      %sub3A_1329 = arith.subf %add3A_1324, %sub3A_1328 : vector<256x256xf32>
      %exp3A_1330 = math.exp %sub3A_1329 : vector<256x256xf32>
      %reduce_sum3A_1331 = arith.constant dense<0.000000e+00> : vector<256xf32>
      %reduce_sum3A_1332 = vector.multi_reduction <add>, %exp3A_1330, %reduce_sum3A_1331 [1] : vector<256x256xf32> to vector<256xf32>
      %broadcast_in_dim3A_1333 = vector.shape_cast %reduce_sum3A_1332 : vector<256xf32> to vector<256x1xf32>
      %div3A_1334 = arith.divf %get3A_64, %broadcast_in_dim3A_1333 : vector<256x1xf32>
      %mul3A_1335 = vector.broadcast %div3A_1334 : vector<256x1xf32> to vector<256x256xf32>
      %mul3A_1336 = arith.mulf %exp3A_1330, %mul3A_1335 : vector<256x256xf32>
      %reduce_sum3A_1337 = arith.constant dense<0.000000e+00> : vector<256xf32>
      %reduce_sum3A_1338 = vector.multi_reduction <add>, %mul3A_1336, %reduce_sum3A_1337 [0] : vector<256x256xf32> to vector<256xf32>
      %broadcast_in_dim3A_1339 = vector.shape_cast %reduce_sum3A_1338 : vector<256xf32> to vector<1x256xf32>
      %mul3A_1340 = vector.broadcast %broadcast_in_dim3A_1339 : vector<1x256xf32> to vector<211x256xf32>
      %mul3A_1341 = arith.mulf %add3A_1308, %mul3A_1340 : vector<211x256xf32>
      %reduce_sum3A_1342 = arith.constant dense<0.000000e+00> : vector<211xf32>
      %reduce_sum3A_1343 = vector.multi_reduction <add>, %mul3A_1341, %reduce_sum3A_1342 [1] : vector<211x256xf32> to vector<211xf32>
      %broadcast_in_dim3A_1344 = vector.shape_cast %reduce_sum3A_1343 : vector<211xf32> to vector<211x1xf32>
      %add3A_1345 = vector.broadcast %get3A_67 : vector<1x1xf32> to vector<211x1xf32>
      %add3A_1346 = arith.addf %broadcast_in_dim3A_1344, %add3A_1345 : vector<211x1xf32>
      %reduce_max3A_1347 = arith.constant dense<0xFF800000> : vector<1xf32>
      %reduce_max3A_1348 = vector.multi_reduction <maximumf>, %add3A_1346, %reduce_max3A_1347 [0] : vector<211x1xf32> to vector<1xf32>
      %broadcast_in_dim3A_1349 = vector.shape_cast %reduce_max3A_1348 : vector<1xf32> to vector<1x1xf32>
      %sub3A_1350 = vector.broadcast %broadcast_in_dim3A_1349 : vector<1x1xf32> to vector<211x1xf32>
      %sub3A_1351 = arith.subf %add3A_1346, %sub3A_1350 : vector<211x1xf32>
      %exp3A_1352 = math.exp %sub3A_1351 : vector<211x1xf32>
      %reduce_sum3A_1353 = arith.constant dense<0.000000e+00> : vector<1xf32>
      %reduce_sum3A_1354 = vector.multi_reduction <add>, %exp3A_1352, %reduce_sum3A_1353 [0] : vector<211x1xf32> to vector<1xf32>
      %broadcast_in_dim3A_1355 = vector.shape_cast %reduce_sum3A_1354 : vector<1xf32> to vector<1x1xf32>
      %div3A_1356 = vector.broadcast %broadcast_in_dim3A_1355 : vector<1x1xf32> to vector<211x1xf32>
      %div3A_1357 = arith.divf %exp3A_1352, %div3A_1356 : vector<211x1xf32>
      %mul3A_1358 = vector.broadcast %div3A_1357 : vector<211x1xf32> to vector<211x256xf32>
      %mul3A_1359 = arith.mulf %add3A_1308, %mul3A_1358 : vector<211x256xf32>
      %reduce_sum3A_1360 = arith.constant dense<0.000000e+00> : vector<256xf32>
      %reduce_sum3A_1361 = vector.multi_reduction <add>, %mul3A_1359, %reduce_sum3A_1360 [0] : vector<211x256xf32> to vector<256xf32>
      %broadcast_in_dim3A_1362 = vector.shape_cast %reduce_sum3A_1361 : vector<256xf32> to vector<1x256xf32>
      %mul3A_1363 = vector.broadcast %broadcast_in_dim3A_1362 : vector<1x256xf32> to vector<256x256xf32>
      %mul3A_1364 = arith.mulf %exp3A_1330, %mul3A_1363 : vector<256x256xf32>
      %reduce_sum3A_1365 = arith.constant dense<0.000000e+00> : vector<256xf32>
      %reduce_sum3A_1366 = vector.multi_reduction <add>, %mul3A_1364, %reduce_sum3A_1365 [1] : vector<256x256xf32> to vector<256xf32>
      %broadcast_in_dim3A_1367 = vector.shape_cast %reduce_sum3A_1366 : vector<256xf32> to vector<256x1xf32>
      %div3A_1368 = arith.divf %broadcast_in_dim3A_1367, %broadcast_in_dim3A_1333 : vector<256x1xf32>
      %swap3A_1369 = arith.constant 0 : index
      %swap3A_1370 = arith.constant 0 : index
      %swap3A_1371 = arith.constant 13 : index
      %swap3A_1372 = vector.load %arg22[%swap3A_1369, %swap3A_1370, %swap3A_1371] : memref<1x256x16xf32, #tpu.memory_space<vmem>>, vector<1x256x1xf32>
      %swap3A_1373 = vector.shape_cast %swap3A_1372 : vector<1x256x1xf32> to vector<256x1xf32>
      %swap3A_1374 = vector.shape_cast %div3A_1368 : vector<256x1xf32> to vector<1x256x1xf32>
      tpu.vector_store %arg22[%swap3A_1369, %swap3A_1370, %swap3A_1371], %swap3A_1374 {strides = array<i32>} : memref<1x256x16xf32, #tpu.memory_space<vmem>>, vector<1x256x1xf32>,
      %get3A_1375 = arith.constant 14 : index
      %get3A_1376 = arith.constant 0 : index
      %get3A_1377 = arith.constant 0 : index
      %get3A_1378 = vector.load %arg11[%get3A_1375, %get3A_1376, %get3A_1377] : memref<16x211x16xf32, #tpu.memory_space<vmem>>, vector<1x211x16xf32>
      %get3A_1379 = vector.shape_cast %get3A_1378 : vector<1x211x16xf32> to vector<211x16xf32>
      %dot_general3A_1380 = arith.constant dense<0.000000e+00> : vector<211x64xf32>
      %dot_general3A_1381 = tpu.matmul %get3A_1379, %convert_element_type3A_32, %dot_general3A_1380 {dimension_numbers = #tpu.dot_dimension_numbers<[1], [0], [0], [1], [0, 0, 1, 1], [], []>, transpose_lhs_hint = false} : vector<211x16xf32>, vector<16x64xf32>, vector<211x64xf32> -> vector<211x64xf32>
      %mul3A_1382 = vector.broadcast %get3A_43 : vector<1x64xf32> to vector<211x64xf32>
      %mul3A_1383 = arith.mulf %dot_general3A_1381, %mul3A_1382 : vector<211x64xf32>
      %add3A_1384 = vector.broadcast %get3A_46 : vector<1x64xf32> to vector<211x64xf32>
      %add3A_1385 = arith.addf %mul3A_1383, %add3A_1384 : vector<211x64xf32>
      %tanh3A_1386 = math.tanh %add3A_1385 : vector<211x64xf32>
      %get3A_1387 = arith.constant 0 : index
      %get3A_1388 = arith.constant 0 : index
      %get3A_1389 = arith.constant 14 : index
      %get3A_1390 = vector.load %arg12[%get3A_1387, %get3A_1388, %get3A_1389] : memref<1x211x16xf32, #tpu.memory_space<vmem>>, vector<1x211x1xf32>
      %get3A_1391 = vector.shape_cast %get3A_1390 : vector<1x211x1xf32> to vector<211x1xf32>
      %mul3A_1392 = vector.broadcast %get3A_1391 : vector<211x1xf32> to vector<211x64xf32>
      %mul3A_1393 = vector.broadcast %get3A_49 : vector<1x64xf32> to vector<211x64xf32>
      %mul3A_1394 = arith.mulf %mul3A_1392, %mul3A_1393 : vector<211x64xf32>
      %add3A_1395 = vector.broadcast %get3A_52 : vector<1x64xf32> to vector<211x64xf32>
      %add3A_1396 = arith.addf %mul3A_1394, %add3A_1395 : vector<211x64xf32>
      %tanh3A_1397 = math.tanh %add3A_1396 : vector<211x64xf32>
      %concatenate3A_1398 = tpu.concatenate %tanh3A_1386, %tanh3A_1397 in 1 : vector<211x64xf32>, vector<211x64xf32> -> vector<211x128xf32>
      %dot_general3A_1399 = arith.constant dense<0.000000e+00> : vector<211x256xf32>
      %dot_general3A_1400 = tpu.matmul %concatenate3A_1398, %get3A_34, %dot_general3A_1399 {dimension_numbers = #tpu.dot_dimension_numbers<[1], [0], [0], [1], [0, 0, 1, 1], [], []>, transpose_lhs_hint = false} : vector<211x128xf32>, vector<128x256xf32>, vector<211x256xf32> -> vector<211x256xf32>
      %add3A_1401 = vector.broadcast %get3A_40 : vector<1x256xf32> to vector<211x256xf32>
      %add3A_1402 = arith.addf %dot_general3A_1400, %add3A_1401 : vector<211x256xf32>
      %mul3A_1403 = vector.broadcast %get3A_55 : vector<211x1xf32> to vector<211x256xf32>
      %mul3A_1404 = arith.mulf %add3A_1402, %mul3A_1403 : vector<211x256xf32>
      %reduce_sum3A_1405 = arith.constant dense<0.000000e+00> : vector<256xf32>
      %reduce_sum3A_1406 = vector.multi_reduction <add>, %mul3A_1404, %reduce_sum3A_1405 [0] : vector<211x256xf32> to vector<256xf32>
      %broadcast_in_dim3A_1407 = vector.shape_cast %reduce_sum3A_1406 : vector<256xf32> to vector<1x256xf32>
      %add3A_1408 = vector.broadcast %get3A_58 : vector<1x1xf32> to vector<1x256xf32>
      %add3A_1409 = arith.addf %broadcast_in_dim3A_1407, %add3A_1408 : vector<1x256xf32>
      %slice3A_1410 = vector.extract_strided_slice %add3A_1409 {offsets = [0, 0], sizes = [1, 255], strides = [1, 1]} : vector<1x256xf32> to vector<1x255xf32>
      %concatenate3A_1411 = tpu.concatenate %broadcast_in_dim3A_68, %slice3A_1410 in 1 : vector<1x1xf32>, vector<1x255xf32> -> vector<1x256xf32>
      %slice3A_1412 = vector.extract_strided_slice %add3A_1409 {offsets = [0, 1], sizes = [1, 255], strides = [1, 1]} : vector<1x256xf32> to vector<1x255xf32>
      %concatenate3A_1413 = tpu.concatenate %slice3A_1412, %broadcast_in_dim3A_68 in 1 : vector<1x255xf32>, vector<1x1xf32> -> vector<1x256xf32>
      %concatenate3A_1414 = tpu.concatenate %concatenate3A_1411, %add3A_1409, %concatenate3A_1413 in 0 : vector<1x256xf32>, vector<1x256xf32>, vector<1x256xf32> -> vector<3x256xf32>
      %dot_general3A_1415 = arith.constant dense<0.000000e+00> : vector<256x256xf32>
      %dot_general3A_1416 = tpu.matmul %get3A_37, %concatenate3A_1414, %dot_general3A_1415 {dimension_numbers = #tpu.dot_dimension_numbers<[1], [0], [0], [1], [0, 0, 1, 1], [], []>, transpose_lhs_hint = false} : vector<256x3xf32>, vector<3x256xf32>, vector<256x256xf32> -> vector<256x256xf32>
      %add3A_1417 = vector.broadcast %get3A_61 : vector<256x1xf32> to vector<256x256xf32>
      %add3A_1418 = arith.addf %dot_general3A_1416, %add3A_1417 : vector<256x256xf32>
      %reduce_max3A_1419 = arith.constant dense<0xFF800000> : vector<256xf32>
      %reduce_max3A_1420 = vector.multi_reduction <maximumf>, %add3A_1418, %reduce_max3A_1419 [1] : vector<256x256xf32> to vector<256xf32>
      %broadcast_in_dim3A_1421 = vector.shape_cast %reduce_max3A_1420 : vector<256xf32> to vector<256x1xf32>
      %sub3A_1422 = vector.broadcast %broadcast_in_dim3A_1421 : vector<256x1xf32> to vector<256x256xf32>
      %sub3A_1423 = arith.subf %add3A_1418, %sub3A_1422 : vector<256x256xf32>
      %exp3A_1424 = math.exp %sub3A_1423 : vector<256x256xf32>
      %reduce_sum3A_1425 = arith.constant dense<0.000000e+00> : vector<256xf32>
      %reduce_sum3A_1426 = vector.multi_reduction <add>, %exp3A_1424, %reduce_sum3A_1425 [1] : vector<256x256xf32> to vector<256xf32>
      %broadcast_in_dim3A_1427 = vector.shape_cast %reduce_sum3A_1426 : vector<256xf32> to vector<256x1xf32>
      %div3A_1428 = arith.divf %get3A_64, %broadcast_in_dim3A_1427 : vector<256x1xf32>
      %mul3A_1429 = vector.broadcast %div3A_1428 : vector<256x1xf32> to vector<256x256xf32>
      %mul3A_1430 = arith.mulf %exp3A_1424, %mul3A_1429 : vector<256x256xf32>
      %reduce_sum3A_1431 = arith.constant dense<0.000000e+00> : vector<256xf32>
      %reduce_sum3A_1432 = vector.multi_reduction <add>, %mul3A_1430, %reduce_sum3A_1431 [0] : vector<256x256xf32> to vector<256xf32>
      %broadcast_in_dim3A_1433 = vector.shape_cast %reduce_sum3A_1432 : vector<256xf32> to vector<1x256xf32>
      %mul3A_1434 = vector.broadcast %broadcast_in_dim3A_1433 : vector<1x256xf32> to vector<211x256xf32>
      %mul3A_1435 = arith.mulf %add3A_1402, %mul3A_1434 : vector<211x256xf32>
      %reduce_sum3A_1436 = arith.constant dense<0.000000e+00> : vector<211xf32>
      %reduce_sum3A_1437 = vector.multi_reduction <add>, %mul3A_1435, %reduce_sum3A_1436 [1] : vector<211x256xf32> to vector<211xf32>
      %broadcast_in_dim3A_1438 = vector.shape_cast %reduce_sum3A_1437 : vector<211xf32> to vector<211x1xf32>
      %add3A_1439 = vector.broadcast %get3A_67 : vector<1x1xf32> to vector<211x1xf32>
      %add3A_1440 = arith.addf %broadcast_in_dim3A_1438, %add3A_1439 : vector<211x1xf32>
      %reduce_max3A_1441 = arith.constant dense<0xFF800000> : vector<1xf32>
      %reduce_max3A_1442 = vector.multi_reduction <maximumf>, %add3A_1440, %reduce_max3A_1441 [0] : vector<211x1xf32> to vector<1xf32>
      %broadcast_in_dim3A_1443 = vector.shape_cast %reduce_max3A_1442 : vector<1xf32> to vector<1x1xf32>
      %sub3A_1444 = vector.broadcast %broadcast_in_dim3A_1443 : vector<1x1xf32> to vector<211x1xf32>
      %sub3A_1445 = arith.subf %add3A_1440, %sub3A_1444 : vector<211x1xf32>
      %exp3A_1446 = math.exp %sub3A_1445 : vector<211x1xf32>
      %reduce_sum3A_1447 = arith.constant dense<0.000000e+00> : vector<1xf32>
      %reduce_sum3A_1448 = vector.multi_reduction <add>, %exp3A_1446, %reduce_sum3A_1447 [0] : vector<211x1xf32> to vector<1xf32>
      %broadcast_in_dim3A_1449 = vector.shape_cast %reduce_sum3A_1448 : vector<1xf32> to vector<1x1xf32>
      %div3A_1450 = vector.broadcast %broadcast_in_dim3A_1449 : vector<1x1xf32> to vector<211x1xf32>
      %div3A_1451 = arith.divf %exp3A_1446, %div3A_1450 : vector<211x1xf32>
      %mul3A_1452 = vector.broadcast %div3A_1451 : vector<211x1xf32> to vector<211x256xf32>
      %mul3A_1453 = arith.mulf %add3A_1402, %mul3A_1452 : vector<211x256xf32>
      %reduce_sum3A_1454 = arith.constant dense<0.000000e+00> : vector<256xf32>
      %reduce_sum3A_1455 = vector.multi_reduction <add>, %mul3A_1453, %reduce_sum3A_1454 [0] : vector<211x256xf32> to vector<256xf32>
      %broadcast_in_dim3A_1456 = vector.shape_cast %reduce_sum3A_1455 : vector<256xf32> to vector<1x256xf32>
      %mul3A_1457 = vector.broadcast %broadcast_in_dim3A_1456 : vector<1x256xf32> to vector<256x256xf32>
      %mul3A_1458 = arith.mulf %exp3A_1424, %mul3A_1457 : vector<256x256xf32>
      %reduce_sum3A_1459 = arith.constant dense<0.000000e+00> : vector<256xf32>
      %reduce_sum3A_1460 = vector.multi_reduction <add>, %mul3A_1458, %reduce_sum3A_1459 [1] : vector<256x256xf32> to vector<256xf32>
      %broadcast_in_dim3A_1461 = vector.shape_cast %reduce_sum3A_1460 : vector<256xf32> to vector<256x1xf32>
      %div3A_1462 = arith.divf %broadcast_in_dim3A_1461, %broadcast_in_dim3A_1427 : vector<256x1xf32>
      %swap3A_1463 = arith.constant 0 : index
      %swap3A_1464 = arith.constant 0 : index
      %swap3A_1465 = arith.constant 14 : index
      %swap3A_1466 = vector.load %arg22[%swap3A_1463, %swap3A_1464, %swap3A_1465] : memref<1x256x16xf32, #tpu.memory_space<vmem>>, vector<1x256x1xf32>
      %swap3A_1467 = vector.shape_cast %swap3A_1466 : vector<1x256x1xf32> to vector<256x1xf32>
      %swap3A_1468 = vector.shape_cast %div3A_1462 : vector<256x1xf32> to vector<1x256x1xf32>
      tpu.vector_store %arg22[%swap3A_1463, %swap3A_1464, %swap3A_1465], %swap3A_1468 {strides = array<i32>} : memref<1x256x16xf32, #tpu.memory_space<vmem>>, vector<1x256x1xf32>,
      %get3A_1469 = arith.constant 15 : index
      %get3A_1470 = arith.constant 0 : index
      %get3A_1471 = arith.constant 0 : index
      %get3A_1472 = vector.load %arg11[%get3A_1469, %get3A_1470, %get3A_1471] : memref<16x211x16xf32, #tpu.memory_space<vmem>>, vector<1x211x16xf32>
      %get3A_1473 = vector.shape_cast %get3A_1472 : vector<1x211x16xf32> to vector<211x16xf32>
      %dot_general3A_1474 = arith.constant dense<0.000000e+00> : vector<211x64xf32>
      %dot_general3A_1475 = tpu.matmul %get3A_1473, %convert_element_type3A_32, %dot_general3A_1474 {dimension_numbers = #tpu.dot_dimension_numbers<[1], [0], [0], [1], [0, 0, 1, 1], [], []>, transpose_lhs_hint = false} : vector<211x16xf32>, vector<16x64xf32>, vector<211x64xf32> -> vector<211x64xf32>
      %mul3A_1476 = vector.broadcast %get3A_43 : vector<1x64xf32> to vector<211x64xf32>
      %mul3A_1477 = arith.mulf %dot_general3A_1475, %mul3A_1476 : vector<211x64xf32>
      %add3A_1478 = vector.broadcast %get3A_46 : vector<1x64xf32> to vector<211x64xf32>
      %add3A_1479 = arith.addf %mul3A_1477, %add3A_1478 : vector<211x64xf32>
      %tanh3A_1480 = math.tanh %add3A_1479 : vector<211x64xf32>
      %get3A_1481 = arith.constant 0 : index
      %get3A_1482 = arith.constant 0 : index
      %get3A_1483 = arith.constant 15 : index
      %get3A_1484 = vector.load %arg12[%get3A_1481, %get3A_1482, %get3A_1483] : memref<1x211x16xf32, #tpu.memory_space<vmem>>, vector<1x211x1xf32>
      %get3A_1485 = vector.shape_cast %get3A_1484 : vector<1x211x1xf32> to vector<211x1xf32>
      %mul3A_1486 = vector.broadcast %get3A_1485 : vector<211x1xf32> to vector<211x64xf32>
      %mul3A_1487 = vector.broadcast %get3A_49 : vector<1x64xf32> to vector<211x64xf32>
      %mul3A_1488 = arith.mulf %mul3A_1486, %mul3A_1487 : vector<211x64xf32>
      %add3A_1489 = vector.broadcast %get3A_52 : vector<1x64xf32> to vector<211x64xf32>
      %add3A_1490 = arith.addf %mul3A_1488, %add3A_1489 : vector<211x64xf32>
      %tanh3A_1491 = math.tanh %add3A_1490 : vector<211x64xf32>
      %concatenate3A_1492 = tpu.concatenate %tanh3A_1480, %tanh3A_1491 in 1 : vector<211x64xf32>, vector<211x64xf32> -> vector<211x128xf32>
      %dot_general3A_1493 = arith.constant dense<0.000000e+00> : vector<211x256xf32>
      %dot_general3A_1494 = tpu.matmul %concatenate3A_1492, %get3A_34, %dot_general3A_1493 {dimension_numbers = #tpu.dot_dimension_numbers<[1], [0], [0], [1], [0, 0, 1, 1], [], []>, transpose_lhs_hint = false} : vector<211x128xf32>, vector<128x256xf32>, vector<211x256xf32> -> vector<211x256xf32>
      %add3A_1495 = vector.broadcast %get3A_40 : vector<1x256xf32> to vector<211x256xf32>
      %add3A_1496 = arith.addf %dot_general3A_1494, %add3A_1495 : vector<211x256xf32>
      %mul3A_1497 = vector.broadcast %get3A_55 : vector<211x1xf32> to vector<211x256xf32>
      %mul3A_1498 = arith.mulf %add3A_1496, %mul3A_1497 : vector<211x256xf32>
      %reduce_sum3A_1499 = arith.constant dense<0.000000e+00> : vector<256xf32>
      %reduce_sum3A_1500 = vector.multi_reduction <add>, %mul3A_1498, %reduce_sum3A_1499 [0] : vector<211x256xf32> to vector<256xf32>
      %broadcast_in_dim3A_1501 = vector.shape_cast %reduce_sum3A_1500 : vector<256xf32> to vector<1x256xf32>
      %add3A_1502 = vector.broadcast %get3A_58 : vector<1x1xf32> to vector<1x256xf32>
      %add3A_1503 = arith.addf %broadcast_in_dim3A_1501, %add3A_1502 : vector<1x256xf32>
      %slice3A_1504 = vector.extract_strided_slice %add3A_1503 {offsets = [0, 0], sizes = [1, 255], strides = [1, 1]} : vector<1x256xf32> to vector<1x255xf32>
      %concatenate3A_1505 = tpu.concatenate %broadcast_in_dim3A_68, %slice3A_1504 in 1 : vector<1x1xf32>, vector<1x255xf32> -> vector<1x256xf32>
      %slice3A_1506 = vector.extract_strided_slice %add3A_1503 {offsets = [0, 1], sizes = [1, 255], strides = [1, 1]} : vector<1x256xf32> to vector<1x255xf32>
      %concatenate3A_1507 = tpu.concatenate %slice3A_1506, %broadcast_in_dim3A_68 in 1 : vector<1x255xf32>, vector<1x1xf32> -> vector<1x256xf32>
      %concatenate3A_1508 = tpu.concatenate %concatenate3A_1505, %add3A_1503, %concatenate3A_1507 in 0 : vector<1x256xf32>, vector<1x256xf32>, vector<1x256xf32> -> vector<3x256xf32>
      %dot_general3A_1509 = arith.constant dense<0.000000e+00> : vector<256x256xf32>
      %dot_general3A_1510 = tpu.matmul %get3A_37, %concatenate3A_1508, %dot_general3A_1509 {dimension_numbers = #tpu.dot_dimension_numbers<[1], [0], [0], [1], [0, 0, 1, 1], [], []>, transpose_lhs_hint = false} : vector<256x3xf32>, vector<3x256xf32>, vector<256x256xf32> -> vector<256x256xf32>
      %add3A_1511 = vector.broadcast %get3A_61 : vector<256x1xf32> to vector<256x256xf32>
      %add3A_1512 = arith.addf %dot_general3A_1510, %add3A_1511 : vector<256x256xf32>
      %reduce_max3A_1513 = arith.constant dense<0xFF800000> : vector<256xf32>
      %reduce_max3A_1514 = vector.multi_reduction <maximumf>, %add3A_1512, %reduce_max3A_1513 [1] : vector<256x256xf32> to vector<256xf32>
      %broadcast_in_dim3A_1515 = vector.shape_cast %reduce_max3A_1514 : vector<256xf32> to vector<256x1xf32>
      %sub3A_1516 = vector.broadcast %broadcast_in_dim3A_1515 : vector<256x1xf32> to vector<256x256xf32>
      %sub3A_1517 = arith.subf %add3A_1512, %sub3A_1516 : vector<256x256xf32>
      %exp3A_1518 = math.exp %sub3A_1517 : vector<256x256xf32>
      %reduce_sum3A_1519 = arith.constant dense<0.000000e+00> : vector<256xf32>
      %reduce_sum3A_1520 = vector.multi_reduction <add>, %exp3A_1518, %reduce_sum3A_1519 [1] : vector<256x256xf32> to vector<256xf32>
      %broadcast_in_dim3A_1521 = vector.shape_cast %reduce_sum3A_1520 : vector<256xf32> to vector<256x1xf32>
      %div3A_1522 = arith.divf %get3A_64, %broadcast_in_dim3A_1521 : vector<256x1xf32>
      %mul3A_1523 = vector.broadcast %div3A_1522 : vector<256x1xf32> to vector<256x256xf32>
      %mul3A_1524 = arith.mulf %exp3A_1518, %mul3A_1523 : vector<256x256xf32>
      %reduce_sum3A_1525 = arith.constant dense<0.000000e+00> : vector<256xf32>
      %reduce_sum3A_1526 = vector.multi_reduction <add>, %mul3A_1524, %reduce_sum3A_1525 [0] : vector<256x256xf32> to vector<256xf32>
      %broadcast_in_dim3A_1527 = vector.shape_cast %reduce_sum3A_1526 : vector<256xf32> to vector<1x256xf32>
      %mul3A_1528 = vector.broadcast %broadcast_in_dim3A_1527 : vector<1x256xf32> to vector<211x256xf32>
      %mul3A_1529 = arith.mulf %add3A_1496, %mul3A_1528 : vector<211x256xf32>
      %reduce_sum3A_1530 = arith.constant dense<0.000000e+00> : vector<211xf32>
      %reduce_sum3A_1531 = vector.multi_reduction <add>, %mul3A_1529, %reduce_sum3A_1530 [1] : vector<211x256xf32> to vector<211xf32>
      %broadcast_in_dim3A_1532 = vector.shape_cast %reduce_sum3A_1531 : vector<211xf32> to vector<211x1xf32>
      %add3A_1533 = vector.broadcast %get3A_67 : vector<1x1xf32> to vector<211x1xf32>
      %add3A_1534 = arith.addf %broadcast_in_dim3A_1532, %add3A_1533 : vector<211x1xf32>
      %reduce_max3A_1535 = arith.constant dense<0xFF800000> : vector<1xf32>
      %reduce_max3A_1536 = vector.multi_reduction <maximumf>, %add3A_1534, %reduce_max3A_1535 [0] : vector<211x1xf32> to vector<1xf32>
      %broadcast_in_dim3A_1537 = vector.shape_cast %reduce_max3A_1536 : vector<1xf32> to vector<1x1xf32>
      %sub3A_1538 = vector.broadcast %broadcast_in_dim3A_1537 : vector<1x1xf32> to vector<211x1xf32>
      %sub3A_1539 = arith.subf %add3A_1534, %sub3A_1538 : vector<211x1xf32>
      %exp3A_1540 = math.exp %sub3A_1539 : vector<211x1xf32>
      %reduce_sum3A_1541 = arith.constant dense<0.000000e+00> : vector<1xf32>
      %reduce_sum3A_1542 = vector.multi_reduction <add>, %exp3A_1540, %reduce_sum3A_1541 [0] : vector<211x1xf32> to vector<1xf32>
      %broadcast_in_dim3A_1543 = vector.shape_cast %reduce_sum3A_1542 : vector<1xf32> to vector<1x1xf32>
      %div3A_1544 = vector.broadcast %broadcast_in_dim3A_1543 : vector<1x1xf32> to vector<211x1xf32>
      %div3A_1545 = arith.divf %exp3A_1540, %div3A_1544 : vector<211x1xf32>
      %mul3A_1546 = vector.broadcast %div3A_1545 : vector<211x1xf32> to vector<211x256xf32>
      %mul3A_1547 = arith.mulf %add3A_1496, %mul3A_1546 : vector<211x256xf32>
      %reduce_sum3A_1548 = arith.constant dense<0.000000e+00> : vector<256xf32>
      %reduce_sum3A_1549 = vector.multi_reduction <add>, %mul3A_1547, %reduce_sum3A_1548 [0] : vector<211x256xf32> to vector<256xf32>
      %broadcast_in_dim3A_1550 = vector.shape_cast %reduce_sum3A_1549 : vector<256xf32> to vector<1x256xf32>
      %mul3A_1551 = vector.broadcast %broadcast_in_dim3A_1550 : vector<1x256xf32> to vector<256x256xf32>
      %mul3A_1552 = arith.mulf %exp3A_1518, %mul3A_1551 : vector<256x256xf32>
      %reduce_sum3A_1553 = arith.constant dense<0.000000e+00> : vector<256xf32>
      %reduce_sum3A_1554 = vector.multi_reduction <add>, %mul3A_1552, %reduce_sum3A_1553 [1] : vector<256x256xf32> to vector<256xf32>
      %broadcast_in_dim3A_1555 = vector.shape_cast %reduce_sum3A_1554 : vector<256xf32> to vector<256x1xf32>
      %div3A_1556 = arith.divf %broadcast_in_dim3A_1555, %broadcast_in_dim3A_1521 : vector<256x1xf32>
      %swap3A_1557 = arith.constant 0 : index
      %swap3A_1558 = arith.constant 0 : index
      %swap3A_1559 = arith.constant 15 : index
      %swap3A_1560 = vector.load %arg22[%swap3A_1557, %swap3A_1558, %swap3A_1559] : memref<1x256x16xf32, #tpu.memory_space<vmem>>, vector<1x256x1xf32>
      %swap3A_1561 = vector.shape_cast %swap3A_1560 : vector<1x256x1xf32> to vector<256x1xf32>
      %swap3A_1562 = vector.shape_cast %div3A_1556 : vector<256x1xf32> to vector<1x256x1xf32>
      tpu.vector_store %arg22[%swap3A_1557, %swap3A_1558, %swap3A_1559], %swap3A_1562 {strides = array<i32>} : memref<1x256x16xf32, #tpu.memory_space<vmem>>, vector<1x256x1xf32>,
    } else {
    }
    return
  }
  func.func @transform_0(%arg0: i32) -> (i32, i32) {
    %c0_i32 = arith.constant 0 : i32
    %c0_i32_0 = arith.constant 0 : i32
    %c0_i32_1 = arith.constant 0 : i32
    return %c0_i32, %c0_i32_0 : i32, i32
  }
  func.func @transform_1(%arg0: i32) -> (i32, i32) {
    %c0_i32 = arith.constant 0 : i32
    %c0_i32_0 = arith.constant 0 : i32
    %c0_i32_1 = arith.constant 0 : i32
    return %c0_i32, %c0_i32_0 : i32, i32
  }
  func.func @transform_2(%arg0: i32) -> (i32, i32) {
    %c0_i32 = arith.constant 0 : i32
    %c0_i32_0 = arith.constant 0 : i32
    %c0_i32_1 = arith.constant 0 : i32
    return %c0_i32, %c0_i32_0 : i32, i32
  }
  func.func @transform_3(%arg0: i32) -> (i32, i32) {
    %c0_i32 = arith.constant 0 : i32
    %c0_i32_0 = arith.constant 0 : i32
    %c0_i32_1 = arith.constant 0 : i32
    return %c0_i32, %c0_i32_0 : i32, i32
  }
  func.func @transform_4(%arg0: i32) -> (i32, i32, i32) {
    %c0_i32 = arith.constant 0 : i32
    %c0_i32_0 = arith.constant 0 : i32
    %c0_i32_1 = arith.constant 0 : i32
    %c0_i32_2 = arith.constant 0 : i32
    return %c0_i32, %c0_i32_0, %c0_i32_1 : i32, i32, i32
  }
  func.func @transform_5(%arg0: i32) -> (i32, i32, i32) {
    %c0_i32 = arith.constant 0 : i32
    %c0_i32_0 = arith.constant 0 : i32
    %c0_i32_1 = arith.constant 0 : i32
    %c0_i32_2 = arith.constant 0 : i32
    return %c0_i32, %c0_i32_0, %c0_i32_1 : i32, i32, i32
  }
  func.func @transform_6(%arg0: i32) -> (i32, i32, i32) {
    %c0_i32 = arith.constant 0 : i32
    %c0_i32_0 = arith.constant 0 : i32
    %c0_i32_1 = arith.constant 0 : i32
    %c0_i32_2 = arith.constant 0 : i32
    return %c0_i32, %c0_i32_0, %c0_i32_1 : i32, i32, i32
  }
  func.func @transform_7(%arg0: i32) -> (i32, i32, i32) {
    %c0_i32 = arith.constant 0 : i32
    %c0_i32_0 = arith.constant 0 : i32
    %c0_i32_1 = arith.constant 0 : i32
    %c0_i32_2 = arith.constant 0 : i32
    return %c0_i32, %c0_i32_0, %c0_i32_1 : i32, i32, i32
  }
  func.func @transform_8(%arg0: i32) -> (i32, i32) {
    %c0_i32 = arith.constant 0 : i32
    %c0_i32_0 = arith.constant 0 : i32
    %c0_i32_1 = arith.constant 0 : i32
    return %c0_i32, %c0_i32_0 : i32, i32
  }
  func.func @transform_9(%arg0: i32) -> (i32, i32) {
    %c0_i32 = arith.constant 0 : i32
    %c0_i32_0 = arith.constant 0 : i32
    %c0_i32_1 = arith.constant 0 : i32
    return %c0_i32, %c0_i32_0 : i32, i32
  }
  func.func @transform_10(%arg0: i32) -> (i32, i32, i32) {
    %sub3A = arith.constant 1 : i32
    %sub3A_0 = arith.subi %arg0, %sub3A : i32
    %max3A = arith.constant 0 : i32
    %max3A_1 = arith.maxsi %sub3A_0, %max3A : i32
    %c0_i32 = arith.constant 0 : i32
    %c0_i32_2 = arith.constant 0 : i32
    %c0_i32_3 = arith.constant 0 : i32
    return %max3A_1, %c0_i32, %c0_i32_2 : i32, i32, i32
  }
  func.func @transform_11(%arg0: i32) -> (i32, i32, i32) {
    %sub3A = arith.constant 1 : i32
    %sub3A_0 = arith.subi %arg0, %sub3A : i32
    %max3A = arith.constant 0 : i32
    %max3A_1 = arith.maxsi %sub3A_0, %max3A : i32
    %c0_i32 = arith.constant 0 : i32
    %c0_i32_2 = arith.constant 0 : i32
    %c0_i32_3 = arith.constant 0 : i32
    return %max3A_1, %c0_i32, %c0_i32_2 : i32, i32, i32
  }
  func.func @transform_12(%arg0: i32) -> (i32, i32) {
    %c0_i32 = arith.constant 0 : i32
    %c0_i32_0 = arith.constant 0 : i32
    %c0_i32_1 = arith.constant 0 : i32
    return %c0_i32, %c0_i32_0 : i32, i32
  }
  func.func @transform_13(%arg0: i32) -> (i32, i32) {
    %c0_i32 = arith.constant 0 : i32
    %c0_i32_0 = arith.constant 0 : i32
    %c0_i32_1 = arith.constant 0 : i32
    return %c0_i32, %c0_i32_0 : i32, i32
  }
  func.func @transform_14(%arg0: i32) -> (i32, i32) {
    %c0_i32 = arith.constant 0 : i32
    %c0_i32_0 = arith.constant 0 : i32
    %c0_i32_1 = arith.constant 0 : i32
    return %c0_i32, %c0_i32_0 : i32, i32
  }
  func.func @transform_15(%arg0: i32) -> (i32, i32) {
    %c0_i32 = arith.constant 0 : i32
    %c0_i32_0 = arith.constant 0 : i32
    %c0_i32_1 = arith.constant 0 : i32
    return %c0_i32, %c0_i32_0 : i32, i32
  }
  func.func @transform_16(%arg0: i32) -> (i32, i32) {
    %c0_i32 = arith.constant 0 : i32
    %c0_i32_0 = arith.constant 0 : i32
    %c0_i32_1 = arith.constant 0 : i32
    return %c0_i32, %c0_i32_0 : i32, i32
  }
  func.func @transform_17(%arg0: i32) -> (i32, i32) {
    %c0_i32 = arith.constant 0 : i32
    %c0_i32_0 = arith.constant 0 : i32
    %c0_i32_1 = arith.constant 0 : i32
    return %c0_i32, %c0_i32_0 : i32, i32
  }
  func.func @transform_18(%arg0: i32) -> (i32, i32) {
    %c0_i32 = arith.constant 0 : i32
    %c0_i32_0 = arith.constant 0 : i32
    %c0_i32_1 = arith.constant 0 : i32
    return %c0_i32, %c0_i32_0 : i32, i32
  }
  func.func @transform_19(%arg0: i32) -> (i32, i32) {
    %c0_i32 = arith.constant 0 : i32
    %c0_i32_0 = arith.constant 0 : i32
    %c0_i32_1 = arith.constant 0 : i32
    return %c0_i32, %c0_i32_0 : i32, i32
  }
  func.func @transform_20(%arg0: i32) -> (i32, i32) {
    %c0_i32 = arith.constant 0 : i32
    %c0_i32_0 = arith.constant 0 : i32
    %c0_i32_1 = arith.constant 0 : i32
    return %c0_i32, %c0_i32_0 : i32, i32
  }
  func.func @transform_21(%arg0: i32) -> (i32, i32, i32) {
    %sub3A = arith.constant 1 : i32
    %sub3A_0 = arith.subi %arg0, %sub3A : i32
    %max3A = arith.constant 0 : i32
    %max3A_1 = arith.maxsi %sub3A_0, %max3A : i32
    %c0_i32 = arith.constant 0 : i32
    %c0_i32_2 = arith.constant 0 : i32
    %c0_i32_3 = arith.constant 0 : i32
    return %max3A_1, %c0_i32, %c0_i32_2 : i32, i32, i32
  }
}

</mosaic_0001>

<sc_bundles>
// kernel: kernel.5.cloned.1.call-start
scs
__scs_entry_jumppad:
0x0: {  	(pc) =	sbr.rel $0x88, $3  }
0x1: {  	(tag) =	ssettag $0x0;
	lr =	simm.s32 $0x1  }
0x2: {  	[smem:$0x3F7C] =	sst lr;
	_ =	strace $0xD0000000  }
0x3: {  	_ = 	snop  }
0x4: {  	_ = 	snop  }
0x5: {  	_ = 	snop  }
0x6: {  	_ = 	snop  }
0x7: {  	_ = 	snop  }
__scs_overlays_trampoline_lowered:
0x8: {  	[smem:$0x3F8B] =	sst s0  }
0x9: {  	[smem:$0x3F8C] =	sst s1  }
0xa: {  	[smem:$0x3F8D] =	sst s2  }
0xb: {  	[smem:$0x3F8E] =	sst s3  }
0xc: {  	[smem:$0x3F8F] =	sst s4  }
0xd: {  	[smem:$0x3F90] =	sst s5  }
0xe: {  	[smem:$0x3F91] =	sst s6  }
0xf: {  	[smem:$0x3F92] =	sst s7  }
0x10: {  	[smem:$0x3F93] =	sst s8  }
0x11: {  	[smem:$0x3F94] =	sst s9;
	s0 =	simm.s32 @!p0 $0x0  }
0x12: {  	s1 =	sld [smem:$0x3F7A];
	s0 =	simm.s32 @p0 $0x1  }
0x13: {  	[smem:$0x3F95] =	sst s0;
	s0 =	simm.s32 @!p1 $0x0  }
0x14: {  	s2 =	sld [smem:$0x3F79];
	s0 =	simm.s32 @p1 $0x1  }
0x15: {  	[smem:$0x3F96] =	sst s0;
	s0 =	simm.s32 @!p2 $0x0  }
0x16: {  	s3 =	sld [smem:$0x3FDB];
	s0 =	simm.s32 @p2 $0x1  }
0x17: {  	s4 =	simm.s32 $0x1BF5;
	[smem:$0x3F98] =	sst s0  }
0x18: {  	s0 =	sld [smem:$0x3F7B];
	_ =	swait.ge [sflag:s4], $0x0  }
0x19: {  	s7 =	sld [smem:$0x3F7C]  }
0x1a: {  	s8 =	sadd.s32 $0xFFFFE003, lr  }
0x1b: {  	s9 =	sadd.s32 $0xFFFFFEF7, lr;
	s5 =	simm.s32 $0xFFFFFFFF;
	p2 =	slt.u32 s8, $0xFFFFF086  }
0x1c: {  	p1 =	slt.u32 s9, $0xF7A;
	s5 =	simm.s32 @!p2 $0x0  }
0x1d: {  	s5 =	simm.s32 @p1 $0x1;
	p0 =	seq.s32 s7, s2  }
0x1e: {  	s7 =	smul.u32 @!p0 $0xF7A, s2;
	p2 =	seq.s32 @!p0 s5, $0x0  }
0x1f: {  	s9 =	smul.u32 $0xF7A, s1;
	s8 =	simm.s32 @!p0 $0x1BF5;
	p2 =	por !p2, p0  }
0x20: {  	[sflag:s8] =	ssyncset.s32 @!p0 $0xFFFFF086;
	s6 =	sadd.s32 @!p0 s3, s7;
	s7 =	simm.s32 @!p0 $0x108  }
0x21: {  	s3 =	sadd.s32 s3, s9;
	s6 =	sadd.s32 @!p0 $0x88, s6;
	s7 =	simm.s32 @p2 $0x1082  }
0x22: {  	[simem:s7], [sflag:s8] =	dma.local @!p0 [hbm:s6], $0xF7A  }
0x23: {  	s9 =	sor.u32 $0xD0000000, s2;
	s6 =	simm.s32 $0x108;
	_ =	swait.ge @!p0 [sflag:s8], $0x0  }
0x24: {  	s3 =	sadd.s32 $0x88, s3;
	s6 =	simm.s32 @!p1 $0x1082;
	[sflag:s4] =	ssyncset.s32 $0xFFFFF086  }
0x25: {  	[simem:s6], [sflag:s4] =	dma.local [hbm:s3], $0xF7A  }
0x26: {  	[smem:$0x3F7C] =	sst s1;
	(tag) =	ssettag s2;
	_ =	strace s9  }
0x27: {  	s1 =	sld [smem:$0x3F8C]  }
0x28: {  	s2 =	sld [smem:$0x3F8D]  }
0x29: {  	s4 =	sld [smem:$0x3F8F]  }
0x2a: {  	p0 =	seq.s32 s5, $0x0;
	s5 =	sld [smem:$0x3F90]  }
0x2b: {  	s6 =	sld [smem:$0x3F91]  }
0x2c: {  	s7 =	sld [smem:$0x3F92]  }
0x2d: {  	s3 =	simm.s32 $0x108;
	s8 =	sld [smem:$0x3F93]  }
0x2e: {  	s3 =	simm.s32 @!p0 $0x1082;
	s9 =	sld [smem:$0x3F94]  }
0x2f: {  	lr =	sadd.s32 s0, s3;
	s0 =	sld [smem:$0x3F8B]  }
0x30: {  	s3 =	sld [smem:$0x3F8E]  }
0x31: {  	[smem:$0x3F97] =	sst s10  }
0x32: {  	s10 =	sld [smem:$0x3F95];
	_ =	sdelay $0x3  }
0x33: {  	p0 =	seq.s32 s10, $0x1;
	s10 =	sld [smem:$0x3F97];
	_ =	sdelay $0x3  }
0x34: {  	[smem:$0x3F97] =	sst s10  }
0x35: {  	s10 =	sld [smem:$0x3F96];
	_ =	sdelay $0x3  }
0x36: {  	p1 =	seq.s32 s10, $0x1;
	s10 =	sld [smem:$0x3F97];
	_ =	sdelay $0x3  }
0x37: {  	[smem:$0x3F97] =	sst s10  }
0x38: {  	s10 =	sld [smem:$0x3F98]  }
0x39: {  	_ = 	snop;
	(pc) =	sbr.ind lr, $3  }
0x3a: {  	_ = 	snop  }
0x3b: {  	_ = 	snop  }
0x3c: {  	p2 =	seq.s32 s10, $0x1;
	s10 =	sld [smem:$0x3F97]  }
0x3d: {  	_ =	shalt  }
0x3e: {  	_ =	shalt  }
0x3f: {  	_ =	shalt  }
0x40: {  	_ =	shalt  }
0x41: {  	_ =	shalt  }
0x42: {  	_ =	shalt  }
0x43: {  	_ =	shalt  }
0x44: {  	_ =	shalt  }
0x45: {  	_ =	shalt  }
0x46: {  	_ =	shalt  }
0x47: {  	_ =	shalt  }
0x48: {  	_ =	shalt  }
0x49: {  	_ =	shalt  }
0x4a: {  	_ =	shalt  }
0x4b: {  	_ =	shalt  }
0x4c: {  	_ =	shalt  }
0x4d: {  	_ =	shalt  }
0x4e: {  	_ =	shalt  }
0x4f: {  	_ =	shalt  }
0x50: {  	_ =	shalt  }
0x51: {  	_ =	shalt  }
0x52: {  	_ =	shalt  }
0x53: {  	_ =	shalt  }
0x54: {  	_ =	shalt  }
0x55: {  	_ =	shalt  }
0x56: {  	_ =	shalt  }
0x57: {  	_ =	shalt  }
0x58: {  	_ =	shalt  }
0x59: {  	_ =	shalt  }
0x5a: {  	_ =	shalt  }
0x5b: {  	_ =	shalt  }
0x5c: {  	_ =	shalt  }
0x5d: {  	_ =	shalt  }
0x5e: {  	_ =	shalt  }
0x5f: {  	_ =	shalt  }
0x60: {  	_ =	shalt  }
0x61: {  	_ =	shalt  }
0x62: {  	_ =	shalt  }
0x63: {  	_ =	shalt  }
0x64: {  	_ =	shalt  }
0x65: {  	_ =	shalt  }
0x66: {  	_ =	shalt  }
0x67: {  	_ =	shalt  }
0x68: {  	_ =	shalt  }
0x69: {  	_ =	shalt  }
0x6a: {  	_ =	shalt  }
0x6b: {  	_ =	shalt  }
0x6c: {  	_ =	shalt  }
0x6d: {  	_ =	shalt  }
0x6e: {  	_ =	shalt  }
0x6f: {  	_ =	shalt  }
0x70: {  	_ =	shalt  }
0x71: {  	_ =	shalt  }
0x72: {  	_ =	shalt  }
0x73: {  	_ =	shalt  }
0x74: {  	_ =	shalt  }
0x75: {  	_ =	shalt  }
0x76: {  	_ =	shalt  }
0x77: {  	_ =	shalt  }
0x78: {  	_ =	shalt  }
0x79: {  	_ =	shalt  }
0x7a: {  	_ =	shalt  }
0x7b: {  	_ =	shalt  }
0x7c: {  	_ =	shalt  }
0x7d: {  	_ =	shalt  }
0x7e: {  	_ =	shalt  }
0x7f: {  	_ =	shalt  }
0x80: {  	_ =	shalt  }
0x81: {  	_ =	shalt  }
0x82: {  	_ =	shalt  }
0x83: {  	_ =	shalt  }
0x84: {  	_ =	shalt  }
0x85: {  	_ =	shalt  }
0x86: {  	_ =	shalt  }
0x87: {  	_ =	shalt  }
.Lfunc_end0:
.L_simem_size_0:
called_computation_lowered:
.L_overlay_start_0:
0x88: {  	s2 =	sld [smem:$0x3FD9]  }
0x89: {  	s3 =	sld [smem:$0x3FFE];
	_ =	sdelay $0x1  }
0x8a: {  	s1 =	srdreg.scid  }
0x8b: {  	s0 =	sand.u32 $0x1, s1  }
0x8c: {  	s17 =	sshll.u32 s0, $0xA;
	s2 =	sadd.s32 s3, s2  }
0x8d: {  	s2 =	sadd.s32 s2, s17  }
0x8e: {  	[smem:$0x3FA3] =	sst s2  }
0x8f: {  	_ = 	snop  }
0x90: {  	s2 =	sld [smem:$0x3FD0];
	(tm) =	ssettm $0x1  }
0x91: {  	s18 =	sld [smem:$0x3FFB];
	_ =	sdelay $0x3  }
0x92: {  	_ =	strace s18  }
0x93: {  	s3 =	sld [smem:$0x3FFC];
	_ =	sdelay $0x3  }
0x94: {  	_ =	strace s3  }
0x95: {  	s3 =	sld [smem:$0x3FFD];
	_ =	sdelay $0x3  }
0x96: {  	_ =	strace s3  }
0x97: {  	_ =	strace $0x8FFFFFFF  }
0x98: {  	s19 =	sld [smem:$0x3FDB];
	_ =	sdelay $0x1  }
0x99: {  	s4 =	simm.s32 $_scs_section_size  }
0x9a: {  	s5 =	simm.s32 $_size__tile_overlayer_lowered;
	s6 =	simm.s32 $_tile_overlayer_lowered  }
0x9b: {  	s22 =	simm.s32 $0x1BFF;
	s21 =	sshll.u32 s6, $0x1;
	s3 =	sadd.s32 s4, s19  }
0x9c: {  	s7 =	simm.s32 $0x0;
	s20 =	sshll.u32 s5, $0x1;
	s5 =	sadd.s32 s21, s3  }
0x9d: {  	[timem:s7], [sflag:s22] =	dma.local [hbm:s5], s20  }
0x9e: {  	_ =	swait.ge [sflag:s22], s20  }
0x9f: {  	s4 =	ssub.s32 $0x0, s20;
	[sflag:s22] =	ssyncset.done $0x0  }
0xa0: {  	[sflag:s22] =	ssyncadd.s32 s4;
	_ =	sdelay $0x1  }
0xa1: {  	s23 =	simm.s32 $0x1B8B  }
0xa2: {  	_ =	swait.ge [sflag:s23], $0x1  }
0xa3: {  	[sflag:s23] =	ssyncset.done $0x0  }
0xa4: {  	s25 =	simm.s32 $0x1B8E;
	s24 =	sld [smem:$0x3FFE];
	[sflag:s23] =	ssyncadd.s32 $0xFFFFFFFF  }
0xa5: {  	s26 =	simm.s32 $execute0_lowered;
	[smem:$0x3FD2] =	sst s25  }
0xa6: {  	s5 =	sshll.u32 s26, $0x1;
	_ =	strace $0x80000046;
	[dreg:$0x1] =	wrdreg $0xFFFFFFFF  }
0xa7: {  	s28 =	simm.s32 $_size_execute0_lowered;
	s3 =	sadd.s32 s3, s5;
	[dreg:$0x0] =	wrdreg $0x0  }
0xa8: {  	s5 =	sshll.u32 s28, $0x1;
	[dreg:$0x2] =	wrdreg s3  }
0xa9: {  	[dreg:$0x3] =	wrdreg s5  }
0xaa: {  	[dreg:$0x4] =	wrdreg $0xC0  }
0xab: {  	_ =	task [dreg:s7], $0x5FFFF  }
0xac: {  	[dreg:$0x1] =	wrdreg $0xFFFFFFFF  }
0xad: {  	[dreg:$0x0] =	wrdreg $0x60  }
0xae: {  	[dreg:$0x2] =	wrdreg s24  }
0xaf: {  	[dreg:$0x3] =	wrdreg s2  }
0xb0: {  	[dreg:$0x4] =	wrdreg $0x9  }
0xb1: {  	_ =	task.clear_ibuf [dreg:s7], $0x5FFFF;
	_ =	strace $0x90000046  }
0xb2: {  	s29 =	simm.s32 $0x9;
	_ =	strace $0x80000048  }
0xb3: {  	_ =	swait.ge [sflag:s29], $0x1  }
0xb4: {  	[sflag:s29] =	ssyncadd.s32 $0xFFFFFFFF  }
0xb5: {  	_ =	strace $0x90000048  }
0xb6: {  	_ =	sfence  }
0xb7: {  	s30 =	sld [smem:$0x0];
	_ =	sdelay $0x2  }
0xb8: {  	s31 =	sshll.u32 s1, $0xD;
	s1 =	sshrl.u32 s1, $0x2  }
0xb9: {  	s3 =	sand.u32 $0x4000, s31;
	s1 =	sadd.s32 s1, s30  }
0xba: {  	s0 =	sor.u32 s3, s0;
	s1 =	sshll.u32 s1, $0x11  }
0xbb: {  	s0 =	sor.u32 s1, s0  }
0xbc: {  	s0 =	sadd.s32 $0x8F2B, s0  }
0xbd: {  	[sflag:s0] =	ssyncadd.remote.s32 $0x1  }
0xbe: {  	_ =	sfence.sel $0xFFFF  }
0xbf: {  	[dreg:$0x0] =	wrdreg $0xFFFFFFFF;
	(pc) =	sbr.abs _section_cstart, $3  }
0xc0: {  	[dreg:$0x1] =	wrdreg $0xFFFFFFFF  }
0xc1: {  	_ =	task.clear_ibuf [dreg:s7], $0x2FFFF;
	_ =	strace $0x9FFFFFFF  }
0xc2: {  	(tm) =	ssettm $0x7FFFFFFF  }
0xc3: {  	_ =	shalt  }
tec
execute0_lowered:
.L_overlay_start_1:
0x0: {  	(tag) =	ssettag $0x1  }
0x1: {  	s1 =	stileid.u32  }
0x2: {  	p0 =	sgt.u32 s1, $0x4  }
.Ltmp0:
0x3: {  	_ = 	snop;
	(pc) =	sbr.rel @p0 .LBB2_4-.Ltmp0, $4  }
0x4: {  	s9 =	rddreg [dreg:$0x0]  }
0x5: {  	s3 =	rddreg [dreg:$0x1];
	s2 =	simm.s32 $0x0  }
0x6: {  	[smem:$0x7FF] =	sst s2  }
0x7: {  	s0 =	rddreg [dreg:$0x2];
	_ =	strace $0x80000047  }
0x8: {  	s4 =	srdreg.scid  }
0x9: {  	s29 =	sshll.u32 s1, $0x1;
	s5 =	sadd.s32 $0x4200, s9;
	s6 =	sand.u32 $0x1, s4  }
0xa: {  	s7 =	simm.s32 $0x80;
	s8 =	simm.s32 $0x1;
	s10 =	sor.u32 s6, s29  }
0xb: {  	s11 =	ssub.s32 $0x2, s6;
	s4 =	sadd.s32 s3, s10;
	s3 =	simm.s32 $0x2  }
0xc: {  	[tilespmem:s2], [sflag:$0x2] =	stream.linear.gather [hbm4b:s4+s2], $0x8, $0x38;
	[tilespmem:$0x480] =	vst v63  }
0xd: {  	s6 =	simm.s32 $0x8;
	s12 =	sshrl.u32 s11, $0x1;
	_ =	swait.ge [sflag:s3], $0x8  }
0xe: {  	s10 =	sshll.u32 s10, $0x7;
	s31 =	ssub.s32 s11, s12;
	[sflag:s3] =	ssyncset.done $0x0  }
0xf: {  	s30 =	sadd.s32 s10, s9;
	s10 =	smax.u32 s31, $0x1;
	[sflag:s3] =	ssyncadd.s32 $0xFFFFFFF8  }
0x10: {  	[tilespmem:s7], [sflag:$0x1] =	stream.indirect.gather [hbm4b:s5+s6], $0x80, s2, s6, $0xb8;
	[tilespmem:$0x480] =	vst v63  }
0x11: {  	p0 =	sne.s32 s10, $0x1;
	_ =	swait.ge [sflag:s8], $0x400  }
.Ltmp1:
0x12: {  	[sflag:s8] =	ssyncset.done $0x0;
	(pc) =	sbr.rel @!p0 .LBB2_3-.Ltmp1, $4  }
0x13: {  	s9 =	sadd.s32 $0x4600, s30;
	[sflag:s8] =	ssyncadd.s32 $0xFFFFFC00  }
0x14: {  	[hbm4b:s9+s2] =	stream.linear.scatter [tilespmem:s7], [sflag:$0x2], $0x400, $0x38;
	[tilespmem:$0x480] =	vst v63  }
0x15: {  	_ =	swait.ge [sflag:s3], $0x400  }
0x16: {  	s10 =	sadd.s32 $0xFFFFFFFF, s10;
	[sflag:s3] =	ssyncset.done $0x0  }
.LBB2_2:
0x17: {  	p0 =	sne.s32 s10, $0x1;
	s10 =	sadd.s32 $0xFFFFFFFF, s10;
	[sflag:s3] =	ssyncadd.s32 $0xFFFFFC00  }
0x18: {  	[tilespmem:s2], [sflag:$0x2] =	stream.linear.gather [hbm4b:s4+s2], $0x8, $0x38;
	[tilespmem:$0x480] =	vst v63  }
0x19: {  	_ =	swait.ge [sflag:s3], $0x8  }
0x1a: {  	[sflag:s3] =	ssyncset.done $0x0  }
0x1b: {  	[sflag:s3] =	ssyncadd.s32 $0xFFFFFFF8  }
0x1c: {  	[tilespmem:s7], [sflag:$0x1] =	stream.indirect.gather [hbm4b:s5+s6], $0x80, s2, s6, $0xb8;
	[tilespmem:$0x480] =	vst v63  }
0x1d: {  	_ =	swait.ge [sflag:s8], $0x400  }
.Ltmp2:
0x1e: {  	[sflag:s8] =	ssyncset.done $0x0;
	(pc) =	sbr.rel @p0 .LBB2_2-.Ltmp2, $4  }
0x1f: {  	[sflag:s8] =	ssyncadd.s32 $0xFFFFFC00  }
0x20: {  	[hbm4b:s9+s2] =	stream.linear.scatter [tilespmem:s7], [sflag:$0x2], $0x400, $0x38;
	[tilespmem:$0x480] =	vst v63  }
0x21: {  	_ =	swait.ge [sflag:s3], $0x400  }
0x22: {  	[sflag:s3] =	ssyncset.done $0x0  }
.LBB2_3:
0x23: {  	[sflag:s3] =	ssyncadd.s32 $0xFFFFFC00  }
.LBB2_4:
0x24: {  	_ =	sfence.sel $0x180000  }
0x25: {  	[bflag:$0x0] =	sbarrier.arrive $0xFFFF  }
0x26: {  	p0 =	sne.s32 s1, $0x0;
	_ =	strace $0x90000047  }
0x27: {  	s0 =	sadd.s32 @!p0 $0x100000, s0;
	[bflag:$0x2] =	sbarrier.arrive $0xFFFF  }
0x28: {  	[sflag:s0] =	ssyncadd.tile.s32 @!p0 $0x1;
	_ =	shalt  }
.Lfunc_end2:
_tile_overlayer_lowered:
.L_overlay_start_2:
0x29: {  	(tag) =	ssettag $0x2  }
0x2a: {  	s0 =	rddreg [dreg:$0x0];
	s2 =	stileid.u32  }
0x2b: {  	s1 =	rddreg [dreg:$0x1];
	p0 =	sne.s32 s2, $0x0  }
0x2c: {  	s3 =	rddreg [dreg:$0x2];
	[bflag:$0x3] =	sbarrier.arrive $0xFFFF;
	s2 =	simm.s32 @!p0 $0x1C02  }
0x2d: {  	[timem:s3], [sflag:s2] =	dma.local @!p0 [hbm:s0], s1  }
0x2e: {  	s0 =	simm.s32 @!p0 $0x2  }
0x2f: {  	_ =	swait.ge @!p0 [sflag:s0], s1  }
0x30: {  	s1 =	ssub.s32 @!p0 $0x0, s1;
	[sflag:s0] =	ssyncset.done @!p0 $0x0  }
0x31: {  	[sflag:s0] =	ssyncadd.s32 @!p0 s1  }
0x32: {  	[bflag:$0x3] =	sbarrier.arrive $0xFFFF  }
0x33: {  	_ =	shalt  }

</sc_bundles>
